<compile_context>
chip_gen: v7x
topology: tpu7x:2x2x1
jax: 0.10.2.dev20260603
libtpu: 0.0.44.dev20260713+nightly
codegen_flags: <defaults>
</compile_context>

<pallas_src>
import functools

import jax
import jax.numpy as jnp
from jax import lax
from jax.experimental import pallas as pl
from jax.experimental.pallas import tpu as pltpu
from jax.experimental.pallas import tpu_sc as plsc

N = 10000
NPAD = 10240
D = 256
DH = 128
E = 160000
EPAD = 163840
NC = 2
NS = 16
C = 128
EPT = EPAD // NS
NCH = EPT // C
EPW = EPAD // (NC * NS)
NCHD = EPW // C
RPT = NPAD // NS
BN = 2560
NB = NPAD // BN



def _deg_body(dstd_hbm, deg_hbm, dst_v, ones_v, zrow_v, deg_sh):
    c = lax.axis_index("c")
    s = lax.axis_index("s")
    w = c * NS + s
    pltpu.sync_copy(dstd_hbm.at[w], dst_v)
    for i in range(C // 16):
        ones_v[pl.ds(i * 16, 16)] = jnp.ones((16,), jnp.float32)
    for i in range(RPT // 16):
        zrow_v[pl.ds(i * 16, 16)] = jnp.zeros((16,), jnp.float32)
    pltpu.sync_copy(zrow_v, deg_sh.at[pl.ds(s * RPT, RPT)])
    plsc.subcore_barrier()

    def body(j, carry):
        pltpu.sync_copy(ones_v, deg_sh.at[dst_v.at[j]], add=True)
        return carry

    lax.fori_loop(0, NCHD, body, 0)
    plsc.subcore_barrier()
    pltpu.sync_copy(deg_sh.at[pl.ds(s * RPT, RPT)], deg_hbm.at[c, pl.ds(s * RPT, RPT)])


NISLOT = 4
NG = NCH // 4


def _edge_body(y_hbm, idx_hbm, acc0_hbm, acc1_hbm, idx_i, buf0, buf1, acc_sh,
               *sems):
    isems = sems[:NISLOT]
    gsems = sems[NISLOT:NISLOT + 2]
    ssems = sems[NISLOT + 2:]
    bufs = (buf0, buf1)
    c = lax.axis_index("c")
    s = lax.axis_index("s")

    def idesc(j, u):
        return pltpu.make_async_copy(idx_hbm.at[c, s, j], idx_i.at[u], isems[u])

    def gdesc(j, u, b):
        del j
        return pltpu.make_async_copy(y_hbm.at[idx_i.at[u, 0]], bufs[b], gsems[b])

    def sdesc(j, u, b):
        del j
        return pltpu.make_async_copy(bufs[b], acc_sh.at[idx_i.at[u, 1]], ssems[b])

    for t in range(3):
        idesc(t, t).start()
    pltpu.sync_copy(
        y_hbm.at[pl.ds(c * NPAD + s * RPT, RPT)],
        acc_sh.at[pl.ds(s * RPT, RPT)],
    )
    idesc(0, 0).wait()
    gdesc(0, 0, 0).start()
    plsc.subcore_barrier()

    def body(g, carry):
        for u in range(4):
            j = g * 4 + u
            b = u % 2

            @pl.when(j >= 1)
            def _():
                sdesc(j - 1, (u - 1) % 4, 1 - b).wait()

            @pl.when(j + 1 < NCH)
            def _():
                idesc(j + 1, (u + 1) % 4).wait()
                gdesc(j + 1, (u + 1) % 4, 1 - b).start()

            gdesc(j, u, b).wait()
            sdesc(j, u, b).start(add=True)

            @pl.when(j + 3 < NCH)
            def _():
                idesc(j + 3, (u + 3) % 4).start()
        return carry

    lax.fori_loop(0, NG, body, 0)
    sdesc(NCH - 1, 3, 1).wait()
    plsc.subcore_barrier()

    @pl.when(c == 0)
    def _():
        pltpu.sync_copy(acc_sh.at[pl.ds(s * RPT, RPT)],
                        acc0_hbm.at[pl.ds(s * RPT, RPT)])

    @pl.when(c == 1)
    def _():
        pltpu.sync_copy(acc_sh.at[pl.ds(s * RPT, RPT)],
                        acc1_hbm.at[pl.ds(s * RPT, RPT)])


def _sc_mesh():
    return plsc.VectorSubcoreMesh(core_axis_name="c", subcore_axis_name="s")


def _deg_call(dst_d):
    return pl.kernel(
        _deg_body,
        out_type=jax.ShapeDtypeStruct((NC, NPAD), jnp.float32),
        mesh=_sc_mesh(),
        scratch_types=[
            pltpu.VMEM((NCHD, C), jnp.int32),
            pltpu.VMEM((C,), jnp.float32),
            pltpu.VMEM((RPT,), jnp.float32),
            pltpu.VMEM_SHARED((NPAD,), jnp.float32),
        ],
    )(dst_d)


def _edge_call(y, idx_pair):
    return pl.kernel(
        _edge_body,
        out_type=(jax.ShapeDtypeStruct((NPAD, DH), jnp.float32),
                  jax.ShapeDtypeStruct((NPAD, DH), jnp.float32)),
        mesh=_sc_mesh(),
        scratch_types=[
            pltpu.VMEM((NISLOT, 2, C), jnp.int32),
            pltpu.VMEM((C, DH), jnp.float32),
            pltpu.VMEM((C, DH), jnp.float32),
            pltpu.VMEM_SHARED((NPAD, DH), jnp.float32),
        ] + [pltpu.SemaphoreType.DMA] * (NISLOT + 4),
    )(y, idx_pair)



def _tc_a_body(x_ref, w_ref, degp_ref, dk_ref, y_ref):
    dinv = lax.rsqrt(degp_ref[0, :] + degp_ref[1, :] + 1.0)[:, None]
    xw = jnp.dot(x_ref[...] + dk_ref[0, 0], w_ref[...],
                 preferred_element_type=jnp.float32)
    y = xw * dinv
    y_ref[0] = y[:, :DH]
    y_ref[1] = y[:, DH:]


def _tc_b_body(acc0_ref, acc1_ref, degp_ref, b1_ref, w2_ref, y2_ref):
    dinv = lax.rsqrt(degp_ref[0, :] + degp_ref[1, :] + 1.0)[:, None]
    h0 = jnp.maximum(acc0_ref[...] * dinv + b1_ref[0, :], 0.0)
    h1 = jnp.maximum(acc1_ref[...] * dinv + b1_ref[1, :], 0.0)
    y2 = (jnp.dot(h0, w2_ref[:DH, :], preferred_element_type=jnp.float32)
          + jnp.dot(h1, w2_ref[DH:, :], preferred_element_type=jnp.float32))
    y2 = y2 * dinv
    y2_ref[0] = y2[:, :DH]
    y2_ref[1] = y2[:, DH:]


def _tc_c_body(acc0_ref, acc1_ref, degp_ref, b2_ref, out_ref):
    dinv = lax.rsqrt(degp_ref[0, :] + degp_ref[1, :] + 1.0)[:, None]
    h = jnp.concatenate([acc0_ref[...] * dinv, acc1_ref[...] * dinv], axis=1)
    h = jnp.maximum(h + b2_ref[0, :], 0.0)
    out_ref[...] = jnp.broadcast_to(h[:, None, :], (BN, 4, D))


def _tc_a(x, w1, degp, dk):
    return pl.pallas_call(
        _tc_a_body,
        grid=(NB,),
        in_specs=[
            pl.BlockSpec((BN, D), lambda i: (i, 0)),
            pl.BlockSpec((D, D), lambda i: (0, 0)),
            pl.BlockSpec((NC, BN), lambda i: (0, i)),
            pl.BlockSpec((1, 1), lambda i: (0, 0)),
        ],
        out_specs=pl.BlockSpec((NC, BN, DH), lambda i: (0, i, 0)),
        out_shape=jax.ShapeDtypeStruct((NC, NPAD, DH), jnp.float32),
    )(x, w1, degp, dk)


def _tc_b(acc0, acc1, degp, b1r, w2):
    return pl.pallas_call(
        _tc_b_body,
        grid=(NB,),
        in_specs=[
            pl.BlockSpec((BN, DH), lambda i: (i, 0)),
            pl.BlockSpec((BN, DH), lambda i: (i, 0)),
            pl.BlockSpec((NC, BN), lambda i: (0, i)),
            pl.BlockSpec((2, DH), lambda i: (0, 0)),
            pl.BlockSpec((D, D), lambda i: (0, 0)),
        ],
        out_specs=pl.BlockSpec((NC, BN, DH), lambda i: (0, i, 0)),
        out_shape=jax.ShapeDtypeStruct((NC, NPAD, DH), jnp.float32),
    )(acc0, acc1, degp, b1r, w2)


def _tc_c(acc0, acc1, degp, b2r):
    return pl.pallas_call(
        _tc_c_body,
        grid=(NB,),
        in_specs=[
            pl.BlockSpec((BN, DH), lambda i: (i, 0)),
            pl.BlockSpec((BN, DH), lambda i: (i, 0)),
            pl.BlockSpec((NC, BN), lambda i: (0, i)),
            pl.BlockSpec((1, D), lambda i: (0, 0)),
        ],
        out_specs=pl.BlockSpec((BN, 4, D), lambda i: (i, 0, 0)),
        out_shape=jax.ShapeDtypeStruct((N, 4, D), jnp.float32),
    )(acc0, acc1, degp, b2r)



def kernel(inputs, adj, W1, b1, W2, b2, K):
    src = adj[0].astype(jnp.int32)
    dst = adj[1].astype(jnp.int32)
    pad_idx = N + (jnp.arange(EPAD - E, dtype=jnp.int32) % (NPAD - N))
    src_p = jnp.concatenate([src, pad_idx])
    dst_p = jnp.concatenate([dst, pad_idx])
    srcs = jnp.stack([src_p, src_p + NPAD]).reshape(NC, NS, NCH, C)
    dsts = jnp.broadcast_to(dst_p.reshape(1, NS, NCH, C), (NC, NS, NCH, C))
    idx_pair = jnp.stack([srcs, dsts], axis=3)
    dst_d = dst_p.reshape(NC * NS, NCHD, C)

    dk = (jnp.asarray(K, jnp.float32) - 4.0).reshape(1, 1)
    b1r = b1.reshape(2, DH)
    b2r = b2.reshape(1, D)

    degp = _deg_call(dst_d)
    y1 = _tc_a(inputs, W1, degp, dk).reshape(NC * NPAD, DH)
    acc1a, acc1b = _edge_call(y1, idx_pair)
    y2 = _tc_b(acc1a, acc1b, degp, b1r, W2).reshape(NC * NPAD, DH)
    acc2a, acc2b = _edge_call(y2, idx_pair)
    return _tc_c(acc2a, acc2b, degp, b2r)

# --- scband reference (transcript-rebuilt; emitter-appended) ---
"""Pipeline reference for scband-gcnnmodel-k-61203283968722 (READ-ONLY COPY).

The authoritative reference and input builder live on the scoring server;
editing this copy changes nothing except your own understanding.
"""

import jax, jax.numpy as jnp
import numpy as np

N_NODES = 10000
D_IN = 256
D_HID = 256
N_EDGES = 160000


def _gcn_conv(x, src, dst, W, b, n):
    # PyG GCNConv: add self-loops, symmetric normalization, linear, scatter-add, bias
    loop = jnp.arange(n, dtype=src.dtype)
    src_f = jnp.concatenate([src, loop])
    dst_f = jnp.concatenate([dst, loop])
    deg = jnp.zeros((n,), dtype=x.dtype).at[dst_f].add(1.0)
    dinv = jnp.where(deg > 0, deg ** -0.5, 0.0)
    norm = dinv[src_f] * dinv[dst_f]
    xw = x @ W
    msg = jnp.take(xw, src_f, axis=0) * norm[:, None]
    out = jnp.zeros((n, W.shape[1]), dtype=x.dtype).at[dst_f].add(msg)
    return out + b


def setup_inputs(seed: int = 0) -> dict:
    key = jax.random.key(seed)
    k1, k2, k3, k4, k5 = jax.random.split(key, 5)
    x = jax.random.normal(k1, (N_NODES, D_IN), dtype=jnp.float32)
    adj = jax.random.randint(k2, (2, N_EDGES), 0, N_NODES, dtype=jnp.int64)
    W1 = jax.random.normal(k3, (D_IN, D_HID), dtype=jnp.float32) * 0.05
    b1 = jnp.zeros((D_HID,), dtype=jnp.float32)
    W2 = jax.random.normal(k4, (D_HID, D_HID), dtype=jnp.float32) * 0.05
    b2 = jnp.zeros((D_HID,), dtype=jnp.float32)
    return {"inputs": x, "adj": adj, "W1": W1, "b1": b1, "W2": W2, "b2": b2, "K": 4}


def reference(inputs, adj, W1, b1, W2, b2, K):
    n = inputs.shape[0]
    k_static = 4
    src, dst = adj[0], adj[1]
    # tile: [N, K, d]
    x = jnp.tile(inputs[:, None, :], (1, k_static, 1))
    x = x + jnp.asarray(K - k_static).astype(x.dtype)
    for (W, b) in ((W1, b1), (W2, b2)):
        outs = []
        for i in range(k_static):
            h = _gcn_conv(x[:, i, :], src, dst, W, b, n)
            outs.append(jax.nn.relu(h)[:, None, :])
        x = jnp.concatenate(outs, axis=1)
    return x

if __name__ == "__main__":
    import jax
    _d = setup_inputs()
    print(jax.jit(kernel)(*tuple(_d.values())))

</pallas_src>

<mosaic_0001>
#map = affine_map<(d0, d1) -> (0, 0, 0)>
#map1 = affine_map<(d0, d1) -> (0, 0)>
module attributes {stable_mosaic.version = 14 : i64} {
  func.func @_deg_body(%arg0: i32, %arg1: i32, %arg2: memref<32x40x128xi32, #tpu.memory_space<hbm>>, %arg3: memref<2x10240xf32, #tpu.memory_space<hbm>>, %arg4: memref<40x128xi32, #tpu.memory_space<vmem>>, %arg5: memref<128xf32, #tpu.memory_space<vmem>>, %arg6: memref<640xf32, #tpu.memory_space<vmem>>, %arg7: memref<10240xf32, #tpu.memory_space<vmem_shared>>) attributes {dimension_semantics = [#tpu.dimension_semantics<core_parallel>, #tpu.dimension_semantics<subcore_parallel>], iteration_bounds = array<i64: 2, 16>, scalar_prefetch = 0 : i64, scratch_operands = 4 : i64, tpu.core_type = #tpu.core_type<sc_vector_subcore>, window_params = [{transform_indices = #map}, {transform_indices = #map1}]} {
    %mul3A = arith.constant 16 : i32
    %mul3A_0 = arith.muli %arg0, %mul3A : i32
    %add3A = arith.addi %mul3A_0, %arg1 : i32
    "tpu.region"() ({
      %run_scoped3A = tpu.sem_alloc : memref<!tpu.dma_semaphore, #tpu.memory_space<semaphore_mem>>
      %dma_start3A = arith.constant 0 : i32
      %dma_start3A_299 = arith.constant 0 : i32
      %dma_start3A_300 = tpu.memref_slice %arg2[%add3A, %dma_start3A, %dma_start3A_299] : memref<32x40x128xi32, #tpu.memory_space<hbm>> -> memref<1x40x128xi32, #tpu.memory_space<hbm>>
      %dma_start3A_301 = tpu.memref_squeeze %dma_start3A_300 : memref<1x40x128xi32, #tpu.memory_space<hbm>> -> memref<40x128xi32, #tpu.memory_space<hbm>>
      %dma_start3A_302 = arith.constant 0 : i32
      %dma_start3A_303 = arith.constant 0 : i32
      %dma_start3A_304 = tpu.memref_slice %arg2[%add3A, %dma_start3A_302, %dma_start3A_303] : memref<32x40x128xi32, #tpu.memory_space<hbm>> -> memref<1x40x128xi32, #tpu.memory_space<hbm>>
      %dma_start3A_305 = tpu.memref_squeeze %dma_start3A_304 : memref<1x40x128xi32, #tpu.memory_space<hbm>> -> memref<40x128xi32, #tpu.memory_space<hbm>>
      tpu.enqueue_dma source(%dma_start3A_305 : memref<40x128xi32, #tpu.memory_space<hbm>>) target(%arg4 : memref<40x128xi32, #tpu.memory_space<vmem>>) target_semaphore(%run_scoped3A : memref<!tpu.dma_semaphore, #tpu.memory_space<semaphore_mem>>)
      %dma_wait3A = arith.constant 0 : i32
      %dma_wait3A_306 = arith.constant 0 : i32
      %dma_wait3A_307 = tpu.memref_slice %arg2[%add3A, %dma_wait3A, %dma_wait3A_306] : memref<32x40x128xi32, #tpu.memory_space<hbm>> -> memref<1x40x128xi32, #tpu.memory_space<hbm>>
      %dma_wait3A_308 = tpu.memref_squeeze %dma_wait3A_307 : memref<1x40x128xi32, #tpu.memory_space<hbm>> -> memref<40x128xi32, #tpu.memory_space<hbm>>
      %dma_wait3A_309 = arith.constant 0 : i32
      %dma_wait3A_310 = arith.constant 0 : i32
      %dma_wait3A_311 = tpu.memref_slice %arg2[%add3A, %dma_wait3A_309, %dma_wait3A_310] : memref<32x40x128xi32, #tpu.memory_space<hbm>> -> memref<1x40x128xi32, #tpu.memory_space<hbm>>
      %dma_wait3A_312 = tpu.memref_squeeze %dma_wait3A_311 : memref<1x40x128xi32, #tpu.memory_space<hbm>> -> memref<40x128xi32, #tpu.memory_space<hbm>>
      tpu.wait_dma2 semaphore(%run_scoped3A : memref<!tpu.dma_semaphore, #tpu.memory_space<semaphore_mem>>) src(%dma_wait3A_312 : memref<40x128xi32, #tpu.memory_space<hbm>>) dst(%arg4 : memref<40x128xi32, #tpu.memory_space<vmem>>)
      tpu.yield
    }) : () -> ()
    %broadcast_in_dim3A = arith.constant 1.000000e+00 : f32
    %broadcast_in_dim3A_1 = vector.broadcast %broadcast_in_dim3A : f32 to vector<16xf32>
    %swap3A = arith.constant 0 : index
    %swap3A_2 = tpu.vector_load %arg5[%swap3A] {strides = array<i32>} : memref<128xf32, #tpu.memory_space<vmem>>, vector<16xf32>,
    %swap3A_3 = vector.shape_cast %swap3A_2 : vector<16xf32> to vector<16xf32>
    %swap3A_4 = vector.shape_cast %broadcast_in_dim3A_1 : vector<16xf32> to vector<16xf32>
    tpu.vector_store %arg5[%swap3A], %swap3A_4 {strides = array<i32>} : memref<128xf32, #tpu.memory_space<vmem>>, vector<16xf32>,
    %broadcast_in_dim3A_5 = arith.constant 1.000000e+00 : f32
    %broadcast_in_dim3A_6 = vector.broadcast %broadcast_in_dim3A_5 : f32 to vector<16xf32>
    %swap3A_7 = arith.constant 16 : index
    %swap3A_8 = tpu.vector_load %arg5[%swap3A_7] {strides = array<i32>} : memref<128xf32, #tpu.memory_space<vmem>>, vector<16xf32>,
    %swap3A_9 = vector.shape_cast %swap3A_8 : vector<16xf32> to vector<16xf32>
    %swap3A_10 = vector.shape_cast %broadcast_in_dim3A_6 : vector<16xf32> to vector<16xf32>
    tpu.vector_store %arg5[%swap3A_7], %swap3A_10 {strides = array<i32>} : memref<128xf32, #tpu.memory_space<vmem>>, vector<16xf32>,
    %broadcast_in_dim3A_11 = arith.constant 1.000000e+00 : f32
    %broadcast_in_dim3A_12 = vector.broadcast %broadcast_in_dim3A_11 : f32 to vector<16xf32>
    %swap3A_13 = arith.constant 32 : index
    %swap3A_14 = tpu.vector_load %arg5[%swap3A_13] {strides = array<i32>} : memref<128xf32, #tpu.memory_space<vmem>>, vector<16xf32>,
    %swap3A_15 = vector.shape_cast %swap3A_14 : vector<16xf32> to vector<16xf32>
    %swap3A_16 = vector.shape_cast %broadcast_in_dim3A_12 : vector<16xf32> to vector<16xf32>
    tpu.vector_store %arg5[%swap3A_13], %swap3A_16 {strides = array<i32>} : memref<128xf32, #tpu.memory_space<vmem>>, vector<16xf32>,
    %broadcast_in_dim3A_17 = arith.constant 1.000000e+00 : f32
    %broadcast_in_dim3A_18 = vector.broadcast %broadcast_in_dim3A_17 : f32 to vector<16xf32>
    %swap3A_19 = arith.constant 48 : index
    %swap3A_20 = tpu.vector_load %arg5[%swap3A_19] {strides = array<i32>} : memref<128xf32, #tpu.memory_space<vmem>>, vector<16xf32>,
    %swap3A_21 = vector.shape_cast %swap3A_20 : vector<16xf32> to vector<16xf32>
    %swap3A_22 = vector.shape_cast %broadcast_in_dim3A_18 : vector<16xf32> to vector<16xf32>
    tpu.vector_store %arg5[%swap3A_19], %swap3A_22 {strides = array<i32>} : memref<128xf32, #tpu.memory_space<vmem>>, vector<16xf32>,
    %broadcast_in_dim3A_23 = arith.constant 1.000000e+00 : f32
    %broadcast_in_dim3A_24 = vector.broadcast %broadcast_in_dim3A_23 : f32 to vector<16xf32>
    %swap3A_25 = arith.constant 64 : index
    %swap3A_26 = tpu.vector_load %arg5[%swap3A_25] {strides = array<i32>} : memref<128xf32, #tpu.memory_space<vmem>>, vector<16xf32>,
    %swap3A_27 = vector.shape_cast %swap3A_26 : vector<16xf32> to vector<16xf32>
    %swap3A_28 = vector.shape_cast %broadcast_in_dim3A_24 : vector<16xf32> to vector<16xf32>
    tpu.vector_store %arg5[%swap3A_25], %swap3A_28 {strides = array<i32>} : memref<128xf32, #tpu.memory_space<vmem>>, vector<16xf32>,
    %broadcast_in_dim3A_29 = arith.constant 1.000000e+00 : f32
    %broadcast_in_dim3A_30 = vector.broadcast %broadcast_in_dim3A_29 : f32 to vector<16xf32>
    %swap3A_31 = arith.constant 80 : index
    %swap3A_32 = tpu.vector_load %arg5[%swap3A_31] {strides = array<i32>} : memref<128xf32, #tpu.memory_space<vmem>>, vector<16xf32>,
    %swap3A_33 = vector.shape_cast %swap3A_32 : vector<16xf32> to vector<16xf32>
    %swap3A_34 = vector.shape_cast %broadcast_in_dim3A_30 : vector<16xf32> to vector<16xf32>
    tpu.vector_store %arg5[%swap3A_31], %swap3A_34 {strides = array<i32>} : memref<128xf32, #tpu.memory_space<vmem>>, vector<16xf32>,
    %broadcast_in_dim3A_35 = arith.constant 1.000000e+00 : f32
    %broadcast_in_dim3A_36 = vector.broadcast %broadcast_in_dim3A_35 : f32 to vector<16xf32>
    %swap3A_37 = arith.constant 96 : index
    %swap3A_38 = tpu.vector_load %arg5[%swap3A_37] {strides = array<i32>} : memref<128xf32, #tpu.memory_space<vmem>>, vector<16xf32>,
    %swap3A_39 = vector.shape_cast %swap3A_38 : vector<16xf32> to vector<16xf32>
    %swap3A_40 = vector.shape_cast %broadcast_in_dim3A_36 : vector<16xf32> to vector<16xf32>
    tpu.vector_store %arg5[%swap3A_37], %swap3A_40 {strides = array<i32>} : memref<128xf32, #tpu.memory_space<vmem>>, vector<16xf32>,
    %broadcast_in_dim3A_41 = arith.constant 1.000000e+00 : f32
    %broadcast_in_dim3A_42 = vector.broadcast %broadcast_in_dim3A_41 : f32 to vector<16xf32>
    %swap3A_43 = arith.constant 112 : index
    %swap3A_44 = tpu.vector_load %arg5[%swap3A_43] {strides = array<i32>} : memref<128xf32, #tpu.memory_space<vmem>>, vector<16xf32>,
    %swap3A_45 = vector.shape_cast %swap3A_44 : vector<16xf32> to vector<16xf32>
    %swap3A_46 = vector.shape_cast %broadcast_in_dim3A_42 : vector<16xf32> to vector<16xf32>
    tpu.vector_store %arg5[%swap3A_43], %swap3A_46 {strides = array<i32>} : memref<128xf32, #tpu.memory_space<vmem>>, vector<16xf32>,
    %broadcast_in_dim3A_47 = arith.constant 0.000000e+00 : f32
    %broadcast_in_dim3A_48 = vector.broadcast %broadcast_in_dim3A_47 : f32 to vector<16xf32>
    %swap3A_49 = arith.constant 0 : index
    %swap3A_50 = tpu.vector_load %arg6[%swap3A_49] {strides = array<i32>} : memref<640xf32, #tpu.memory_space<vmem>>, vector<16xf32>,
    %swap3A_51 = vector.shape_cast %swap3A_50 : vector<16xf32> to vector<16xf32>
    %swap3A_52 = vector.shape_cast %broadcast_in_dim3A_48 : vector<16xf32> to vector<16xf32>
    tpu.vector_store %arg6[%swap3A_49], %swap3A_52 {strides = array<i32>} : memref<640xf32, #tpu.memory_space<vmem>>, vector<16xf32>,
    %broadcast_in_dim3A_53 = arith.constant 0.000000e+00 : f32
    %broadcast_in_dim3A_54 = vector.broadcast %broadcast_in_dim3A_53 : f32 to vector<16xf32>
    %swap3A_55 = arith.constant 16 : index
    %swap3A_56 = tpu.vector_load %arg6[%swap3A_55] {strides = array<i32>} : memref<640xf32, #tpu.memory_space<vmem>>, vector<16xf32>,
    %swap3A_57 = vector.shape_cast %swap3A_56 : vector<16xf32> to vector<16xf32>
    %swap3A_58 = vector.shape_cast %broadcast_in_dim3A_54 : vector<16xf32> to vector<16xf32>
    tpu.vector_store %arg6[%swap3A_55], %swap3A_58 {strides = array<i32>} : memref<640xf32, #tpu.memory_space<vmem>>, vector<16xf32>,
    %broadcast_in_dim3A_59 = arith.constant 0.000000e+00 : f32
    %broadcast_in_dim3A_60 = vector.broadcast %broadcast_in_dim3A_59 : f32 to vector<16xf32>
    %swap3A_61 = arith.constant 32 : index
    %swap3A_62 = tpu.vector_load %arg6[%swap3A_61] {strides = array<i32>} : memref<640xf32, #tpu.memory_space<vmem>>, vector<16xf32>,
    %swap3A_63 = vector.shape_cast %swap3A_62 : vector<16xf32> to vector<16xf32>
    %swap3A_64 = vector.shape_cast %broadcast_in_dim3A_60 : vector<16xf32> to vector<16xf32>
    tpu.vector_store %arg6[%swap3A_61], %swap3A_64 {strides = array<i32>} : memref<640xf32, #tpu.memory_space<vmem>>, vector<16xf32>,
    %broadcast_in_dim3A_65 = arith.constant 0.000000e+00 : f32
    %broadcast_in_dim3A_66 = vector.broadcast %broadcast_in_dim3A_65 : f32 to vector<16xf32>
    %swap3A_67 = arith.constant 48 : index
    %swap3A_68 = tpu.vector_load %arg6[%swap3A_67] {strides = array<i32>} : memref<640xf32, #tpu.memory_space<vmem>>, vector<16xf32>,
    %swap3A_69 = vector.shape_cast %swap3A_68 : vector<16xf32> to vector<16xf32>
    %swap3A_70 = vector.shape_cast %broadcast_in_dim3A_66 : vector<16xf32> to vector<16xf32>
    tpu.vector_store %arg6[%swap3A_67], %swap3A_70 {strides = array<i32>} : memref<640xf32, #tpu.memory_space<vmem>>, vector<16xf32>,
    %broadcast_in_dim3A_71 = arith.constant 0.000000e+00 : f32
    %broadcast_in_dim3A_72 = vector.broadcast %broadcast_in_dim3A_71 : f32 to vector<16xf32>
    %swap3A_73 = arith.constant 64 : index
    %swap3A_74 = tpu.vector_load %arg6[%swap3A_73] {strides = array<i32>} : memref<640xf32, #tpu.memory_space<vmem>>, vector<16xf32>,
    %swap3A_75 = vector.shape_cast %swap3A_74 : vector<16xf32> to vector<16xf32>
    %swap3A_76 = vector.shape_cast %broadcast_in_dim3A_72 : vector<16xf32> to vector<16xf32>
    tpu.vector_store %arg6[%swap3A_73], %swap3A_76 {strides = array<i32>} : memref<640xf32, #tpu.memory_space<vmem>>, vector<16xf32>,
    %broadcast_in_dim3A_77 = arith.constant 0.000000e+00 : f32
    %broadcast_in_dim3A_78 = vector.broadcast %broadcast_in_dim3A_77 : f32 to vector<16xf32>
    %swap3A_79 = arith.constant 80 : index
    %swap3A_80 = tpu.vector_load %arg6[%swap3A_79] {strides = array<i32>} : memref<640xf32, #tpu.memory_space<vmem>>, vector<16xf32>,
    %swap3A_81 = vector.shape_cast %swap3A_80 : vector<16xf32> to vector<16xf32>
    %swap3A_82 = vector.shape_cast %broadcast_in_dim3A_78 : vector<16xf32> to vector<16xf32>
    tpu.vector_store %arg6[%swap3A_79], %swap3A_82 {strides = array<i32>} : memref<640xf32, #tpu.memory_space<vmem>>, vector<16xf32>,
    %broadcast_in_dim3A_83 = arith.constant 0.000000e+00 : f32
    %broadcast_in_dim3A_84 = vector.broadcast %broadcast_in_dim3A_83 : f32 to vector<16xf32>
    %swap3A_85 = arith.constant 96 : index
    %swap3A_86 = tpu.vector_load %arg6[%swap3A_85] {strides = array<i32>} : memref<640xf32, #tpu.memory_space<vmem>>, vector<16xf32>,
    %swap3A_87 = vector.shape_cast %swap3A_86 : vector<16xf32> to vector<16xf32>
    %swap3A_88 = vector.shape_cast %broadcast_in_dim3A_84 : vector<16xf32> to vector<16xf32>
    tpu.vector_store %arg6[%swap3A_85], %swap3A_88 {strides = array<i32>} : memref<640xf32, #tpu.memory_space<vmem>>, vector<16xf32>,
    %broadcast_in_dim3A_89 = arith.constant 0.000000e+00 : f32
    %broadcast_in_dim3A_90 = vector.broadcast %broadcast_in_dim3A_89 : f32 to vector<16xf32>
    %swap3A_91 = arith.constant 112 : index
    %swap3A_92 = tpu.vector_load %arg6[%swap3A_91] {strides = array<i32>} : memref<640xf32, #tpu.memory_space<vmem>>, vector<16xf32>,
    %swap3A_93 = vector.shape_cast %swap3A_92 : vector<16xf32> to vector<16xf32>
    %swap3A_94 = vector.shape_cast %broadcast_in_dim3A_90 : vector<16xf32> to vector<16xf32>
    tpu.vector_store %arg6[%swap3A_91], %swap3A_94 {strides = array<i32>} : memref<640xf32, #tpu.memory_space<vmem>>, vector<16xf32>,
    %broadcast_in_dim3A_95 = arith.constant 0.000000e+00 : f32
    %broadcast_in_dim3A_96 = vector.broadcast %broadcast_in_dim3A_95 : f32 to vector<16xf32>
    %swap3A_97 = arith.constant 128 : index
    %swap3A_98 = tpu.vector_load %arg6[%swap3A_97] {strides = array<i32>} : memref<640xf32, #tpu.memory_space<vmem>>, vector<16xf32>,
    %swap3A_99 = vector.shape_cast %swap3A_98 : vector<16xf32> to vector<16xf32>
    %swap3A_100 = vector.shape_cast %broadcast_in_dim3A_96 : vector<16xf32> to vector<16xf32>
    tpu.vector_store %arg6[%swap3A_97], %swap3A_100 {strides = array<i32>} : memref<640xf32, #tpu.memory_space<vmem>>, vector<16xf32>,
    %broadcast_in_dim3A_101 = arith.constant 0.000000e+00 : f32
    %broadcast_in_dim3A_102 = vector.broadcast %broadcast_in_dim3A_101 : f32 to vector<16xf32>
    %swap3A_103 = arith.constant 144 : index
    %swap3A_104 = tpu.vector_load %arg6[%swap3A_103] {strides = array<i32>} : memref<640xf32, #tpu.memory_space<vmem>>, vector<16xf32>,
    %swap3A_105 = vector.shape_cast %swap3A_104 : vector<16xf32> to vector<16xf32>
    %swap3A_106 = vector.shape_cast %broadcast_in_dim3A_102 : vector<16xf32> to vector<16xf32>
    tpu.vector_store %arg6[%swap3A_103], %swap3A_106 {strides = array<i32>} : memref<640xf32, #tpu.memory_space<vmem>>, vector<16xf32>,
    %broadcast_in_dim3A_107 = arith.constant 0.000000e+00 : f32
    %broadcast_in_dim3A_108 = vector.broadcast %broadcast_in_dim3A_107 : f32 to vector<16xf32>
    %swap3A_109 = arith.constant 160 : index
    %swap3A_110 = tpu.vector_load %arg6[%swap3A_109] {strides = array<i32>} : memref<640xf32, #tpu.memory_space<vmem>>, vector<16xf32>,
    %swap3A_111 = vector.shape_cast %swap3A_110 : vector<16xf32> to vector<16xf32>
    %swap3A_112 = vector.shape_cast %broadcast_in_dim3A_108 : vector<16xf32> to vector<16xf32>
    tpu.vector_store %arg6[%swap3A_109], %swap3A_112 {strides = array<i32>} : memref<640xf32, #tpu.memory_space<vmem>>, vector<16xf32>,
    %broadcast_in_dim3A_113 = arith.constant 0.000000e+00 : f32
    %broadcast_in_dim3A_114 = vector.broadcast %broadcast_in_dim3A_113 : f32 to vector<16xf32>
    %swap3A_115 = arith.constant 176 : index
    %swap3A_116 = tpu.vector_load %arg6[%swap3A_115] {strides = array<i32>} : memref<640xf32, #tpu.memory_space<vmem>>, vector<16xf32>,
    %swap3A_117 = vector.shape_cast %swap3A_116 : vector<16xf32> to vector<16xf32>
    %swap3A_118 = vector.shape_cast %broadcast_in_dim3A_114 : vector<16xf32> to vector<16xf32>
    tpu.vector_store %arg6[%swap3A_115], %swap3A_118 {strides = array<i32>} : memref<640xf32, #tpu.memory_space<vmem>>, vector<16xf32>,
    %broadcast_in_dim3A_119 = arith.constant 0.000000e+00 : f32
    %broadcast_in_dim3A_120 = vector.broadcast %broadcast_in_dim3A_119 : f32 to vector<16xf32>
    %swap3A_121 = arith.constant 192 : index
    %swap3A_122 = tpu.vector_load %arg6[%swap3A_121] {strides = array<i32>} : memref<640xf32, #tpu.memory_space<vmem>>, vector<16xf32>,
    %swap3A_123 = vector.shape_cast %swap3A_122 : vector<16xf32> to vector<16xf32>
    %swap3A_124 = vector.shape_cast %broadcast_in_dim3A_120 : vector<16xf32> to vector<16xf32>
    tpu.vector_store %arg6[%swap3A_121], %swap3A_124 {strides = array<i32>} : memref<640xf32, #tpu.memory_space<vmem>>, vector<16xf32>,
    %broadcast_in_dim3A_125 = arith.constant 0.000000e+00 : f32
    %broadcast_in_dim3A_126 = vector.broadcast %broadcast_in_dim3A_125 : f32 to vector<16xf32>
    %swap3A_127 = arith.constant 208 : index
    %swap3A_128 = tpu.vector_load %arg6[%swap3A_127] {strides = array<i32>} : memref<640xf32, #tpu.memory_space<vmem>>, vector<16xf32>,
    %swap3A_129 = vector.shape_cast %swap3A_128 : vector<16xf32> to vector<16xf32>
    %swap3A_130 = vector.shape_cast %broadcast_in_dim3A_126 : vector<16xf32> to vector<16xf32>
    tpu.vector_store %arg6[%swap3A_127], %swap3A_130 {strides = array<i32>} : memref<640xf32, #tpu.memory_space<vmem>>, vector<16xf32>,
    %broadcast_in_dim3A_131 = arith.constant 0.000000e+00 : f32
    %broadcast_in_dim3A_132 = vector.broadcast %broadcast_in_dim3A_131 : f32 to vector<16xf32>
    %swap3A_133 = arith.constant 224 : index
    %swap3A_134 = tpu.vector_load %arg6[%swap3A_133] {strides = array<i32>} : memref<640xf32, #tpu.memory_space<vmem>>, vector<16xf32>,
    %swap3A_135 = vector.shape_cast %swap3A_134 : vector<16xf32> to vector<16xf32>
    %swap3A_136 = vector.shape_cast %broadcast_in_dim3A_132 : vector<16xf32> to vector<16xf32>
    tpu.vector_store %arg6[%swap3A_133], %swap3A_136 {strides = array<i32>} : memref<640xf32, #tpu.memory_space<vmem>>, vector<16xf32>,
    %broadcast_in_dim3A_137 = arith.constant 0.000000e+00 : f32
    %broadcast_in_dim3A_138 = vector.broadcast %broadcast_in_dim3A_137 : f32 to vector<16xf32>
    %swap3A_139 = arith.constant 240 : index
    %swap3A_140 = tpu.vector_load %arg6[%swap3A_139] {strides = array<i32>} : memref<640xf32, #tpu.memory_space<vmem>>, vector<16xf32>,
    %swap3A_141 = vector.shape_cast %swap3A_140 : vector<16xf32> to vector<16xf32>
    %swap3A_142 = vector.shape_cast %broadcast_in_dim3A_138 : vector<16xf32> to vector<16xf32>
    tpu.vector_store %arg6[%swap3A_139], %swap3A_142 {strides = array<i32>} : memref<640xf32, #tpu.memory_space<vmem>>, vector<16xf32>,
    %broadcast_in_dim3A_143 = arith.constant 0.000000e+00 : f32
    %broadcast_in_dim3A_144 = vector.broadcast %broadcast_in_dim3A_143 : f32 to vector<16xf32>
    %swap3A_145 = arith.constant 256 : index
    %swap3A_146 = tpu.vector_load %arg6[%swap3A_145] {strides = array<i32>} : memref<640xf32, #tpu.memory_space<vmem>>, vector<16xf32>,
    %swap3A_147 = vector.shape_cast %swap3A_146 : vector<16xf32> to vector<16xf32>
    %swap3A_148 = vector.shape_cast %broadcast_in_dim3A_144 : vector<16xf32> to vector<16xf32>
    tpu.vector_store %arg6[%swap3A_145], %swap3A_148 {strides = array<i32>} : memref<640xf32, #tpu.memory_space<vmem>>, vector<16xf32>,
    %broadcast_in_dim3A_149 = arith.constant 0.000000e+00 : f32
    %broadcast_in_dim3A_150 = vector.broadcast %broadcast_in_dim3A_149 : f32 to vector<16xf32>
    %swap3A_151 = arith.constant 272 : index
    %swap3A_152 = tpu.vector_load %arg6[%swap3A_151] {strides = array<i32>} : memref<640xf32, #tpu.memory_space<vmem>>, vector<16xf32>,
    %swap3A_153 = vector.shape_cast %swap3A_152 : vector<16xf32> to vector<16xf32>
    %swap3A_154 = vector.shape_cast %broadcast_in_dim3A_150 : vector<16xf32> to vector<16xf32>
    tpu.vector_store %arg6[%swap3A_151], %swap3A_154 {strides = array<i32>} : memref<640xf32, #tpu.memory_space<vmem>>, vector<16xf32>,
    %broadcast_in_dim3A_155 = arith.constant 0.000000e+00 : f32
    %broadcast_in_dim3A_156 = vector.broadcast %broadcast_in_dim3A_155 : f32 to vector<16xf32>
    %swap3A_157 = arith.constant 288 : index
    %swap3A_158 = tpu.vector_load %arg6[%swap3A_157] {strides = array<i32>} : memref<640xf32, #tpu.memory_space<vmem>>, vector<16xf32>,
    %swap3A_159 = vector.shape_cast %swap3A_158 : vector<16xf32> to vector<16xf32>
    %swap3A_160 = vector.shape_cast %broadcast_in_dim3A_156 : vector<16xf32> to vector<16xf32>
    tpu.vector_store %arg6[%swap3A_157], %swap3A_160 {strides = array<i32>} : memref<640xf32, #tpu.memory_space<vmem>>, vector<16xf32>,
    %broadcast_in_dim3A_161 = arith.constant 0.000000e+00 : f32
    %broadcast_in_dim3A_162 = vector.broadcast %broadcast_in_dim3A_161 : f32 to vector<16xf32>
    %swap3A_163 = arith.constant 304 : index
    %swap3A_164 = tpu.vector_load %arg6[%swap3A_163] {strides = array<i32>} : memref<640xf32, #tpu.memory_space<vmem>>, vector<16xf32>,
    %swap3A_165 = vector.shape_cast %swap3A_164 : vector<16xf32> to vector<16xf32>
    %swap3A_166 = vector.shape_cast %broadcast_in_dim3A_162 : vector<16xf32> to vector<16xf32>
    tpu.vector_store %arg6[%swap3A_163], %swap3A_166 {strides = array<i32>} : memref<640xf32, #tpu.memory_space<vmem>>, vector<16xf32>,
    %broadcast_in_dim3A_167 = arith.constant 0.000000e+00 : f32
    %broadcast_in_dim3A_168 = vector.broadcast %broadcast_in_dim3A_167 : f32 to vector<16xf32>
    %swap3A_169 = arith.constant 320 : index
    %swap3A_170 = tpu.vector_load %arg6[%swap3A_169] {strides = array<i32>} : memref<640xf32, #tpu.memory_space<vmem>>, vector<16xf32>,
    %swap3A_171 = vector.shape_cast %swap3A_170 : vector<16xf32> to vector<16xf32>
    %swap3A_172 = vector.shape_cast %broadcast_in_dim3A_168 : vector<16xf32> to vector<16xf32>
    tpu.vector_store %arg6[%swap3A_169], %swap3A_172 {strides = array<i32>} : memref<640xf32, #tpu.memory_space<vmem>>, vector<16xf32>,
    %broadcast_in_dim3A_173 = arith.constant 0.000000e+00 : f32
    %broadcast_in_dim3A_174 = vector.broadcast %broadcast_in_dim3A_173 : f32 to vector<16xf32>
    %swap3A_175 = arith.constant 336 : index
    %swap3A_176 = tpu.vector_load %arg6[%swap3A_175] {strides = array<i32>} : memref<640xf32, #tpu.memory_space<vmem>>, vector<16xf32>,
    %swap3A_177 = vector.shape_cast %swap3A_176 : vector<16xf32> to vector<16xf32>
    %swap3A_178 = vector.shape_cast %broadcast_in_dim3A_174 : vector<16xf32> to vector<16xf32>
    tpu.vector_store %arg6[%swap3A_175], %swap3A_178 {strides = array<i32>} : memref<640xf32, #tpu.memory_space<vmem>>, vector<16xf32>,
    %broadcast_in_dim3A_179 = arith.constant 0.000000e+00 : f32
    %broadcast_in_dim3A_180 = vector.broadcast %broadcast_in_dim3A_179 : f32 to vector<16xf32>
    %swap3A_181 = arith.constant 352 : index
    %swap3A_182 = tpu.vector_load %arg6[%swap3A_181] {strides = array<i32>} : memref<640xf32, #tpu.memory_space<vmem>>, vector<16xf32>,
    %swap3A_183 = vector.shape_cast %swap3A_182 : vector<16xf32> to vector<16xf32>
    %swap3A_184 = vector.shape_cast %broadcast_in_dim3A_180 : vector<16xf32> to vector<16xf32>
    tpu.vector_store %arg6[%swap3A_181], %swap3A_184 {strides = array<i32>} : memref<640xf32, #tpu.memory_space<vmem>>, vector<16xf32>,
    %broadcast_in_dim3A_185 = arith.constant 0.000000e+00 : f32
    %broadcast_in_dim3A_186 = vector.broadcast %broadcast_in_dim3A_185 : f32 to vector<16xf32>
    %swap3A_187 = arith.constant 368 : index
    %swap3A_188 = tpu.vector_load %arg6[%swap3A_187] {strides = array<i32>} : memref<640xf32, #tpu.memory_space<vmem>>, vector<16xf32>,
    %swap3A_189 = vector.shape_cast %swap3A_188 : vector<16xf32> to vector<16xf32>
    %swap3A_190 = vector.shape_cast %broadcast_in_dim3A_186 : vector<16xf32> to vector<16xf32>
    tpu.vector_store %arg6[%swap3A_187], %swap3A_190 {strides = array<i32>} : memref<640xf32, #tpu.memory_space<vmem>>, vector<16xf32>,
    %broadcast_in_dim3A_191 = arith.constant 0.000000e+00 : f32
    %broadcast_in_dim3A_192 = vector.broadcast %broadcast_in_dim3A_191 : f32 to vector<16xf32>
    %swap3A_193 = arith.constant 384 : index
    %swap3A_194 = tpu.vector_load %arg6[%swap3A_193] {strides = array<i32>} : memref<640xf32, #tpu.memory_space<vmem>>, vector<16xf32>,
    %swap3A_195 = vector.shape_cast %swap3A_194 : vector<16xf32> to vector<16xf32>
    %swap3A_196 = vector.shape_cast %broadcast_in_dim3A_192 : vector<16xf32> to vector<16xf32>
    tpu.vector_store %arg6[%swap3A_193], %swap3A_196 {strides = array<i32>} : memref<640xf32, #tpu.memory_space<vmem>>, vector<16xf32>,
    %broadcast_in_dim3A_197 = arith.constant 0.000000e+00 : f32
    %broadcast_in_dim3A_198 = vector.broadcast %broadcast_in_dim3A_197 : f32 to vector<16xf32>
    %swap3A_199 = arith.constant 400 : index
    %swap3A_200 = tpu.vector_load %arg6[%swap3A_199] {strides = array<i32>} : memref<640xf32, #tpu.memory_space<vmem>>, vector<16xf32>,
    %swap3A_201 = vector.shape_cast %swap3A_200 : vector<16xf32> to vector<16xf32>
    %swap3A_202 = vector.shape_cast %broadcast_in_dim3A_198 : vector<16xf32> to vector<16xf32>
    tpu.vector_store %arg6[%swap3A_199], %swap3A_202 {strides = array<i32>} : memref<640xf32, #tpu.memory_space<vmem>>, vector<16xf32>,
    %broadcast_in_dim3A_203 = arith.constant 0.000000e+00 : f32
    %broadcast_in_dim3A_204 = vector.broadcast %broadcast_in_dim3A_203 : f32 to vector<16xf32>
    %swap3A_205 = arith.constant 416 : index
    %swap3A_206 = tpu.vector_load %arg6[%swap3A_205] {strides = array<i32>} : memref<640xf32, #tpu.memory_space<vmem>>, vector<16xf32>,
    %swap3A_207 = vector.shape_cast %swap3A_206 : vector<16xf32> to vector<16xf32>
    %swap3A_208 = vector.shape_cast %broadcast_in_dim3A_204 : vector<16xf32> to vector<16xf32>
    tpu.vector_store %arg6[%swap3A_205], %swap3A_208 {strides = array<i32>} : memref<640xf32, #tpu.memory_space<vmem>>, vector<16xf32>,
    %broadcast_in_dim3A_209 = arith.constant 0.000000e+00 : f32
    %broadcast_in_dim3A_210 = vector.broadcast %broadcast_in_dim3A_209 : f32 to vector<16xf32>
    %swap3A_211 = arith.constant 432 : index
    %swap3A_212 = tpu.vector_load %arg6[%swap3A_211] {strides = array<i32>} : memref<640xf32, #tpu.memory_space<vmem>>, vector<16xf32>,
    %swap3A_213 = vector.shape_cast %swap3A_212 : vector<16xf32> to vector<16xf32>
    %swap3A_214 = vector.shape_cast %broadcast_in_dim3A_210 : vector<16xf32> to vector<16xf32>
    tpu.vector_store %arg6[%swap3A_211], %swap3A_214 {strides = array<i32>} : memref<640xf32, #tpu.memory_space<vmem>>, vector<16xf32>,
    %broadcast_in_dim3A_215 = arith.constant 0.000000e+00 : f32
    %broadcast_in_dim3A_216 = vector.broadcast %broadcast_in_dim3A_215 : f32 to vector<16xf32>
    %swap3A_217 = arith.constant 448 : index
    %swap3A_218 = tpu.vector_load %arg6[%swap3A_217] {strides = array<i32>} : memref<640xf32, #tpu.memory_space<vmem>>, vector<16xf32>,
    %swap3A_219 = vector.shape_cast %swap3A_218 : vector<16xf32> to vector<16xf32>
    %swap3A_220 = vector.shape_cast %broadcast_in_dim3A_216 : vector<16xf32> to vector<16xf32>
    tpu.vector_store %arg6[%swap3A_217], %swap3A_220 {strides = array<i32>} : memref<640xf32, #tpu.memory_space<vmem>>, vector<16xf32>,
    %broadcast_in_dim3A_221 = arith.constant 0.000000e+00 : f32
    %broadcast_in_dim3A_222 = vector.broadcast %broadcast_in_dim3A_221 : f32 to vector<16xf32>
    %swap3A_223 = arith.constant 464 : index
    %swap3A_224 = tpu.vector_load %arg6[%swap3A_223] {strides = array<i32>} : memref<640xf32, #tpu.memory_space<vmem>>, vector<16xf32>,
    %swap3A_225 = vector.shape_cast %swap3A_224 : vector<16xf32> to vector<16xf32>
    %swap3A_226 = vector.shape_cast %broadcast_in_dim3A_222 : vector<16xf32> to vector<16xf32>
    tpu.vector_store %arg6[%swap3A_223], %swap3A_226 {strides = array<i32>} : memref<640xf32, #tpu.memory_space<vmem>>, vector<16xf32>,
    %broadcast_in_dim3A_227 = arith.constant 0.000000e+00 : f32
    %broadcast_in_dim3A_228 = vector.broadcast %broadcast_in_dim3A_227 : f32 to vector<16xf32>
    %swap3A_229 = arith.constant 480 : index
    %swap3A_230 = tpu.vector_load %arg6[%swap3A_229] {strides = array<i32>} : memref<640xf32, #tpu.memory_space<vmem>>, vector<16xf32>,
    %swap3A_231 = vector.shape_cast %swap3A_230 : vector<16xf32> to vector<16xf32>
    %swap3A_232 = vector.shape_cast %broadcast_in_dim3A_228 : vector<16xf32> to vector<16xf32>
    tpu.vector_store %arg6[%swap3A_229], %swap3A_232 {strides = array<i32>} : memref<640xf32, #tpu.memory_space<vmem>>, vector<16xf32>,
    %broadcast_in_dim3A_233 = arith.constant 0.000000e+00 : f32
    %broadcast_in_dim3A_234 = vector.broadcast %broadcast_in_dim3A_233 : f32 to vector<16xf32>
    %swap3A_235 = arith.constant 496 : index
    %swap3A_236 = tpu.vector_load %arg6[%swap3A_235] {strides = array<i32>} : memref<640xf32, #tpu.memory_space<vmem>>, vector<16xf32>,
    %swap3A_237 = vector.shape_cast %swap3A_236 : vector<16xf32> to vector<16xf32>
    %swap3A_238 = vector.shape_cast %broadcast_in_dim3A_234 : vector<16xf32> to vector<16xf32>
    tpu.vector_store %arg6[%swap3A_235], %swap3A_238 {strides = array<i32>} : memref<640xf32, #tpu.memory_space<vmem>>, vector<16xf32>,
    %broadcast_in_dim3A_239 = arith.constant 0.000000e+00 : f32
    %broadcast_in_dim3A_240 = vector.broadcast %broadcast_in_dim3A_239 : f32 to vector<16xf32>
    %swap3A_241 = arith.constant 512 : index
    %swap3A_242 = tpu.vector_load %arg6[%swap3A_241] {strides = array<i32>} : memref<640xf32, #tpu.memory_space<vmem>>, vector<16xf32>,
    %swap3A_243 = vector.shape_cast %swap3A_242 : vector<16xf32> to vector<16xf32>
    %swap3A_244 = vector.shape_cast %broadcast_in_dim3A_240 : vector<16xf32> to vector<16xf32>
    tpu.vector_store %arg6[%swap3A_241], %swap3A_244 {strides = array<i32>} : memref<640xf32, #tpu.memory_space<vmem>>, vector<16xf32>,
    %broadcast_in_dim3A_245 = arith.constant 0.000000e+00 : f32
    %broadcast_in_dim3A_246 = vector.broadcast %broadcast_in_dim3A_245 : f32 to vector<16xf32>
    %swap3A_247 = arith.constant 528 : index
    %swap3A_248 = tpu.vector_load %arg6[%swap3A_247] {strides = array<i32>} : memref<640xf32, #tpu.memory_space<vmem>>, vector<16xf32>,
    %swap3A_249 = vector.shape_cast %swap3A_248 : vector<16xf32> to vector<16xf32>
    %swap3A_250 = vector.shape_cast %broadcast_in_dim3A_246 : vector<16xf32> to vector<16xf32>
    tpu.vector_store %arg6[%swap3A_247], %swap3A_250 {strides = array<i32>} : memref<640xf32, #tpu.memory_space<vmem>>, vector<16xf32>,
    %broadcast_in_dim3A_251 = arith.constant 0.000000e+00 : f32
    %broadcast_in_dim3A_252 = vector.broadcast %broadcast_in_dim3A_251 : f32 to vector<16xf32>
    %swap3A_253 = arith.constant 544 : index
    %swap3A_254 = tpu.vector_load %arg6[%swap3A_253] {strides = array<i32>} : memref<640xf32, #tpu.memory_space<vmem>>, vector<16xf32>,
    %swap3A_255 = vector.shape_cast %swap3A_254 : vector<16xf32> to vector<16xf32>
    %swap3A_256 = vector.shape_cast %broadcast_in_dim3A_252 : vector<16xf32> to vector<16xf32>
    tpu.vector_store %arg6[%swap3A_253], %swap3A_256 {strides = array<i32>} : memref<640xf32, #tpu.memory_space<vmem>>, vector<16xf32>,
    %broadcast_in_dim3A_257 = arith.constant 0.000000e+00 : f32
    %broadcast_in_dim3A_258 = vector.broadcast %broadcast_in_dim3A_257 : f32 to vector<16xf32>
    %swap3A_259 = arith.constant 560 : index
    %swap3A_260 = tpu.vector_load %arg6[%swap3A_259] {strides = array<i32>} : memref<640xf32, #tpu.memory_space<vmem>>, vector<16xf32>,
    %swap3A_261 = vector.shape_cast %swap3A_260 : vector<16xf32> to vector<16xf32>
    %swap3A_262 = vector.shape_cast %broadcast_in_dim3A_258 : vector<16xf32> to vector<16xf32>
    tpu.vector_store %arg6[%swap3A_259], %swap3A_262 {strides = array<i32>} : memref<640xf32, #tpu.memory_space<vmem>>, vector<16xf32>,
    %broadcast_in_dim3A_263 = arith.constant 0.000000e+00 : f32
    %broadcast_in_dim3A_264 = vector.broadcast %broadcast_in_dim3A_263 : f32 to vector<16xf32>
    %swap3A_265 = arith.constant 576 : index
    %swap3A_266 = tpu.vector_load %arg6[%swap3A_265] {strides = array<i32>} : memref<640xf32, #tpu.memory_space<vmem>>, vector<16xf32>,
    %swap3A_267 = vector.shape_cast %swap3A_266 : vector<16xf32> to vector<16xf32>
    %swap3A_268 = vector.shape_cast %broadcast_in_dim3A_264 : vector<16xf32> to vector<16xf32>
    tpu.vector_store %arg6[%swap3A_265], %swap3A_268 {strides = array<i32>} : memref<640xf32, #tpu.memory_space<vmem>>, vector<16xf32>,
    %broadcast_in_dim3A_269 = arith.constant 0.000000e+00 : f32
    %broadcast_in_dim3A_270 = vector.broadcast %broadcast_in_dim3A_269 : f32 to vector<16xf32>
    %swap3A_271 = arith.constant 592 : index
    %swap3A_272 = tpu.vector_load %arg6[%swap3A_271] {strides = array<i32>} : memref<640xf32, #tpu.memory_space<vmem>>, vector<16xf32>,
    %swap3A_273 = vector.shape_cast %swap3A_272 : vector<16xf32> to vector<16xf32>
    %swap3A_274 = vector.shape_cast %broadcast_in_dim3A_270 : vector<16xf32> to vector<16xf32>
    tpu.vector_store %arg6[%swap3A_271], %swap3A_274 {strides = array<i32>} : memref<640xf32, #tpu.memory_space<vmem>>, vector<16xf32>,
    %broadcast_in_dim3A_275 = arith.constant 0.000000e+00 : f32
    %broadcast_in_dim3A_276 = vector.broadcast %broadcast_in_dim3A_275 : f32 to vector<16xf32>
    %swap3A_277 = arith.constant 608 : index
    %swap3A_278 = tpu.vector_load %arg6[%swap3A_277] {strides = array<i32>} : memref<640xf32, #tpu.memory_space<vmem>>, vector<16xf32>,
    %swap3A_279 = vector.shape_cast %swap3A_278 : vector<16xf32> to vector<16xf32>
    %swap3A_280 = vector.shape_cast %broadcast_in_dim3A_276 : vector<16xf32> to vector<16xf32>
    tpu.vector_store %arg6[%swap3A_277], %swap3A_280 {strides = array<i32>} : memref<640xf32, #tpu.memory_space<vmem>>, vector<16xf32>,
    %broadcast_in_dim3A_281 = arith.constant 0.000000e+00 : f32
    %broadcast_in_dim3A_282 = vector.broadcast %broadcast_in_dim3A_281 : f32 to vector<16xf32>
    %swap3A_283 = arith.constant 624 : index
    %swap3A_284 = tpu.vector_load %arg6[%swap3A_283] {strides = array<i32>} : memref<640xf32, #tpu.memory_space<vmem>>, vector<16xf32>,
    %swap3A_285 = vector.shape_cast %swap3A_284 : vector<16xf32> to vector<16xf32>
    %swap3A_286 = vector.shape_cast %broadcast_in_dim3A_282 : vector<16xf32> to vector<16xf32>
    tpu.vector_store %arg6[%swap3A_283], %swap3A_286 {strides = array<i32>} : memref<640xf32, #tpu.memory_space<vmem>>, vector<16xf32>,
    %mul3A_287 = arith.constant 640 : i32
    %mul3A_288 = arith.muli %arg1, %mul3A_287 : i32
    "tpu.region"() ({
      %run_scoped3A = tpu.sem_alloc : memref<!tpu.dma_semaphore, #tpu.memory_space<semaphore_mem>>
      %dma_start3A = tpu.memref_slice %arg7[%mul3A_288] : memref<10240xf32, #tpu.memory_space<vmem_shared>> -> memref<640xf32, #tpu.memory_space<vmem_shared>>
      %dma_start3A_299 = tpu.memref_slice %arg7[%mul3A_288] : memref<10240xf32, #tpu.memory_space<vmem_shared>> -> memref<640xf32, #tpu.memory_space<vmem_shared>>
      tpu.enqueue_dma source(%arg6 : memref<640xf32, #tpu.memory_space<vmem>>) target(%dma_start3A_299 : memref<640xf32, #tpu.memory_space<vmem_shared>>) target_semaphore(%run_scoped3A : memref<!tpu.dma_semaphore, #tpu.memory_space<semaphore_mem>>)
      %dma_wait3A = tpu.memref_slice %arg7[%mul3A_288] : memref<10240xf32, #tpu.memory_space<vmem_shared>> -> memref<640xf32, #tpu.memory_space<vmem_shared>>
      %dma_wait3A_300 = tpu.memref_slice %arg7[%mul3A_288] : memref<10240xf32, #tpu.memory_space<vmem_shared>> -> memref<640xf32, #tpu.memory_space<vmem_shared>>
      tpu.wait_dma2 semaphore(%run_scoped3A : memref<!tpu.dma_semaphore, #tpu.memory_space<semaphore_mem>>) src(%arg6 : memref<640xf32, #tpu.memory_space<vmem>>) dst(%dma_wait3A_300 : memref<640xf32, #tpu.memory_space<vmem_shared>>)
      tpu.yield
    }) : () -> ()
    %barrier3A = arith.constant 0 : index
    tpu.barrier barrier_id(%barrier3A)
    %scan3A = arith.constant 0 : i32
    %scan3A_289 = arith.constant 0 : i32
    %scan3A_290 = arith.constant 40 : i32
    %scan3A_291 = arith.addi %scan3A_289, %scan3A_290 : i32
    %scan3A_292 = arith.constant 1 : i32
    scf.for %scan3A_299 = %scan3A_289 to %scan3A_291 step %scan3A_292  : i32 {
      "tpu.region"() ({
        %run_scoped3A = tpu.sem_alloc : memref<!tpu.dma_semaphore, #tpu.memory_space<semaphore_mem>>
        %dma_start3A = arith.constant 0 : i32
        %dma_start3A_300 = tpu.memref_slice %arg4[%scan3A_299, %dma_start3A] : memref<40x128xi32, #tpu.memory_space<vmem>> -> memref<1x128xi32, #tpu.memory_space<vmem>>
        %dma_start3A_301 = tpu.memref_squeeze %dma_start3A_300 : memref<1x128xi32, #tpu.memory_space<vmem>> -> memref<128xi32, #tpu.memory_space<vmem>>
        %dma_start3A_302 = arith.constant 0 : i32
        %dma_start3A_303 = tpu.memref_slice %arg7[%dma_start3A_302] : memref<10240xf32, #tpu.memory_space<vmem_shared>> -> memref<10240xf32, #tpu.memory_space<vmem_shared>>
        tpu.enqueue_indirect_dma source(%arg5 : memref<128xf32, #tpu.memory_space<vmem>>) target(%dma_start3A_303 : memref<10240xf32, #tpu.memory_space<vmem_shared>>) offsets(%dma_start3A_301 : memref<128xi32, #tpu.memory_space<vmem>>) semaphore(%run_scoped3A : memref<!tpu.dma_semaphore, #tpu.memory_space<semaphore_mem>>) {add = true}
        %dma_wait3A = arith.constant 0 : i32
        %dma_wait3A_304 = tpu.memref_slice %arg4[%scan3A_299, %dma_wait3A] : memref<40x128xi32, #tpu.memory_space<vmem>> -> memref<1x128xi32, #tpu.memory_space<vmem>>
        %dma_wait3A_305 = tpu.memref_squeeze %dma_wait3A_304 : memref<1x128xi32, #tpu.memory_space<vmem>> -> memref<128xi32, #tpu.memory_space<vmem>>
        %dma_wait3A_306 = arith.constant 0 : i32
        %dma_wait3A_307 = tpu.memref_slice %arg7[%dma_wait3A_306] : memref<10240xf32, #tpu.memory_space<vmem_shared>> -> memref<10240xf32, #tpu.memory_space<vmem_shared>>
        tpu.wait_indirect_dma semaphore(%run_scoped3A : memref<!tpu.dma_semaphore, #tpu.memory_space<semaphore_mem>>) src(%arg5 : memref<128xf32, #tpu.memory_space<vmem>>) dst(%dma_wait3A_307 : memref<10240xf32, #tpu.memory_space<vmem_shared>>)
        tpu.yield
      }) : () -> ()
    }
    %scan3A_293 = arith.constant 40 : i32
    %barrier3A_294 = arith.constant 0 : index
    tpu.barrier barrier_id(%barrier3A_294)
    %mul3A_295 = arith.constant 640 : i32
    %mul3A_296 = arith.muli %arg1, %mul3A_295 : i32
    %mul3A_297 = arith.constant 640 : i32
    %mul3A_298 = arith.muli %arg1, %mul3A_297 : i32
    "tpu.region"() ({
      %run_scoped3A = tpu.sem_alloc : memref<!tpu.dma_semaphore, #tpu.memory_space<semaphore_mem>>
      %dma_start3A = tpu.memref_slice %arg3[%arg0, %mul3A_298] : memref<2x10240xf32, #tpu.memory_space<hbm>> -> memref<1x640xf32, #tpu.memory_space<hbm>>
      %dma_start3A_299 = tpu.memref_squeeze %dma_start3A : memref<1x640xf32, #tpu.memory_space<hbm>> -> memref<640xf32, #tpu.memory_space<hbm>>
      %dma_start3A_300 = tpu.memref_slice %arg7[%mul3A_296] : memref<10240xf32, #tpu.memory_space<vmem_shared>> -> memref<640xf32, #tpu.memory_space<vmem_shared>>
      tpu.enqueue_dma source(%dma_start3A_300 : memref<640xf32, #tpu.memory_space<vmem_shared>>) target(%dma_start3A_299 : memref<640xf32, #tpu.memory_space<hbm>>) target_semaphore(%run_scoped3A : memref<!tpu.dma_semaphore, #tpu.memory_space<semaphore_mem>>)
      %dma_wait3A = tpu.memref_slice %arg3[%arg0, %mul3A_298] : memref<2x10240xf32, #tpu.memory_space<hbm>> -> memref<1x640xf32, #tpu.memory_space<hbm>>
      %dma_wait3A_301 = tpu.memref_squeeze %dma_wait3A : memref<1x640xf32, #tpu.memory_space<hbm>> -> memref<640xf32, #tpu.memory_space<hbm>>
      %dma_wait3A_302 = tpu.memref_slice %arg7[%mul3A_296] : memref<10240xf32, #tpu.memory_space<vmem_shared>> -> memref<640xf32, #tpu.memory_space<vmem_shared>>
      tpu.wait_dma2 semaphore(%run_scoped3A : memref<!tpu.dma_semaphore, #tpu.memory_space<semaphore_mem>>) src(%dma_wait3A_302 : memref<640xf32, #tpu.memory_space<vmem_shared>>) dst(%dma_wait3A_301 : memref<640xf32, #tpu.memory_space<hbm>>)
      tpu.yield
    }) : () -> ()
    return
  }
}

#map = affine_map<(d0, d1) -> (0, 0)>
#map1 = affine_map<(d0, d1) -> (0, 0, 0, 0, 0)>
module attributes {stable_mosaic.version = 14 : i64} {
  func.func @_edge_body(%arg0: i32, %arg1: i32, %arg2: memref<20480x128xf32, #tpu.memory_space<hbm>>, %arg3: memref<2x16x80x2x128xi32, #tpu.memory_space<hbm>>, %arg4: memref<10240x128xf32, #tpu.memory_space<hbm>>, %arg5: memref<10240x128xf32, #tpu.memory_space<hbm>>, %arg6: memref<4x2x128xi32, #tpu.memory_space<vmem>>, %arg7: memref<128x128xf32, #tpu.memory_space<vmem>>, %arg8: memref<128x128xf32, #tpu.memory_space<vmem>>, %arg9: memref<10240x128xf32, #tpu.memory_space<vmem_shared>>, %arg10: memref<!tpu.dma_semaphore, #tpu.memory_space<semaphore_mem>>, %arg11: memref<!tpu.dma_semaphore, #tpu.memory_space<semaphore_mem>>, %arg12: memref<!tpu.dma_semaphore, #tpu.memory_space<semaphore_mem>>, %arg13: memref<!tpu.dma_semaphore, #tpu.memory_space<semaphore_mem>>, %arg14: memref<!tpu.dma_semaphore, #tpu.memory_space<semaphore_mem>>, %arg15: memref<!tpu.dma_semaphore, #tpu.memory_space<semaphore_mem>>, %arg16: memref<!tpu.dma_semaphore, #tpu.memory_space<semaphore_mem>>, %arg17: memref<!tpu.dma_semaphore, #tpu.memory_space<semaphore_mem>>) attributes {dimension_semantics = [#tpu.dimension_semantics<core_parallel>, #tpu.dimension_semantics<subcore_parallel>], iteration_bounds = array<i64: 2, 16>, scalar_prefetch = 0 : i64, scratch_operands = 12 : i64, tpu.core_type = #tpu.core_type<sc_vector_subcore>, window_params = [{transform_indices = #map}, {transform_indices = #map1}, {transform_indices = #map}, {transform_indices = #map}]} {
    %dma_start3A = arith.constant 0 : i32
    %dma_start3A_0 = arith.constant 0 : i32
    %dma_start3A_1 = arith.constant 0 : i32
    %dma_start3A_2 = arith.constant 0 : i32
    %dma_start3A_3 = tpu.memref_slice %arg6[%dma_start3A_0, %dma_start3A_1, %dma_start3A_2] : memref<4x2x128xi32, #tpu.memory_space<vmem>> -> memref<1x2x128xi32, #tpu.memory_space<vmem>>
    %dma_start3A_4 = tpu.memref_squeeze %dma_start3A_3 : memref<1x2x128xi32, #tpu.memory_space<vmem>> -> memref<2x128xi32, #tpu.memory_space<vmem>>
    %dma_start3A_5 = arith.constant 0 : i32
    %dma_start3A_6 = arith.constant 0 : i32
    %dma_start3A_7 = tpu.memref_slice %arg3[%arg0, %arg1, %dma_start3A, %dma_start3A_5, %dma_start3A_6] : memref<2x16x80x2x128xi32, #tpu.memory_space<hbm>> -> memref<1x1x1x2x128xi32, #tpu.memory_space<hbm>>
    %dma_start3A_8 = tpu.memref_squeeze %dma_start3A_7 : memref<1x1x1x2x128xi32, #tpu.memory_space<hbm>> -> memref<2x128xi32, #tpu.memory_space<hbm>>
    %dma_start3A_9 = arith.constant 0 : i32
    %dma_start3A_10 = arith.constant 0 : i32
    %dma_start3A_11 = tpu.memref_slice %arg6[%dma_start3A_0, %dma_start3A_9, %dma_start3A_10] : memref<4x2x128xi32, #tpu.memory_space<vmem>> -> memref<1x2x128xi32, #tpu.memory_space<vmem>>
    %dma_start3A_12 = tpu.memref_squeeze %dma_start3A_11 : memref<1x2x128xi32, #tpu.memory_space<vmem>> -> memref<2x128xi32, #tpu.memory_space<vmem>>
    %dma_start3A_13 = arith.constant 0 : i32
    %dma_start3A_14 = arith.constant 0 : i32
    %dma_start3A_15 = tpu.memref_slice %arg3[%arg0, %arg1, %dma_start3A, %dma_start3A_13, %dma_start3A_14] : memref<2x16x80x2x128xi32, #tpu.memory_space<hbm>> -> memref<1x1x1x2x128xi32, #tpu.memory_space<hbm>>
    %dma_start3A_16 = tpu.memref_squeeze %dma_start3A_15 : memref<1x1x1x2x128xi32, #tpu.memory_space<hbm>> -> memref<2x128xi32, #tpu.memory_space<hbm>>
    tpu.enqueue_dma source(%dma_start3A_16 : memref<2x128xi32, #tpu.memory_space<hbm>>) target(%dma_start3A_12 : memref<2x128xi32, #tpu.memory_space<vmem>>) target_semaphore(%arg10 : memref<!tpu.dma_semaphore, #tpu.memory_space<semaphore_mem>>)
    %dma_start3A_17 = arith.constant 1 : i32
    %dma_start3A_18 = arith.constant 1 : i32
    %dma_start3A_19 = arith.constant 0 : i32
    %dma_start3A_20 = arith.constant 0 : i32
    %dma_start3A_21 = tpu.memref_slice %arg6[%dma_start3A_18, %dma_start3A_19, %dma_start3A_20] : memref<4x2x128xi32, #tpu.memory_space<vmem>> -> memref<1x2x128xi32, #tpu.memory_space<vmem>>
    %dma_start3A_22 = tpu.memref_squeeze %dma_start3A_21 : memref<1x2x128xi32, #tpu.memory_space<vmem>> -> memref<2x128xi32, #tpu.memory_space<vmem>>
    %dma_start3A_23 = arith.constant 0 : i32
    %dma_start3A_24 = arith.constant 0 : i32
    %dma_start3A_25 = tpu.memref_slice %arg3[%arg0, %arg1, %dma_start3A_17, %dma_start3A_23, %dma_start3A_24] : memref<2x16x80x2x128xi32, #tpu.memory_space<hbm>> -> memref<1x1x1x2x128xi32, #tpu.memory_space<hbm>>
    %dma_start3A_26 = tpu.memref_squeeze %dma_start3A_25 : memref<1x1x1x2x128xi32, #tpu.memory_space<hbm>> -> memref<2x128xi32, #tpu.memory_space<hbm>>
    %dma_start3A_27 = arith.constant 0 : i32
    %dma_start3A_28 = arith.constant 0 : i32
    %dma_start3A_29 = tpu.memref_slice %arg6[%dma_start3A_18, %dma_start3A_27, %dma_start3A_28] : memref<4x2x128xi32, #tpu.memory_space<vmem>> -> memref<1x2x128xi32, #tpu.memory_space<vmem>>
    %dma_start3A_30 = tpu.memref_squeeze %dma_start3A_29 : memref<1x2x128xi32, #tpu.memory_space<vmem>> -> memref<2x128xi32, #tpu.memory_space<vmem>>
    %dma_start3A_31 = arith.constant 0 : i32
    %dma_start3A_32 = arith.constant 0 : i32
    %dma_start3A_33 = tpu.memref_slice %arg3[%arg0, %arg1, %dma_start3A_17, %dma_start3A_31, %dma_start3A_32] : memref<2x16x80x2x128xi32, #tpu.memory_space<hbm>> -> memref<1x1x1x2x128xi32, #tpu.memory_space<hbm>>
    %dma_start3A_34 = tpu.memref_squeeze %dma_start3A_33 : memref<1x1x1x2x128xi32, #tpu.memory_space<hbm>> -> memref<2x128xi32, #tpu.memory_space<hbm>>
    tpu.enqueue_dma source(%dma_start3A_34 : memref<2x128xi32, #tpu.memory_space<hbm>>) target(%dma_start3A_30 : memref<2x128xi32, #tpu.memory_space<vmem>>) target_semaphore(%arg11 : memref<!tpu.dma_semaphore, #tpu.memory_space<semaphore_mem>>)
    %dma_start3A_35 = arith.constant 2 : i32
    %dma_start3A_36 = arith.constant 2 : i32
    %dma_start3A_37 = arith.constant 0 : i32
    %dma_start3A_38 = arith.constant 0 : i32
    %dma_start3A_39 = tpu.memref_slice %arg6[%dma_start3A_36, %dma_start3A_37, %dma_start3A_38] : memref<4x2x128xi32, #tpu.memory_space<vmem>> -> memref<1x2x128xi32, #tpu.memory_space<vmem>>
    %dma_start3A_40 = tpu.memref_squeeze %dma_start3A_39 : memref<1x2x128xi32, #tpu.memory_space<vmem>> -> memref<2x128xi32, #tpu.memory_space<vmem>>
    %dma_start3A_41 = arith.constant 0 : i32
    %dma_start3A_42 = arith.constant 0 : i32
    %dma_start3A_43 = tpu.memref_slice %arg3[%arg0, %arg1, %dma_start3A_35, %dma_start3A_41, %dma_start3A_42] : memref<2x16x80x2x128xi32, #tpu.memory_space<hbm>> -> memref<1x1x1x2x128xi32, #tpu.memory_space<hbm>>
    %dma_start3A_44 = tpu.memref_squeeze %dma_start3A_43 : memref<1x1x1x2x128xi32, #tpu.memory_space<hbm>> -> memref<2x128xi32, #tpu.memory_space<hbm>>
    %dma_start3A_45 = arith.constant 0 : i32
    %dma_start3A_46 = arith.constant 0 : i32
    %dma_start3A_47 = tpu.memref_slice %arg6[%dma_start3A_36, %dma_start3A_45, %dma_start3A_46] : memref<4x2x128xi32, #tpu.memory_space<vmem>> -> memref<1x2x128xi32, #tpu.memory_space<vmem>>
    %dma_start3A_48 = tpu.memref_squeeze %dma_start3A_47 : memref<1x2x128xi32, #tpu.memory_space<vmem>> -> memref<2x128xi32, #tpu.memory_space<vmem>>
    %dma_start3A_49 = arith.constant 0 : i32
    %dma_start3A_50 = arith.constant 0 : i32
    %dma_start3A_51 = tpu.memref_slice %arg3[%arg0, %arg1, %dma_start3A_35, %dma_start3A_49, %dma_start3A_50] : memref<2x16x80x2x128xi32, #tpu.memory_space<hbm>> -> memref<1x1x1x2x128xi32, #tpu.memory_space<hbm>>
    %dma_start3A_52 = tpu.memref_squeeze %dma_start3A_51 : memref<1x1x1x2x128xi32, #tpu.memory_space<hbm>> -> memref<2x128xi32, #tpu.memory_space<hbm>>
    tpu.enqueue_dma source(%dma_start3A_52 : memref<2x128xi32, #tpu.memory_space<hbm>>) target(%dma_start3A_48 : memref<2x128xi32, #tpu.memory_space<vmem>>) target_semaphore(%arg12 : memref<!tpu.dma_semaphore, #tpu.memory_space<semaphore_mem>>)
    %mul3A = arith.constant 10240 : i32
    %mul3A_53 = arith.muli %arg0, %mul3A : i32
    %mul3A_54 = arith.constant 640 : i32
    %mul3A_55 = arith.muli %arg1, %mul3A_54 : i32
    %add3A = arith.addi %mul3A_53, %mul3A_55 : i32
    %mul3A_56 = arith.constant 640 : i32
    %mul3A_57 = arith.muli %arg1, %mul3A_56 : i32
    "tpu.region"() ({
      %run_scoped3A = tpu.sem_alloc : memref<!tpu.dma_semaphore, #tpu.memory_space<semaphore_mem>>
      %dma_start3A_104 = arith.constant 0 : i32
      %dma_start3A_105 = tpu.memref_slice %arg9[%mul3A_57, %dma_start3A_104] : memref<10240x128xf32, #tpu.memory_space<vmem_shared>> -> memref<640x128xf32, #tpu.memory_space<vmem_shared>>
      %dma_start3A_106 = arith.constant 0 : i32
      %dma_start3A_107 = tpu.memref_slice %arg2[%add3A, %dma_start3A_106] : memref<20480x128xf32, #tpu.memory_space<hbm>> -> memref<640x128xf32, #tpu.memory_space<hbm>>
      tpu.enqueue_dma source(%dma_start3A_107 : memref<640x128xf32, #tpu.memory_space<hbm>>) target(%dma_start3A_105 : memref<640x128xf32, #tpu.memory_space<vmem_shared>>) target_semaphore(%run_scoped3A : memref<!tpu.dma_semaphore, #tpu.memory_space<semaphore_mem>>)
      %dma_wait3A_108 = arith.constant 0 : i32
      %dma_wait3A_109 = tpu.memref_slice %arg9[%mul3A_57, %dma_wait3A_108] : memref<10240x128xf32, #tpu.memory_space<vmem_shared>> -> memref<640x128xf32, #tpu.memory_space<vmem_shared>>
      %dma_wait3A_110 = arith.constant 0 : i32
      %dma_wait3A_111 = tpu.memref_slice %arg2[%add3A, %dma_wait3A_110] : memref<20480x128xf32, #tpu.memory_space<hbm>> -> memref<640x128xf32, #tpu.memory_space<hbm>>
      tpu.wait_dma2 semaphore(%run_scoped3A : memref<!tpu.dma_semaphore, #tpu.memory_space<semaphore_mem>>) src(%dma_wait3A_111 : memref<640x128xf32, #tpu.memory_space<hbm>>) dst(%dma_wait3A_109 : memref<640x128xf32, #tpu.memory_space<vmem_shared>>)
      tpu.yield
    }) : () -> ()
    %dma_wait3A = arith.constant 0 : i32
    %dma_wait3A_58 = arith.constant 0 : i32
    %dma_wait3A_59 = arith.constant 0 : i32
    %dma_wait3A_60 = arith.constant 0 : i32
    %dma_wait3A_61 = tpu.memref_slice %arg6[%dma_wait3A_58, %dma_wait3A_59, %dma_wait3A_60] : memref<4x2x128xi32, #tpu.memory_space<vmem>> -> memref<1x2x128xi32, #tpu.memory_space<vmem>>
    %dma_wait3A_62 = tpu.memref_squeeze %dma_wait3A_61 : memref<1x2x128xi32, #tpu.memory_space<vmem>> -> memref<2x128xi32, #tpu.memory_space<vmem>>
    %dma_wait3A_63 = arith.constant 0 : i32
    %dma_wait3A_64 = arith.constant 0 : i32
    %dma_wait3A_65 = tpu.memref_slice %arg3[%arg0, %arg1, %dma_wait3A, %dma_wait3A_63, %dma_wait3A_64] : memref<2x16x80x2x128xi32, #tpu.memory_space<hbm>> -> memref<1x1x1x2x128xi32, #tpu.memory_space<hbm>>
    %dma_wait3A_66 = tpu.memref_squeeze %dma_wait3A_65 : memref<1x1x1x2x128xi32, #tpu.memory_space<hbm>> -> memref<2x128xi32, #tpu.memory_space<hbm>>
    %dma_wait3A_67 = arith.constant 0 : i32
    %dma_wait3A_68 = arith.constant 0 : i32
    %dma_wait3A_69 = tpu.memref_slice %arg6[%dma_wait3A_58, %dma_wait3A_67, %dma_wait3A_68] : memref<4x2x128xi32, #tpu.memory_space<vmem>> -> memref<1x2x128xi32, #tpu.memory_space<vmem>>
    %dma_wait3A_70 = tpu.memref_squeeze %dma_wait3A_69 : memref<1x2x128xi32, #tpu.memory_space<vmem>> -> memref<2x128xi32, #tpu.memory_space<vmem>>
    %dma_wait3A_71 = arith.constant 0 : i32
    %dma_wait3A_72 = arith.constant 0 : i32
    %dma_wait3A_73 = tpu.memref_slice %arg3[%arg0, %arg1, %dma_wait3A, %dma_wait3A_71, %dma_wait3A_72] : memref<2x16x80x2x128xi32, #tpu.memory_space<hbm>> -> memref<1x1x1x2x128xi32, #tpu.memory_space<hbm>>
    %dma_wait3A_74 = tpu.memref_squeeze %dma_wait3A_73 : memref<1x1x1x2x128xi32, #tpu.memory_space<hbm>> -> memref<2x128xi32, #tpu.memory_space<hbm>>
    tpu.wait_dma2 semaphore(%arg10 : memref<!tpu.dma_semaphore, #tpu.memory_space<semaphore_mem>>) src(%dma_wait3A_74 : memref<2x128xi32, #tpu.memory_space<hbm>>) dst(%dma_wait3A_70 : memref<2x128xi32, #tpu.memory_space<vmem>>)
    %dma_start3A_75 = arith.constant 0 : i32
    %dma_start3A_76 = arith.constant 0 : i32
    %dma_start3A_77 = arith.constant 0 : i32
    %dma_start3A_78 = tpu.memref_slice %arg6[%dma_start3A_75, %dma_start3A_76, %dma_start3A_77] : memref<4x2x128xi32, #tpu.memory_space<vmem>> -> memref<1x1x128xi32, #tpu.memory_space<vmem>>
    %dma_start3A_79 = tpu.memref_squeeze %dma_start3A_78 : memref<1x1x128xi32, #tpu.memory_space<vmem>> -> memref<128xi32, #tpu.memory_space<vmem>>
    %dma_start3A_80 = arith.constant 0 : i32
    %dma_start3A_81 = arith.constant 0 : i32
    %dma_start3A_82 = tpu.memref_slice %arg2[%dma_start3A_80, %dma_start3A_81] : memref<20480x128xf32, #tpu.memory_space<hbm>> -> memref<20480x128xf32, #tpu.memory_space<hbm>>
    tpu.enqueue_indirect_dma source(%dma_start3A_82 : memref<20480x128xf32, #tpu.memory_space<hbm>>) target(%arg7 : memref<128x128xf32, #tpu.memory_space<vmem>>) offsets(%dma_start3A_79 : memref<128xi32, #tpu.memory_space<vmem>>) semaphore(%arg14 : memref<!tpu.dma_semaphore, #tpu.memory_space<semaphore_mem>>)
    %barrier3A = arith.constant 0 : index
    tpu.barrier barrier_id(%barrier3A)
    %scan3A = arith.constant 0 : i32
    %scan3A_83 = arith.constant 0 : i32
    %scan3A_84 = arith.constant 20 : i32
    %scan3A_85 = arith.addi %scan3A_83, %scan3A_84 : i32
    %scan3A_86 = arith.constant 1 : i32
    scf.for %scan3A_104 = %scan3A_83 to %scan3A_85 step %scan3A_86  : i32 {
      %mul3A_105 = arith.constant 4 : i32
      %mul3A_106 = arith.muli %scan3A_104, %mul3A_105 : i32
      %add3A_107 = arith.constant 0 : i32
      %add3A_108 = arith.addi %mul3A_106, %add3A_107 : i32
      %ge3A = arith.constant 1 : i32
      %ge3A_109 = arith.cmpi sge, %add3A_108, %ge3A : i32
      %convert_element_type3A_110 = arith.extui %ge3A_109 : i1 to i32
      %cond3A_111 = arith.constant 0 : i32
      %cond3A_112 = arith.cmpi ne, %convert_element_type3A_110, %cond3A_111 : i32
      scf.if %cond3A_112 {
        %sub3A = arith.constant 1 : i32
        %sub3A_259 = arith.subi %add3A_108, %sub3A : i32
        %dma_wait3A_260 = arith.constant 3 : i32
        %dma_wait3A_261 = arith.constant 1 : i32
        %dma_wait3A_262 = arith.constant 0 : i32
        %dma_wait3A_263 = tpu.memref_slice %arg6[%dma_wait3A_260, %dma_wait3A_261, %dma_wait3A_262] : memref<4x2x128xi32, #tpu.memory_space<vmem>> -> memref<1x1x128xi32, #tpu.memory_space<vmem>>
        %dma_wait3A_264 = tpu.memref_squeeze %dma_wait3A_263 : memref<1x1x128xi32, #tpu.memory_space<vmem>> -> memref<128xi32, #tpu.memory_space<vmem>>
        %dma_wait3A_265 = arith.constant 0 : i32
        %dma_wait3A_266 = arith.constant 0 : i32
        %dma_wait3A_267 = tpu.memref_slice %arg9[%dma_wait3A_265, %dma_wait3A_266] : memref<10240x128xf32, #tpu.memory_space<vmem_shared>> -> memref<10240x128xf32, #tpu.memory_space<vmem_shared>>
        tpu.wait_indirect_dma semaphore(%arg17 : memref<!tpu.dma_semaphore, #tpu.memory_space<semaphore_mem>>) src(%arg8 : memref<128x128xf32, #tpu.memory_space<vmem>>) dst(%dma_wait3A_267 : memref<10240x128xf32, #tpu.memory_space<vmem_shared>>)
      } else {
      }
      %add3A_113 = arith.constant 1 : i32
      %add3A_114 = arith.addi %add3A_108, %add3A_113 : i32
      %lt3A = arith.constant 80 : i32
      %lt3A_115 = arith.cmpi slt, %add3A_114, %lt3A : i32
      %convert_element_type3A_116 = arith.extui %lt3A_115 : i1 to i32
      %cond3A_117 = arith.constant 0 : i32
      %cond3A_118 = arith.cmpi ne, %convert_element_type3A_116, %cond3A_117 : i32
      scf.if %cond3A_118 {
        %add3A_259 = arith.constant 1 : i32
        %add3A_260 = arith.addi %add3A_108, %add3A_259 : i32
        %dma_wait3A_261 = arith.constant 1 : i32
        %dma_wait3A_262 = arith.constant 0 : i32
        %dma_wait3A_263 = arith.constant 0 : i32
        %dma_wait3A_264 = tpu.memref_slice %arg6[%dma_wait3A_261, %dma_wait3A_262, %dma_wait3A_263] : memref<4x2x128xi32, #tpu.memory_space<vmem>> -> memref<1x2x128xi32, #tpu.memory_space<vmem>>
        %dma_wait3A_265 = tpu.memref_squeeze %dma_wait3A_264 : memref<1x2x128xi32, #tpu.memory_space<vmem>> -> memref<2x128xi32, #tpu.memory_space<vmem>>
        %dma_wait3A_266 = arith.constant 0 : i32
        %dma_wait3A_267 = arith.constant 0 : i32
        %dma_wait3A_268 = tpu.memref_slice %arg3[%arg0, %arg1, %add3A_260, %dma_wait3A_266, %dma_wait3A_267] : memref<2x16x80x2x128xi32, #tpu.memory_space<hbm>> -> memref<1x1x1x2x128xi32, #tpu.memory_space<hbm>>
        %dma_wait3A_269 = tpu.memref_squeeze %dma_wait3A_268 : memref<1x1x1x2x128xi32, #tpu.memory_space<hbm>> -> memref<2x128xi32, #tpu.memory_space<hbm>>
        %dma_wait3A_270 = arith.constant 0 : i32
        %dma_wait3A_271 = arith.constant 0 : i32
        %dma_wait3A_272 = tpu.memref_slice %arg6[%dma_wait3A_261, %dma_wait3A_270, %dma_wait3A_271] : memref<4x2x128xi32, #tpu.memory_space<vmem>> -> memref<1x2x128xi32, #tpu.memory_space<vmem>>
        %dma_wait3A_273 = tpu.memref_squeeze %dma_wait3A_272 : memref<1x2x128xi32, #tpu.memory_space<vmem>> -> memref<2x128xi32, #tpu.memory_space<vmem>>
        %dma_wait3A_274 = arith.constant 0 : i32
        %dma_wait3A_275 = arith.constant 0 : i32
        %dma_wait3A_276 = tpu.memref_slice %arg3[%arg0, %arg1, %add3A_260, %dma_wait3A_274, %dma_wait3A_275] : memref<2x16x80x2x128xi32, #tpu.memory_space<hbm>> -> memref<1x1x1x2x128xi32, #tpu.memory_space<hbm>>
        %dma_wait3A_277 = tpu.memref_squeeze %dma_wait3A_276 : memref<1x1x1x2x128xi32, #tpu.memory_space<hbm>> -> memref<2x128xi32, #tpu.memory_space<hbm>>
        tpu.wait_dma2 semaphore(%arg11 : memref<!tpu.dma_semaphore, #tpu.memory_space<semaphore_mem>>) src(%dma_wait3A_277 : memref<2x128xi32, #tpu.memory_space<hbm>>) dst(%dma_wait3A_273 : memref<2x128xi32, #tpu.memory_space<vmem>>)
        %add3A_278 = arith.constant 1 : i32
        %add3A_279 = arith.addi %add3A_108, %add3A_278 : i32
        %dma_start3A_280 = arith.constant 1 : i32
        %dma_start3A_281 = arith.constant 0 : i32
        %dma_start3A_282 = arith.constant 0 : i32
        %dma_start3A_283 = tpu.memref_slice %arg6[%dma_start3A_280, %dma_start3A_281, %dma_start3A_282] : memref<4x2x128xi32, #tpu.memory_space<vmem>> -> memref<1x1x128xi32, #tpu.memory_space<vmem>>
        %dma_start3A_284 = tpu.memref_squeeze %dma_start3A_283 : memref<1x1x128xi32, #tpu.memory_space<vmem>> -> memref<128xi32, #tpu.memory_space<vmem>>
        %dma_start3A_285 = arith.constant 0 : i32
        %dma_start3A_286 = arith.constant 0 : i32
        %dma_start3A_287 = tpu.memref_slice %arg2[%dma_start3A_285, %dma_start3A_286] : memref<20480x128xf32, #tpu.memory_space<hbm>> -> memref<20480x128xf32, #tpu.memory_space<hbm>>
        tpu.enqueue_indirect_dma source(%dma_start3A_287 : memref<20480x128xf32, #tpu.memory_space<hbm>>) target(%arg8 : memref<128x128xf32, #tpu.memory_space<vmem>>) offsets(%dma_start3A_284 : memref<128xi32, #tpu.memory_space<vmem>>) semaphore(%arg15 : memref<!tpu.dma_semaphore, #tpu.memory_space<semaphore_mem>>)
      } else {
      }
      %dma_wait3A_119 = arith.constant 0 : i32
      %dma_wait3A_120 = arith.constant 0 : i32
      %dma_wait3A_121 = arith.constant 0 : i32
      %dma_wait3A_122 = tpu.memref_slice %arg6[%dma_wait3A_119, %dma_wait3A_120, %dma_wait3A_121] : memref<4x2x128xi32, #tpu.memory_space<vmem>> -> memref<1x1x128xi32, #tpu.memory_space<vmem>>
      %dma_wait3A_123 = tpu.memref_squeeze %dma_wait3A_122 : memref<1x1x128xi32, #tpu.memory_space<vmem>> -> memref<128xi32, #tpu.memory_space<vmem>>
      %dma_wait3A_124 = arith.constant 0 : i32
      %dma_wait3A_125 = arith.constant 0 : i32
      %dma_wait3A_126 = tpu.memref_slice %arg2[%dma_wait3A_124, %dma_wait3A_125] : memref<20480x128xf32, #tpu.memory_space<hbm>> -> memref<20480x128xf32, #tpu.memory_space<hbm>>
      tpu.wait_indirect_dma semaphore(%arg14 : memref<!tpu.dma_semaphore, #tpu.memory_space<semaphore_mem>>) src(%dma_wait3A_126 : memref<20480x128xf32, #tpu.memory_space<hbm>>) dst(%arg7 : memref<128x128xf32, #tpu.memory_space<vmem>>)
      %dma_start3A_127 = arith.constant 0 : i32
      %dma_start3A_128 = arith.constant 1 : i32
      %dma_start3A_129 = arith.constant 0 : i32
      %dma_start3A_130 = tpu.memref_slice %arg6[%dma_start3A_127, %dma_start3A_128, %dma_start3A_129] : memref<4x2x128xi32, #tpu.memory_space<vmem>> -> memref<1x1x128xi32, #tpu.memory_space<vmem>>
      %dma_start3A_131 = tpu.memref_squeeze %dma_start3A_130 : memref<1x1x128xi32, #tpu.memory_space<vmem>> -> memref<128xi32, #tpu.memory_space<vmem>>
      %dma_start3A_132 = arith.constant 0 : i32
      %dma_start3A_133 = arith.constant 0 : i32
      %dma_start3A_134 = tpu.memref_slice %arg9[%dma_start3A_132, %dma_start3A_133] : memref<10240x128xf32, #tpu.memory_space<vmem_shared>> -> memref<10240x128xf32, #tpu.memory_space<vmem_shared>>
      tpu.enqueue_indirect_dma source(%arg7 : memref<128x128xf32, #tpu.memory_space<vmem>>) target(%dma_start3A_134 : memref<10240x128xf32, #tpu.memory_space<vmem_shared>>) offsets(%dma_start3A_131 : memref<128xi32, #tpu.memory_space<vmem>>) semaphore(%arg16 : memref<!tpu.dma_semaphore, #tpu.memory_space<semaphore_mem>>) {add = true}
      %add3A_135 = arith.constant 3 : i32
      %add3A_136 = arith.addi %add3A_108, %add3A_135 : i32
      %lt3A_137 = arith.constant 80 : i32
      %lt3A_138 = arith.cmpi slt, %add3A_136, %lt3A_137 : i32
      %convert_element_type3A_139 = arith.extui %lt3A_138 : i1 to i32
      %cond3A_140 = arith.constant 0 : i32
      %cond3A_141 = arith.cmpi ne, %convert_element_type3A_139, %cond3A_140 : i32
      scf.if %cond3A_141 {
        %add3A_259 = arith.constant 3 : i32
        %add3A_260 = arith.addi %add3A_108, %add3A_259 : i32
        %dma_start3A_261 = arith.constant 3 : i32
        %dma_start3A_262 = arith.constant 0 : i32
        %dma_start3A_263 = arith.constant 0 : i32
        %dma_start3A_264 = tpu.memref_slice %arg6[%dma_start3A_261, %dma_start3A_262, %dma_start3A_263] : memref<4x2x128xi32, #tpu.memory_space<vmem>> -> memref<1x2x128xi32, #tpu.memory_space<vmem>>
        %dma_start3A_265 = tpu.memref_squeeze %dma_start3A_264 : memref<1x2x128xi32, #tpu.memory_space<vmem>> -> memref<2x128xi32, #tpu.memory_space<vmem>>
        %dma_start3A_266 = arith.constant 0 : i32
        %dma_start3A_267 = arith.constant 0 : i32
        %dma_start3A_268 = tpu.memref_slice %arg3[%arg0, %arg1, %add3A_260, %dma_start3A_266, %dma_start3A_267] : memref<2x16x80x2x128xi32, #tpu.memory_space<hbm>> -> memref<1x1x1x2x128xi32, #tpu.memory_space<hbm>>
        %dma_start3A_269 = tpu.memref_squeeze %dma_start3A_268 : memref<1x1x1x2x128xi32, #tpu.memory_space<hbm>> -> memref<2x128xi32, #tpu.memory_space<hbm>>
        %dma_start3A_270 = arith.constant 0 : i32
        %dma_start3A_271 = arith.constant 0 : i32
        %dma_start3A_272 = tpu.memref_slice %arg6[%dma_start3A_261, %dma_start3A_270, %dma_start3A_271] : memref<4x2x128xi32, #tpu.memory_space<vmem>> -> memref<1x2x128xi32, #tpu.memory_space<vmem>>
        %dma_start3A_273 = tpu.memref_squeeze %dma_start3A_272 : memref<1x2x128xi32, #tpu.memory_space<vmem>> -> memref<2x128xi32, #tpu.memory_space<vmem>>
        %dma_start3A_274 = arith.constant 0 : i32
        %dma_start3A_275 = arith.constant 0 : i32
        %dma_start3A_276 = tpu.memref_slice %arg3[%arg0, %arg1, %add3A_260, %dma_start3A_274, %dma_start3A_275] : memref<2x16x80x2x128xi32, #tpu.memory_space<hbm>> -> memref<1x1x1x2x128xi32, #tpu.memory_space<hbm>>
        %dma_start3A_277 = tpu.memref_squeeze %dma_start3A_276 : memref<1x1x1x2x128xi32, #tpu.memory_space<hbm>> -> memref<2x128xi32, #tpu.memory_space<hbm>>
        tpu.enqueue_dma source(%dma_start3A_277 : memref<2x128xi32, #tpu.memory_space<hbm>>) target(%dma_start3A_273 : memref<2x128xi32, #tpu.memory_space<vmem>>) target_semaphore(%arg13 : memref<!tpu.dma_semaphore, #tpu.memory_space<semaphore_mem>>)
      } else {
      }
      %mul3A_142 = arith.constant 4 : i32
      %mul3A_143 = arith.muli %scan3A_104, %mul3A_142 : i32
      %add3A_144 = arith.constant 1 : i32
      %add3A_145 = arith.addi %mul3A_143, %add3A_144 : i32
      %ge3A_146 = arith.constant 1 : i32
      %ge3A_147 = arith.cmpi sge, %add3A_145, %ge3A_146 : i32
      %convert_element_type3A_148 = arith.extui %ge3A_147 : i1 to i32
      %cond3A_149 = arith.constant 0 : i32
      %cond3A_150 = arith.cmpi ne, %convert_element_type3A_148, %cond3A_149 : i32
      scf.if %cond3A_150 {
        %sub3A = arith.constant 1 : i32
        %sub3A_259 = arith.subi %add3A_145, %sub3A : i32
        %dma_wait3A_260 = arith.constant 0 : i32
        %dma_wait3A_261 = arith.constant 1 : i32
        %dma_wait3A_262 = arith.constant 0 : i32
        %dma_wait3A_263 = tpu.memref_slice %arg6[%dma_wait3A_260, %dma_wait3A_261, %dma_wait3A_262] : memref<4x2x128xi32, #tpu.memory_space<vmem>> -> memref<1x1x128xi32, #tpu.memory_space<vmem>>
        %dma_wait3A_264 = tpu.memref_squeeze %dma_wait3A_263 : memref<1x1x128xi32, #tpu.memory_space<vmem>> -> memref<128xi32, #tpu.memory_space<vmem>>
        %dma_wait3A_265 = arith.constant 0 : i32
        %dma_wait3A_266 = arith.constant 0 : i32
        %dma_wait3A_267 = tpu.memref_slice %arg9[%dma_wait3A_265, %dma_wait3A_266] : memref<10240x128xf32, #tpu.memory_space<vmem_shared>> -> memref<10240x128xf32, #tpu.memory_space<vmem_shared>>
        tpu.wait_indirect_dma semaphore(%arg16 : memref<!tpu.dma_semaphore, #tpu.memory_space<semaphore_mem>>) src(%arg7 : memref<128x128xf32, #tpu.memory_space<vmem>>) dst(%dma_wait3A_267 : memref<10240x128xf32, #tpu.memory_space<vmem_shared>>)
      } else {
      }
      %add3A_151 = arith.constant 1 : i32
      %add3A_152 = arith.addi %add3A_145, %add3A_151 : i32
      %lt3A_153 = arith.constant 80 : i32
      %lt3A_154 = arith.cmpi slt, %add3A_152, %lt3A_153 : i32
      %convert_element_type3A_155 = arith.extui %lt3A_154 : i1 to i32
      %cond3A_156 = arith.constant 0 : i32
      %cond3A_157 = arith.cmpi ne, %convert_element_type3A_155, %cond3A_156 : i32
      scf.if %cond3A_157 {
        %add3A_259 = arith.constant 1 : i32
        %add3A_260 = arith.addi %add3A_145, %add3A_259 : i32
        %dma_wait3A_261 = arith.constant 2 : i32
        %dma_wait3A_262 = arith.constant 0 : i32
        %dma_wait3A_263 = arith.constant 0 : i32
        %dma_wait3A_264 = tpu.memref_slice %arg6[%dma_wait3A_261, %dma_wait3A_262, %dma_wait3A_263] : memref<4x2x128xi32, #tpu.memory_space<vmem>> -> memref<1x2x128xi32, #tpu.memory_space<vmem>>
        %dma_wait3A_265 = tpu.memref_squeeze %dma_wait3A_264 : memref<1x2x128xi32, #tpu.memory_space<vmem>> -> memref<2x128xi32, #tpu.memory_space<vmem>>
        %dma_wait3A_266 = arith.constant 0 : i32
        %dma_wait3A_267 = arith.constant 0 : i32
        %dma_wait3A_268 = tpu.memref_slice %arg3[%arg0, %arg1, %add3A_260, %dma_wait3A_266, %dma_wait3A_267] : memref<2x16x80x2x128xi32, #tpu.memory_space<hbm>> -> memref<1x1x1x2x128xi32, #tpu.memory_space<hbm>>
        %dma_wait3A_269 = tpu.memref_squeeze %dma_wait3A_268 : memref<1x1x1x2x128xi32, #tpu.memory_space<hbm>> -> memref<2x128xi32, #tpu.memory_space<hbm>>
        %dma_wait3A_270 = arith.constant 0 : i32
        %dma_wait3A_271 = arith.constant 0 : i32
        %dma_wait3A_272 = tpu.memref_slice %arg6[%dma_wait3A_261, %dma_wait3A_270, %dma_wait3A_271] : memref<4x2x128xi32, #tpu.memory_space<vmem>> -> memref<1x2x128xi32, #tpu.memory_space<vmem>>
        %dma_wait3A_273 = tpu.memref_squeeze %dma_wait3A_272 : memref<1x2x128xi32, #tpu.memory_space<vmem>> -> memref<2x128xi32, #tpu.memory_space<vmem>>
        %dma_wait3A_274 = arith.constant 0 : i32
        %dma_wait3A_275 = arith.constant 0 : i32
        %dma_wait3A_276 = tpu.memref_slice %arg3[%arg0, %arg1, %add3A_260, %dma_wait3A_274, %dma_wait3A_275] : memref<2x16x80x2x128xi32, #tpu.memory_space<hbm>> -> memref<1x1x1x2x128xi32, #tpu.memory_space<hbm>>
        %dma_wait3A_277 = tpu.memref_squeeze %dma_wait3A_276 : memref<1x1x1x2x128xi32, #tpu.memory_space<hbm>> -> memref<2x128xi32, #tpu.memory_space<hbm>>
        tpu.wait_dma2 semaphore(%arg12 : memref<!tpu.dma_semaphore, #tpu.memory_space<semaphore_mem>>) src(%dma_wait3A_277 : memref<2x128xi32, #tpu.memory_space<hbm>>) dst(%dma_wait3A_273 : memref<2x128xi32, #tpu.memory_space<vmem>>)
        %add3A_278 = arith.constant 1 : i32
        %add3A_279 = arith.addi %add3A_145, %add3A_278 : i32
        %dma_start3A_280 = arith.constant 2 : i32
        %dma_start3A_281 = arith.constant 0 : i32
        %dma_start3A_282 = arith.constant 0 : i32
        %dma_start3A_283 = tpu.memref_slice %arg6[%dma_start3A_280, %dma_start3A_281, %dma_start3A_282] : memref<4x2x128xi32, #tpu.memory_space<vmem>> -> memref<1x1x128xi32, #tpu.memory_space<vmem>>
        %dma_start3A_284 = tpu.memref_squeeze %dma_start3A_283 : memref<1x1x128xi32, #tpu.memory_space<vmem>> -> memref<128xi32, #tpu.memory_space<vmem>>
        %dma_start3A_285 = arith.constant 0 : i32
        %dma_start3A_286 = arith.constant 0 : i32
        %dma_start3A_287 = tpu.memref_slice %arg2[%dma_start3A_285, %dma_start3A_286] : memref<20480x128xf32, #tpu.memory_space<hbm>> -> memref<20480x128xf32, #tpu.memory_space<hbm>>
        tpu.enqueue_indirect_dma source(%dma_start3A_287 : memref<20480x128xf32, #tpu.memory_space<hbm>>) target(%arg7 : memref<128x128xf32, #tpu.memory_space<vmem>>) offsets(%dma_start3A_284 : memref<128xi32, #tpu.memory_space<vmem>>) semaphore(%arg14 : memref<!tpu.dma_semaphore, #tpu.memory_space<semaphore_mem>>)
      } else {
      }
      %dma_wait3A_158 = arith.constant 1 : i32
      %dma_wait3A_159 = arith.constant 0 : i32
      %dma_wait3A_160 = arith.constant 0 : i32
      %dma_wait3A_161 = tpu.memref_slice %arg6[%dma_wait3A_158, %dma_wait3A_159, %dma_wait3A_160] : memref<4x2x128xi32, #tpu.memory_space<vmem>> -> memref<1x1x128xi32, #tpu.memory_space<vmem>>
      %dma_wait3A_162 = tpu.memref_squeeze %dma_wait3A_161 : memref<1x1x128xi32, #tpu.memory_space<vmem>> -> memref<128xi32, #tpu.memory_space<vmem>>
      %dma_wait3A_163 = arith.constant 0 : i32
      %dma_wait3A_164 = arith.constant 0 : i32
      %dma_wait3A_165 = tpu.memref_slice %arg2[%dma_wait3A_163, %dma_wait3A_164] : memref<20480x128xf32, #tpu.memory_space<hbm>> -> memref<20480x128xf32, #tpu.memory_space<hbm>>
      tpu.wait_indirect_dma semaphore(%arg15 : memref<!tpu.dma_semaphore, #tpu.memory_space<semaphore_mem>>) src(%dma_wait3A_165 : memref<20480x128xf32, #tpu.memory_space<hbm>>) dst(%arg8 : memref<128x128xf32, #tpu.memory_space<vmem>>)
      %dma_start3A_166 = arith.constant 1 : i32
      %dma_start3A_167 = arith.constant 1 : i32
      %dma_start3A_168 = arith.constant 0 : i32
      %dma_start3A_169 = tpu.memref_slice %arg6[%dma_start3A_166, %dma_start3A_167, %dma_start3A_168] : memref<4x2x128xi32, #tpu.memory_space<vmem>> -> memref<1x1x128xi32, #tpu.memory_space<vmem>>
      %dma_start3A_170 = tpu.memref_squeeze %dma_start3A_169 : memref<1x1x128xi32, #tpu.memory_space<vmem>> -> memref<128xi32, #tpu.memory_space<vmem>>
      %dma_start3A_171 = arith.constant 0 : i32
      %dma_start3A_172 = arith.constant 0 : i32
      %dma_start3A_173 = tpu.memref_slice %arg9[%dma_start3A_171, %dma_start3A_172] : memref<10240x128xf32, #tpu.memory_space<vmem_shared>> -> memref<10240x128xf32, #tpu.memory_space<vmem_shared>>
      tpu.enqueue_indirect_dma source(%arg8 : memref<128x128xf32, #tpu.memory_space<vmem>>) target(%dma_start3A_173 : memref<10240x128xf32, #tpu.memory_space<vmem_shared>>) offsets(%dma_start3A_170 : memref<128xi32, #tpu.memory_space<vmem>>) semaphore(%arg17 : memref<!tpu.dma_semaphore, #tpu.memory_space<semaphore_mem>>) {add = true}
      %add3A_174 = arith.constant 3 : i32
      %add3A_175 = arith.addi %add3A_145, %add3A_174 : i32
      %lt3A_176 = arith.constant 80 : i32
      %lt3A_177 = arith.cmpi slt, %add3A_175, %lt3A_176 : i32
      %convert_element_type3A_178 = arith.extui %lt3A_177 : i1 to i32
      %cond3A_179 = arith.constant 0 : i32
      %cond3A_180 = arith.cmpi ne, %convert_element_type3A_178, %cond3A_179 : i32
      scf.if %cond3A_180 {
        %add3A_259 = arith.constant 3 : i32
        %add3A_260 = arith.addi %add3A_145, %add3A_259 : i32
        %dma_start3A_261 = arith.constant 0 : i32
        %dma_start3A_262 = arith.constant 0 : i32
        %dma_start3A_263 = arith.constant 0 : i32
        %dma_start3A_264 = tpu.memref_slice %arg6[%dma_start3A_261, %dma_start3A_262, %dma_start3A_263] : memref<4x2x128xi32, #tpu.memory_space<vmem>> -> memref<1x2x128xi32, #tpu.memory_space<vmem>>
        %dma_start3A_265 = tpu.memref_squeeze %dma_start3A_264 : memref<1x2x128xi32, #tpu.memory_space<vmem>> -> memref<2x128xi32, #tpu.memory_space<vmem>>
        %dma_start3A_266 = arith.constant 0 : i32
        %dma_start3A_267 = arith.constant 0 : i32
        %dma_start3A_268 = tpu.memref_slice %arg3[%arg0, %arg1, %add3A_260, %dma_start3A_266, %dma_start3A_267] : memref<2x16x80x2x128xi32, #tpu.memory_space<hbm>> -> memref<1x1x1x2x128xi32, #tpu.memory_space<hbm>>
        %dma_start3A_269 = tpu.memref_squeeze %dma_start3A_268 : memref<1x1x1x2x128xi32, #tpu.memory_space<hbm>> -> memref<2x128xi32, #tpu.memory_space<hbm>>
        %dma_start3A_270 = arith.constant 0 : i32
        %dma_start3A_271 = arith.constant 0 : i32
        %dma_start3A_272 = tpu.memref_slice %arg6[%dma_start3A_261, %dma_start3A_270, %dma_start3A_271] : memref<4x2x128xi32, #tpu.memory_space<vmem>> -> memref<1x2x128xi32, #tpu.memory_space<vmem>>
        %dma_start3A_273 = tpu.memref_squeeze %dma_start3A_272 : memref<1x2x128xi32, #tpu.memory_space<vmem>> -> memref<2x128xi32, #tpu.memory_space<vmem>>
        %dma_start3A_274 = arith.constant 0 : i32
        %dma_start3A_275 = arith.constant 0 : i32
        %dma_start3A_276 = tpu.memref_slice %arg3[%arg0, %arg1, %add3A_260, %dma_start3A_274, %dma_start3A_275] : memref<2x16x80x2x128xi32, #tpu.memory_space<hbm>> -> memref<1x1x1x2x128xi32, #tpu.memory_space<hbm>>
        %dma_start3A_277 = tpu.memref_squeeze %dma_start3A_276 : memref<1x1x1x2x128xi32, #tpu.memory_space<hbm>> -> memref<2x128xi32, #tpu.memory_space<hbm>>
        tpu.enqueue_dma source(%dma_start3A_277 : memref<2x128xi32, #tpu.memory_space<hbm>>) target(%dma_start3A_273 : memref<2x128xi32, #tpu.memory_space<vmem>>) target_semaphore(%arg10 : memref<!tpu.dma_semaphore, #tpu.memory_space<semaphore_mem>>)
      } else {
      }
      %mul3A_181 = arith.constant 4 : i32
      %mul3A_182 = arith.muli %scan3A_104, %mul3A_181 : i32
      %add3A_183 = arith.constant 2 : i32
      %add3A_184 = arith.addi %mul3A_182, %add3A_183 : i32
      %ge3A_185 = arith.constant 1 : i32
      %ge3A_186 = arith.cmpi sge, %add3A_184, %ge3A_185 : i32
      %convert_element_type3A_187 = arith.extui %ge3A_186 : i1 to i32
      %cond3A_188 = arith.constant 0 : i32
      %cond3A_189 = arith.cmpi ne, %convert_element_type3A_187, %cond3A_188 : i32
      scf.if %cond3A_189 {
        %sub3A = arith.constant 1 : i32
        %sub3A_259 = arith.subi %add3A_184, %sub3A : i32
        %dma_wait3A_260 = arith.constant 1 : i32
        %dma_wait3A_261 = arith.constant 1 : i32
        %dma_wait3A_262 = arith.constant 0 : i32
        %dma_wait3A_263 = tpu.memref_slice %arg6[%dma_wait3A_260, %dma_wait3A_261, %dma_wait3A_262] : memref<4x2x128xi32, #tpu.memory_space<vmem>> -> memref<1x1x128xi32, #tpu.memory_space<vmem>>
        %dma_wait3A_264 = tpu.memref_squeeze %dma_wait3A_263 : memref<1x1x128xi32, #tpu.memory_space<vmem>> -> memref<128xi32, #tpu.memory_space<vmem>>
        %dma_wait3A_265 = arith.constant 0 : i32
        %dma_wait3A_266 = arith.constant 0 : i32
        %dma_wait3A_267 = tpu.memref_slice %arg9[%dma_wait3A_265, %dma_wait3A_266] : memref<10240x128xf32, #tpu.memory_space<vmem_shared>> -> memref<10240x128xf32, #tpu.memory_space<vmem_shared>>
        tpu.wait_indirect_dma semaphore(%arg17 : memref<!tpu.dma_semaphore, #tpu.memory_space<semaphore_mem>>) src(%arg8 : memref<128x128xf32, #tpu.memory_space<vmem>>) dst(%dma_wait3A_267 : memref<10240x128xf32, #tpu.memory_space<vmem_shared>>)
      } else {
      }
      %add3A_190 = arith.constant 1 : i32
      %add3A_191 = arith.addi %add3A_184, %add3A_190 : i32
      %lt3A_192 = arith.constant 80 : i32
      %lt3A_193 = arith.cmpi slt, %add3A_191, %lt3A_192 : i32
      %convert_element_type3A_194 = arith.extui %lt3A_193 : i1 to i32
      %cond3A_195 = arith.constant 0 : i32
      %cond3A_196 = arith.cmpi ne, %convert_element_type3A_194, %cond3A_195 : i32
      scf.if %cond3A_196 {
        %add3A_259 = arith.constant 1 : i32
        %add3A_260 = arith.addi %add3A_184, %add3A_259 : i32
        %dma_wait3A_261 = arith.constant 3 : i32
        %dma_wait3A_262 = arith.constant 0 : i32
        %dma_wait3A_263 = arith.constant 0 : i32
        %dma_wait3A_264 = tpu.memref_slice %arg6[%dma_wait3A_261, %dma_wait3A_262, %dma_wait3A_263] : memref<4x2x128xi32, #tpu.memory_space<vmem>> -> memref<1x2x128xi32, #tpu.memory_space<vmem>>
        %dma_wait3A_265 = tpu.memref_squeeze %dma_wait3A_264 : memref<1x2x128xi32, #tpu.memory_space<vmem>> -> memref<2x128xi32, #tpu.memory_space<vmem>>
        %dma_wait3A_266 = arith.constant 0 : i32
        %dma_wait3A_267 = arith.constant 0 : i32
        %dma_wait3A_268 = tpu.memref_slice %arg3[%arg0, %arg1, %add3A_260, %dma_wait3A_266, %dma_wait3A_267] : memref<2x16x80x2x128xi32, #tpu.memory_space<hbm>> -> memref<1x1x1x2x128xi32, #tpu.memory_space<hbm>>
        %dma_wait3A_269 = tpu.memref_squeeze %dma_wait3A_268 : memref<1x1x1x2x128xi32, #tpu.memory_space<hbm>> -> memref<2x128xi32, #tpu.memory_space<hbm>>
        %dma_wait3A_270 = arith.constant 0 : i32
        %dma_wait3A_271 = arith.constant 0 : i32
        %dma_wait3A_272 = tpu.memref_slice %arg6[%dma_wait3A_261, %dma_wait3A_270, %dma_wait3A_271] : memref<4x2x128xi32, #tpu.memory_space<vmem>> -> memref<1x2x128xi32, #tpu.memory_space<vmem>>
        %dma_wait3A_273 = tpu.memref_squeeze %dma_wait3A_272 : memref<1x2x128xi32, #tpu.memory_space<vmem>> -> memref<2x128xi32, #tpu.memory_space<vmem>>
        %dma_wait3A_274 = arith.constant 0 : i32
        %dma_wait3A_275 = arith.constant 0 : i32
        %dma_wait3A_276 = tpu.memref_slice %arg3[%arg0, %arg1, %add3A_260, %dma_wait3A_274, %dma_wait3A_275] : memref<2x16x80x2x128xi32, #tpu.memory_space<hbm>> -> memref<1x1x1x2x128xi32, #tpu.memory_space<hbm>>
        %dma_wait3A_277 = tpu.memref_squeeze %dma_wait3A_276 : memref<1x1x1x2x128xi32, #tpu.memory_space<hbm>> -> memref<2x128xi32, #tpu.memory_space<hbm>>
        tpu.wait_dma2 semaphore(%arg13 : memref<!tpu.dma_semaphore, #tpu.memory_space<semaphore_mem>>) src(%dma_wait3A_277 : memref<2x128xi32, #tpu.memory_space<hbm>>) dst(%dma_wait3A_273 : memref<2x128xi32, #tpu.memory_space<vmem>>)
        %add3A_278 = arith.constant 1 : i32
        %add3A_279 = arith.addi %add3A_184, %add3A_278 : i32
        %dma_start3A_280 = arith.constant 3 : i32
        %dma_start3A_281 = arith.constant 0 : i32
        %dma_start3A_282 = arith.constant 0 : i32
        %dma_start3A_283 = tpu.memref_slice %arg6[%dma_start3A_280, %dma_start3A_281, %dma_start3A_282] : memref<4x2x128xi32, #tpu.memory_space<vmem>> -> memref<1x1x128xi32, #tpu.memory_space<vmem>>
        %dma_start3A_284 = tpu.memref_squeeze %dma_start3A_283 : memref<1x1x128xi32, #tpu.memory_space<vmem>> -> memref<128xi32, #tpu.memory_space<vmem>>
        %dma_start3A_285 = arith.constant 0 : i32
        %dma_start3A_286 = arith.constant 0 : i32
        %dma_start3A_287 = tpu.memref_slice %arg2[%dma_start3A_285, %dma_start3A_286] : memref<20480x128xf32, #tpu.memory_space<hbm>> -> memref<20480x128xf32, #tpu.memory_space<hbm>>
        tpu.enqueue_indirect_dma source(%dma_start3A_287 : memref<20480x128xf32, #tpu.memory_space<hbm>>) target(%arg8 : memref<128x128xf32, #tpu.memory_space<vmem>>) offsets(%dma_start3A_284 : memref<128xi32, #tpu.memory_space<vmem>>) semaphore(%arg15 : memref<!tpu.dma_semaphore, #tpu.memory_space<semaphore_mem>>)
      } else {
      }
      %dma_wait3A_197 = arith.constant 2 : i32
      %dma_wait3A_198 = arith.constant 0 : i32
      %dma_wait3A_199 = arith.constant 0 : i32
      %dma_wait3A_200 = tpu.memref_slice %arg6[%dma_wait3A_197, %dma_wait3A_198, %dma_wait3A_199] : memref<4x2x128xi32, #tpu.memory_space<vmem>> -> memref<1x1x128xi32, #tpu.memory_space<vmem>>
      %dma_wait3A_201 = tpu.memref_squeeze %dma_wait3A_200 : memref<1x1x128xi32, #tpu.memory_space<vmem>> -> memref<128xi32, #tpu.memory_space<vmem>>
      %dma_wait3A_202 = arith.constant 0 : i32
      %dma_wait3A_203 = arith.constant 0 : i32
      %dma_wait3A_204 = tpu.memref_slice %arg2[%dma_wait3A_202, %dma_wait3A_203] : memref<20480x128xf32, #tpu.memory_space<hbm>> -> memref<20480x128xf32, #tpu.memory_space<hbm>>
      tpu.wait_indirect_dma semaphore(%arg14 : memref<!tpu.dma_semaphore, #tpu.memory_space<semaphore_mem>>) src(%dma_wait3A_204 : memref<20480x128xf32, #tpu.memory_space<hbm>>) dst(%arg7 : memref<128x128xf32, #tpu.memory_space<vmem>>)
      %dma_start3A_205 = arith.constant 2 : i32
      %dma_start3A_206 = arith.constant 1 : i32
      %dma_start3A_207 = arith.constant 0 : i32
      %dma_start3A_208 = tpu.memref_slice %arg6[%dma_start3A_205, %dma_start3A_206, %dma_start3A_207] : memref<4x2x128xi32, #tpu.memory_space<vmem>> -> memref<1x1x128xi32, #tpu.memory_space<vmem>>
      %dma_start3A_209 = tpu.memref_squeeze %dma_start3A_208 : memref<1x1x128xi32, #tpu.memory_space<vmem>> -> memref<128xi32, #tpu.memory_space<vmem>>
      %dma_start3A_210 = arith.constant 0 : i32
      %dma_start3A_211 = arith.constant 0 : i32
      %dma_start3A_212 = tpu.memref_slice %arg9[%dma_start3A_210, %dma_start3A_211] : memref<10240x128xf32, #tpu.memory_space<vmem_shared>> -> memref<10240x128xf32, #tpu.memory_space<vmem_shared>>
      tpu.enqueue_indirect_dma source(%arg7 : memref<128x128xf32, #tpu.memory_space<vmem>>) target(%dma_start3A_212 : memref<10240x128xf32, #tpu.memory_space<vmem_shared>>) offsets(%dma_start3A_209 : memref<128xi32, #tpu.memory_space<vmem>>) semaphore(%arg16 : memref<!tpu.dma_semaphore, #tpu.memory_space<semaphore_mem>>) {add = true}
      %add3A_213 = arith.constant 3 : i32
      %add3A_214 = arith.addi %add3A_184, %add3A_213 : i32
      %lt3A_215 = arith.constant 80 : i32
      %lt3A_216 = arith.cmpi slt, %add3A_214, %lt3A_215 : i32
      %convert_element_type3A_217 = arith.extui %lt3A_216 : i1 to i32
      %cond3A_218 = arith.constant 0 : i32
      %cond3A_219 = arith.cmpi ne, %convert_element_type3A_217, %cond3A_218 : i32
      scf.if %cond3A_219 {
        %add3A_259 = arith.constant 3 : i32
        %add3A_260 = arith.addi %add3A_184, %add3A_259 : i32
        %dma_start3A_261 = arith.constant 1 : i32
        %dma_start3A_262 = arith.constant 0 : i32
        %dma_start3A_263 = arith.constant 0 : i32
        %dma_start3A_264 = tpu.memref_slice %arg6[%dma_start3A_261, %dma_start3A_262, %dma_start3A_263] : memref<4x2x128xi32, #tpu.memory_space<vmem>> -> memref<1x2x128xi32, #tpu.memory_space<vmem>>
        %dma_start3A_265 = tpu.memref_squeeze %dma_start3A_264 : memref<1x2x128xi32, #tpu.memory_space<vmem>> -> memref<2x128xi32, #tpu.memory_space<vmem>>
        %dma_start3A_266 = arith.constant 0 : i32
        %dma_start3A_267 = arith.constant 0 : i32
        %dma_start3A_268 = tpu.memref_slice %arg3[%arg0, %arg1, %add3A_260, %dma_start3A_266, %dma_start3A_267] : memref<2x16x80x2x128xi32, #tpu.memory_space<hbm>> -> memref<1x1x1x2x128xi32, #tpu.memory_space<hbm>>
        %dma_start3A_269 = tpu.memref_squeeze %dma_start3A_268 : memref<1x1x1x2x128xi32, #tpu.memory_space<hbm>> -> memref<2x128xi32, #tpu.memory_space<hbm>>
        %dma_start3A_270 = arith.constant 0 : i32
        %dma_start3A_271 = arith.constant 0 : i32
        %dma_start3A_272 = tpu.memref_slice %arg6[%dma_start3A_261, %dma_start3A_270, %dma_start3A_271] : memref<4x2x128xi32, #tpu.memory_space<vmem>> -> memref<1x2x128xi32, #tpu.memory_space<vmem>>
        %dma_start3A_273 = tpu.memref_squeeze %dma_start3A_272 : memref<1x2x128xi32, #tpu.memory_space<vmem>> -> memref<2x128xi32, #tpu.memory_space<vmem>>
        %dma_start3A_274 = arith.constant 0 : i32
        %dma_start3A_275 = arith.constant 0 : i32
        %dma_start3A_276 = tpu.memref_slice %arg3[%arg0, %arg1, %add3A_260, %dma_start3A_274, %dma_start3A_275] : memref<2x16x80x2x128xi32, #tpu.memory_space<hbm>> -> memref<1x1x1x2x128xi32, #tpu.memory_space<hbm>>
        %dma_start3A_277 = tpu.memref_squeeze %dma_start3A_276 : memref<1x1x1x2x128xi32, #tpu.memory_space<hbm>> -> memref<2x128xi32, #tpu.memory_space<hbm>>
        tpu.enqueue_dma source(%dma_start3A_277 : memref<2x128xi32, #tpu.memory_space<hbm>>) target(%dma_start3A_273 : memref<2x128xi32, #tpu.memory_space<vmem>>) target_semaphore(%arg11 : memref<!tpu.dma_semaphore, #tpu.memory_space<semaphore_mem>>)
      } else {
      }
      %mul3A_220 = arith.constant 4 : i32
      %mul3A_221 = arith.muli %scan3A_104, %mul3A_220 : i32
      %add3A_222 = arith.constant 3 : i32
      %add3A_223 = arith.addi %mul3A_221, %add3A_222 : i32
      %ge3A_224 = arith.constant 1 : i32
      %ge3A_225 = arith.cmpi sge, %add3A_223, %ge3A_224 : i32
      %convert_element_type3A_226 = arith.extui %ge3A_225 : i1 to i32
      %cond3A_227 = arith.constant 0 : i32
      %cond3A_228 = arith.cmpi ne, %convert_element_type3A_226, %cond3A_227 : i32
      scf.if %cond3A_228 {
        %sub3A = arith.constant 1 : i32
        %sub3A_259 = arith.subi %add3A_223, %sub3A : i32
        %dma_wait3A_260 = arith.constant 2 : i32
        %dma_wait3A_261 = arith.constant 1 : i32
        %dma_wait3A_262 = arith.constant 0 : i32
        %dma_wait3A_263 = tpu.memref_slice %arg6[%dma_wait3A_260, %dma_wait3A_261, %dma_wait3A_262] : memref<4x2x128xi32, #tpu.memory_space<vmem>> -> memref<1x1x128xi32, #tpu.memory_space<vmem>>
        %dma_wait3A_264 = tpu.memref_squeeze %dma_wait3A_263 : memref<1x1x128xi32, #tpu.memory_space<vmem>> -> memref<128xi32, #tpu.memory_space<vmem>>
        %dma_wait3A_265 = arith.constant 0 : i32
        %dma_wait3A_266 = arith.constant 0 : i32
        %dma_wait3A_267 = tpu.memref_slice %arg9[%dma_wait3A_265, %dma_wait3A_266] : memref<10240x128xf32, #tpu.memory_space<vmem_shared>> -> memref<10240x128xf32, #tpu.memory_space<vmem_shared>>
        tpu.wait_indirect_dma semaphore(%arg16 : memref<!tpu.dma_semaphore, #tpu.memory_space<semaphore_mem>>) src(%arg7 : memref<128x128xf32, #tpu.memory_space<vmem>>) dst(%dma_wait3A_267 : memref<10240x128xf32, #tpu.memory_space<vmem_shared>>)
      } else {
      }
      %add3A_229 = arith.constant 1 : i32
      %add3A_230 = arith.addi %add3A_223, %add3A_229 : i32
      %lt3A_231 = arith.constant 80 : i32
      %lt3A_232 = arith.cmpi slt, %add3A_230, %lt3A_231 : i32
      %convert_element_type3A_233 = arith.extui %lt3A_232 : i1 to i32
      %cond3A_234 = arith.constant 0 : i32
      %cond3A_235 = arith.cmpi ne, %convert_element_type3A_233, %cond3A_234 : i32
      scf.if %cond3A_235 {
        %add3A_259 = arith.constant 1 : i32
        %add3A_260 = arith.addi %add3A_223, %add3A_259 : i32
        %dma_wait3A_261 = arith.constant 0 : i32
        %dma_wait3A_262 = arith.constant 0 : i32
        %dma_wait3A_263 = arith.constant 0 : i32
        %dma_wait3A_264 = tpu.memref_slice %arg6[%dma_wait3A_261, %dma_wait3A_262, %dma_wait3A_263] : memref<4x2x128xi32, #tpu.memory_space<vmem>> -> memref<1x2x128xi32, #tpu.memory_space<vmem>>
        %dma_wait3A_265 = tpu.memref_squeeze %dma_wait3A_264 : memref<1x2x128xi32, #tpu.memory_space<vmem>> -> memref<2x128xi32, #tpu.memory_space<vmem>>
        %dma_wait3A_266 = arith.constant 0 : i32
        %dma_wait3A_267 = arith.constant 0 : i32
        %dma_wait3A_268 = tpu.memref_slice %arg3[%arg0, %arg1, %add3A_260, %dma_wait3A_266, %dma_wait3A_267] : memref<2x16x80x2x128xi32, #tpu.memory_space<hbm>> -> memref<1x1x1x2x128xi32, #tpu.memory_space<hbm>>
        %dma_wait3A_269 = tpu.memref_squeeze %dma_wait3A_268 : memref<1x1x1x2x128xi32, #tpu.memory_space<hbm>> -> memref<2x128xi32, #tpu.memory_space<hbm>>
        %dma_wait3A_270 = arith.constant 0 : i32
        %dma_wait3A_271 = arith.constant 0 : i32
        %dma_wait3A_272 = tpu.memref_slice %arg6[%dma_wait3A_261, %dma_wait3A_270, %dma_wait3A_271] : memref<4x2x128xi32, #tpu.memory_space<vmem>> -> memref<1x2x128xi32, #tpu.memory_space<vmem>>
        %dma_wait3A_273 = tpu.memref_squeeze %dma_wait3A_272 : memref<1x2x128xi32, #tpu.memory_space<vmem>> -> memref<2x128xi32, #tpu.memory_space<vmem>>
        %dma_wait3A_274 = arith.constant 0 : i32
        %dma_wait3A_275 = arith.constant 0 : i32
        %dma_wait3A_276 = tpu.memref_slice %arg3[%arg0, %arg1, %add3A_260, %dma_wait3A_274, %dma_wait3A_275] : memref<2x16x80x2x128xi32, #tpu.memory_space<hbm>> -> memref<1x1x1x2x128xi32, #tpu.memory_space<hbm>>
        %dma_wait3A_277 = tpu.memref_squeeze %dma_wait3A_276 : memref<1x1x1x2x128xi32, #tpu.memory_space<hbm>> -> memref<2x128xi32, #tpu.memory_space<hbm>>
        tpu.wait_dma2 semaphore(%arg10 : memref<!tpu.dma_semaphore, #tpu.memory_space<semaphore_mem>>) src(%dma_wait3A_277 : memref<2x128xi32, #tpu.memory_space<hbm>>) dst(%dma_wait3A_273 : memref<2x128xi32, #tpu.memory_space<vmem>>)
        %add3A_278 = arith.constant 1 : i32
        %add3A_279 = arith.addi %add3A_223, %add3A_278 : i32
        %dma_start3A_280 = arith.constant 0 : i32
        %dma_start3A_281 = arith.constant 0 : i32
        %dma_start3A_282 = arith.constant 0 : i32
        %dma_start3A_283 = tpu.memref_slice %arg6[%dma_start3A_280, %dma_start3A_281, %dma_start3A_282] : memref<4x2x128xi32, #tpu.memory_space<vmem>> -> memref<1x1x128xi32, #tpu.memory_space<vmem>>
        %dma_start3A_284 = tpu.memref_squeeze %dma_start3A_283 : memref<1x1x128xi32, #tpu.memory_space<vmem>> -> memref<128xi32, #tpu.memory_space<vmem>>
        %dma_start3A_285 = arith.constant 0 : i32
        %dma_start3A_286 = arith.constant 0 : i32
        %dma_start3A_287 = tpu.memref_slice %arg2[%dma_start3A_285, %dma_start3A_286] : memref<20480x128xf32, #tpu.memory_space<hbm>> -> memref<20480x128xf32, #tpu.memory_space<hbm>>
        tpu.enqueue_indirect_dma source(%dma_start3A_287 : memref<20480x128xf32, #tpu.memory_space<hbm>>) target(%arg7 : memref<128x128xf32, #tpu.memory_space<vmem>>) offsets(%dma_start3A_284 : memref<128xi32, #tpu.memory_space<vmem>>) semaphore(%arg14 : memref<!tpu.dma_semaphore, #tpu.memory_space<semaphore_mem>>)
      } else {
      }
      %dma_wait3A_236 = arith.constant 3 : i32
      %dma_wait3A_237 = arith.constant 0 : i32
      %dma_wait3A_238 = arith.constant 0 : i32
      %dma_wait3A_239 = tpu.memref_slice %arg6[%dma_wait3A_236, %dma_wait3A_237, %dma_wait3A_238] : memref<4x2x128xi32, #tpu.memory_space<vmem>> -> memref<1x1x128xi32, #tpu.memory_space<vmem>>
      %dma_wait3A_240 = tpu.memref_squeeze %dma_wait3A_239 : memref<1x1x128xi32, #tpu.memory_space<vmem>> -> memref<128xi32, #tpu.memory_space<vmem>>
      %dma_wait3A_241 = arith.constant 0 : i32
      %dma_wait3A_242 = arith.constant 0 : i32
      %dma_wait3A_243 = tpu.memref_slice %arg2[%dma_wait3A_241, %dma_wait3A_242] : memref<20480x128xf32, #tpu.memory_space<hbm>> -> memref<20480x128xf32, #tpu.memory_space<hbm>>
      tpu.wait_indirect_dma semaphore(%arg15 : memref<!tpu.dma_semaphore, #tpu.memory_space<semaphore_mem>>) src(%dma_wait3A_243 : memref<20480x128xf32, #tpu.memory_space<hbm>>) dst(%arg8 : memref<128x128xf32, #tpu.memory_space<vmem>>)
      %dma_start3A_244 = arith.constant 3 : i32
      %dma_start3A_245 = arith.constant 1 : i32
      %dma_start3A_246 = arith.constant 0 : i32
      %dma_start3A_247 = tpu.memref_slice %arg6[%dma_start3A_244, %dma_start3A_245, %dma_start3A_246] : memref<4x2x128xi32, #tpu.memory_space<vmem>> -> memref<1x1x128xi32, #tpu.memory_space<vmem>>
      %dma_start3A_248 = tpu.memref_squeeze %dma_start3A_247 : memref<1x1x128xi32, #tpu.memory_space<vmem>> -> memref<128xi32, #tpu.memory_space<vmem>>
      %dma_start3A_249 = arith.constant 0 : i32
      %dma_start3A_250 = arith.constant 0 : i32
      %dma_start3A_251 = tpu.memref_slice %arg9[%dma_start3A_249, %dma_start3A_250] : memref<10240x128xf32, #tpu.memory_space<vmem_shared>> -> memref<10240x128xf32, #tpu.memory_space<vmem_shared>>
      tpu.enqueue_indirect_dma source(%arg8 : memref<128x128xf32, #tpu.memory_space<vmem>>) target(%dma_start3A_251 : memref<10240x128xf32, #tpu.memory_space<vmem_shared>>) offsets(%dma_start3A_248 : memref<128xi32, #tpu.memory_space<vmem>>) semaphore(%arg17 : memref<!tpu.dma_semaphore, #tpu.memory_space<semaphore_mem>>) {add = true}
      %add3A_252 = arith.constant 3 : i32
      %add3A_253 = arith.addi %add3A_223, %add3A_252 : i32
      %lt3A_254 = arith.constant 80 : i32
      %lt3A_255 = arith.cmpi slt, %add3A_253, %lt3A_254 : i32
      %convert_element_type3A_256 = arith.extui %lt3A_255 : i1 to i32
      %cond3A_257 = arith.constant 0 : i32
      %cond3A_258 = arith.cmpi ne, %convert_element_type3A_256, %cond3A_257 : i32
      scf.if %cond3A_258 {
        %add3A_259 = arith.constant 3 : i32
        %add3A_260 = arith.addi %add3A_223, %add3A_259 : i32
        %dma_start3A_261 = arith.constant 2 : i32
        %dma_start3A_262 = arith.constant 0 : i32
        %dma_start3A_263 = arith.constant 0 : i32
        %dma_start3A_264 = tpu.memref_slice %arg6[%dma_start3A_261, %dma_start3A_262, %dma_start3A_263] : memref<4x2x128xi32, #tpu.memory_space<vmem>> -> memref<1x2x128xi32, #tpu.memory_space<vmem>>
        %dma_start3A_265 = tpu.memref_squeeze %dma_start3A_264 : memref<1x2x128xi32, #tpu.memory_space<vmem>> -> memref<2x128xi32, #tpu.memory_space<vmem>>
        %dma_start3A_266 = arith.constant 0 : i32
        %dma_start3A_267 = arith.constant 0 : i32
        %dma_start3A_268 = tpu.memref_slice %arg3[%arg0, %arg1, %add3A_260, %dma_start3A_266, %dma_start3A_267] : memref<2x16x80x2x128xi32, #tpu.memory_space<hbm>> -> memref<1x1x1x2x128xi32, #tpu.memory_space<hbm>>
        %dma_start3A_269 = tpu.memref_squeeze %dma_start3A_268 : memref<1x1x1x2x128xi32, #tpu.memory_space<hbm>> -> memref<2x128xi32, #tpu.memory_space<hbm>>
        %dma_start3A_270 = arith.constant 0 : i32
        %dma_start3A_271 = arith.constant 0 : i32
        %dma_start3A_272 = tpu.memref_slice %arg6[%dma_start3A_261, %dma_start3A_270, %dma_start3A_271] : memref<4x2x128xi32, #tpu.memory_space<vmem>> -> memref<1x2x128xi32, #tpu.memory_space<vmem>>
        %dma_start3A_273 = tpu.memref_squeeze %dma_start3A_272 : memref<1x2x128xi32, #tpu.memory_space<vmem>> -> memref<2x128xi32, #tpu.memory_space<vmem>>
        %dma_start3A_274 = arith.constant 0 : i32
        %dma_start3A_275 = arith.constant 0 : i32
        %dma_start3A_276 = tpu.memref_slice %arg3[%arg0, %arg1, %add3A_260, %dma_start3A_274, %dma_start3A_275] : memref<2x16x80x2x128xi32, #tpu.memory_space<hbm>> -> memref<1x1x1x2x128xi32, #tpu.memory_space<hbm>>
        %dma_start3A_277 = tpu.memref_squeeze %dma_start3A_276 : memref<1x1x1x2x128xi32, #tpu.memory_space<hbm>> -> memref<2x128xi32, #tpu.memory_space<hbm>>
        tpu.enqueue_dma source(%dma_start3A_277 : memref<2x128xi32, #tpu.memory_space<hbm>>) target(%dma_start3A_273 : memref<2x128xi32, #tpu.memory_space<vmem>>) target_semaphore(%arg12 : memref<!tpu.dma_semaphore, #tpu.memory_space<semaphore_mem>>)
      } else {
      }
    }
    %scan3A_87 = arith.constant 20 : i32
    %dma_wait3A_88 = arith.constant 3 : i32
    %dma_wait3A_89 = arith.constant 1 : i32
    %dma_wait3A_90 = arith.constant 0 : i32
    %dma_wait3A_91 = tpu.memref_slice %arg6[%dma_wait3A_88, %dma_wait3A_89, %dma_wait3A_90] : memref<4x2x128xi32, #tpu.memory_space<vmem>> -> memref<1x1x128xi32, #tpu.memory_space<vmem>>
    %dma_wait3A_92 = tpu.memref_squeeze %dma_wait3A_91 : memref<1x1x128xi32, #tpu.memory_space<vmem>> -> memref<128xi32, #tpu.memory_space<vmem>>
    %dma_wait3A_93 = arith.constant 0 : i32
    %dma_wait3A_94 = arith.constant 0 : i32
    %dma_wait3A_95 = tpu.memref_slice %arg9[%dma_wait3A_93, %dma_wait3A_94] : memref<10240x128xf32, #tpu.memory_space<vmem_shared>> -> memref<10240x128xf32, #tpu.memory_space<vmem_shared>>
    tpu.wait_indirect_dma semaphore(%arg17 : memref<!tpu.dma_semaphore, #tpu.memory_space<semaphore_mem>>) src(%arg8 : memref<128x128xf32, #tpu.memory_space<vmem>>) dst(%dma_wait3A_95 : memref<10240x128xf32, #tpu.memory_space<vmem_shared>>)
    %barrier3A_96 = arith.constant 0 : index
    tpu.barrier barrier_id(%barrier3A_96)
    %eq3A = arith.constant 0 : i32
    %eq3A_97 = arith.cmpi eq, %arg0, %eq3A : i32
    %convert_element_type3A = arith.extui %eq3A_97 : i1 to i32
    %cond3A = arith.constant 0 : i32
    %cond3A_98 = arith.cmpi ne, %convert_element_type3A, %cond3A : i32
    scf.if %cond3A_98 {
      %mul3A_104 = arith.constant 640 : i32
      %mul3A_105 = arith.muli %arg1, %mul3A_104 : i32
      %mul3A_106 = arith.constant 640 : i32
      %mul3A_107 = arith.muli %arg1, %mul3A_106 : i32
      "tpu.region"() ({
        %run_scoped3A = tpu.sem_alloc : memref<!tpu.dma_semaphore, #tpu.memory_space<semaphore_mem>>
        %dma_start3A_108 = arith.constant 0 : i32
        %dma_start3A_109 = tpu.memref_slice %arg4[%mul3A_107, %dma_start3A_108] : memref<10240x128xf32, #tpu.memory_space<hbm>> -> memref<640x128xf32, #tpu.memory_space<hbm>>
        %dma_start3A_110 = arith.constant 0 : i32
        %dma_start3A_111 = tpu.memref_slice %arg9[%mul3A_105, %dma_start3A_110] : memref<10240x128xf32, #tpu.memory_space<vmem_shared>> -> memref<640x128xf32, #tpu.memory_space<vmem_shared>>
        tpu.enqueue_dma source(%dma_start3A_111 : memref<640x128xf32, #tpu.memory_space<vmem_shared>>) target(%dma_start3A_109 : memref<640x128xf32, #tpu.memory_space<hbm>>) target_semaphore(%run_scoped3A : memref<!tpu.dma_semaphore, #tpu.memory_space<semaphore_mem>>)
        %dma_wait3A_112 = arith.constant 0 : i32
        %dma_wait3A_113 = tpu.memref_slice %arg4[%mul3A_107, %dma_wait3A_112] : memref<10240x128xf32, #tpu.memory_space<hbm>> -> memref<640x128xf32, #tpu.memory_space<hbm>>
        %dma_wait3A_114 = arith.constant 0 : i32
        %dma_wait3A_115 = tpu.memref_slice %arg9[%mul3A_105, %dma_wait3A_114] : memref<10240x128xf32, #tpu.memory_space<vmem_shared>> -> memref<640x128xf32, #tpu.memory_space<vmem_shared>>
        tpu.wait_dma2 semaphore(%run_scoped3A : memref<!tpu.dma_semaphore, #tpu.memory_space<semaphore_mem>>) src(%dma_wait3A_115 : memref<640x128xf32, #tpu.memory_space<vmem_shared>>) dst(%dma_wait3A_113 : memref<640x128xf32, #tpu.memory_space<hbm>>)
        tpu.yield
      }) : () -> ()
    } else {
    }
    %eq3A_99 = arith.constant 1 : i32
    %eq3A_100 = arith.cmpi eq, %arg0, %eq3A_99 : i32
    %convert_element_type3A_101 = arith.extui %eq3A_100 : i1 to i32
    %cond3A_102 = arith.constant 0 : i32
    %cond3A_103 = arith.cmpi ne, %convert_element_type3A_101, %cond3A_102 : i32
    scf.if %cond3A_103 {
      %mul3A_104 = arith.constant 640 : i32
      %mul3A_105 = arith.muli %arg1, %mul3A_104 : i32
      %mul3A_106 = arith.constant 640 : i32
      %mul3A_107 = arith.muli %arg1, %mul3A_106 : i32
      "tpu.region"() ({
        %run_scoped3A = tpu.sem_alloc : memref<!tpu.dma_semaphore, #tpu.memory_space<semaphore_mem>>
        %dma_start3A_108 = arith.constant 0 : i32
        %dma_start3A_109 = tpu.memref_slice %arg5[%mul3A_107, %dma_start3A_108] : memref<10240x128xf32, #tpu.memory_space<hbm>> -> memref<640x128xf32, #tpu.memory_space<hbm>>
        %dma_start3A_110 = arith.constant 0 : i32
        %dma_start3A_111 = tpu.memref_slice %arg9[%mul3A_105, %dma_start3A_110] : memref<10240x128xf32, #tpu.memory_space<vmem_shared>> -> memref<640x128xf32, #tpu.memory_space<vmem_shared>>
        tpu.enqueue_dma source(%dma_start3A_111 : memref<640x128xf32, #tpu.memory_space<vmem_shared>>) target(%dma_start3A_109 : memref<640x128xf32, #tpu.memory_space<hbm>>) target_semaphore(%run_scoped3A : memref<!tpu.dma_semaphore, #tpu.memory_space<semaphore_mem>>)
        %dma_wait3A_112 = arith.constant 0 : i32
        %dma_wait3A_113 = tpu.memref_slice %arg5[%mul3A_107, %dma_wait3A_112] : memref<10240x128xf32, #tpu.memory_space<hbm>> -> memref<640x128xf32, #tpu.memory_space<hbm>>
        %dma_wait3A_114 = arith.constant 0 : i32
        %dma_wait3A_115 = tpu.memref_slice %arg9[%mul3A_105, %dma_wait3A_114] : memref<10240x128xf32, #tpu.memory_space<vmem_shared>> -> memref<640x128xf32, #tpu.memory_space<vmem_shared>>
        tpu.wait_dma2 semaphore(%run_scoped3A : memref<!tpu.dma_semaphore, #tpu.memory_space<semaphore_mem>>) src(%dma_wait3A_115 : memref<640x128xf32, #tpu.memory_space<vmem_shared>>) dst(%dma_wait3A_113 : memref<640x128xf32, #tpu.memory_space<hbm>>)
        tpu.yield
      }) : () -> ()
    } else {
    }
    return
  }
}

#map = affine_map<(d0, d1) -> (0, 0)>
#map1 = affine_map<(d0, d1) -> (0, 0, 0, 0, 0)>
module attributes {stable_mosaic.version = 14 : i64} {
  func.func @_edge_body(%arg0: i32, %arg1: i32, %arg2: memref<20480x128xf32, #tpu.memory_space<hbm>>, %arg3: memref<2x16x80x2x128xi32, #tpu.memory_space<hbm>>, %arg4: memref<10240x128xf32, #tpu.memory_space<hbm>>, %arg5: memref<10240x128xf32, #tpu.memory_space<hbm>>, %arg6: memref<4x2x128xi32, #tpu.memory_space<vmem>>, %arg7: memref<128x128xf32, #tpu.memory_space<vmem>>, %arg8: memref<128x128xf32, #tpu.memory_space<vmem>>, %arg9: memref<10240x128xf32, #tpu.memory_space<vmem_shared>>, %arg10: memref<!tpu.dma_semaphore, #tpu.memory_space<semaphore_mem>>, %arg11: memref<!tpu.dma_semaphore, #tpu.memory_space<semaphore_mem>>, %arg12: memref<!tpu.dma_semaphore, #tpu.memory_space<semaphore_mem>>, %arg13: memref<!tpu.dma_semaphore, #tpu.memory_space<semaphore_mem>>, %arg14: memref<!tpu.dma_semaphore, #tpu.memory_space<semaphore_mem>>, %arg15: memref<!tpu.dma_semaphore, #tpu.memory_space<semaphore_mem>>, %arg16: memref<!tpu.dma_semaphore, #tpu.memory_space<semaphore_mem>>, %arg17: memref<!tpu.dma_semaphore, #tpu.memory_space<semaphore_mem>>) attributes {dimension_semantics = [#tpu.dimension_semantics<core_parallel>, #tpu.dimension_semantics<subcore_parallel>], iteration_bounds = array<i64: 2, 16>, scalar_prefetch = 0 : i64, scratch_operands = 12 : i64, tpu.core_type = #tpu.core_type<sc_vector_subcore>, window_params = [{transform_indices = #map}, {transform_indices = #map1}, {transform_indices = #map}, {transform_indices = #map}]} {
    %dma_start3A = arith.constant 0 : i32
    %dma_start3A_0 = arith.constant 0 : i32
    %dma_start3A_1 = arith.constant 0 : i32
    %dma_start3A_2 = arith.constant 0 : i32
    %dma_start3A_3 = tpu.memref_slice %arg6[%dma_start3A_0, %dma_start3A_1, %dma_start3A_2] : memref<4x2x128xi32, #tpu.memory_space<vmem>> -> memref<1x2x128xi32, #tpu.memory_space<vmem>>
    %dma_start3A_4 = tpu.memref_squeeze %dma_start3A_3 : memref<1x2x128xi32, #tpu.memory_space<vmem>> -> memref<2x128xi32, #tpu.memory_space<vmem>>
    %dma_start3A_5 = arith.constant 0 : i32
    %dma_start3A_6 = arith.constant 0 : i32
    %dma_start3A_7 = tpu.memref_slice %arg3[%arg0, %arg1, %dma_start3A, %dma_start3A_5, %dma_start3A_6] : memref<2x16x80x2x128xi32, #tpu.memory_space<hbm>> -> memref<1x1x1x2x128xi32, #tpu.memory_space<hbm>>
    %dma_start3A_8 = tpu.memref_squeeze %dma_start3A_7 : memref<1x1x1x2x128xi32, #tpu.memory_space<hbm>> -> memref<2x128xi32, #tpu.memory_space<hbm>>
    %dma_start3A_9 = arith.constant 0 : i32
    %dma_start3A_10 = arith.constant 0 : i32
    %dma_start3A_11 = tpu.memref_slice %arg6[%dma_start3A_0, %dma_start3A_9, %dma_start3A_10] : memref<4x2x128xi32, #tpu.memory_space<vmem>> -> memref<1x2x128xi32, #tpu.memory_space<vmem>>
    %dma_start3A_12 = tpu.memref_squeeze %dma_start3A_11 : memref<1x2x128xi32, #tpu.memory_space<vmem>> -> memref<2x128xi32, #tpu.memory_space<vmem>>
    %dma_start3A_13 = arith.constant 0 : i32
    %dma_start3A_14 = arith.constant 0 : i32
    %dma_start3A_15 = tpu.memref_slice %arg3[%arg0, %arg1, %dma_start3A, %dma_start3A_13, %dma_start3A_14] : memref<2x16x80x2x128xi32, #tpu.memory_space<hbm>> -> memref<1x1x1x2x128xi32, #tpu.memory_space<hbm>>
    %dma_start3A_16 = tpu.memref_squeeze %dma_start3A_15 : memref<1x1x1x2x128xi32, #tpu.memory_space<hbm>> -> memref<2x128xi32, #tpu.memory_space<hbm>>
    tpu.enqueue_dma source(%dma_start3A_16 : memref<2x128xi32, #tpu.memory_space<hbm>>) target(%dma_start3A_12 : memref<2x128xi32, #tpu.memory_space<vmem>>) target_semaphore(%arg10 : memref<!tpu.dma_semaphore, #tpu.memory_space<semaphore_mem>>)
    %dma_start3A_17 = arith.constant 1 : i32
    %dma_start3A_18 = arith.constant 1 : i32
    %dma_start3A_19 = arith.constant 0 : i32
    %dma_start3A_20 = arith.constant 0 : i32
    %dma_start3A_21 = tpu.memref_slice %arg6[%dma_start3A_18, %dma_start3A_19, %dma_start3A_20] : memref<4x2x128xi32, #tpu.memory_space<vmem>> -> memref<1x2x128xi32, #tpu.memory_space<vmem>>
    %dma_start3A_22 = tpu.memref_squeeze %dma_start3A_21 : memref<1x2x128xi32, #tpu.memory_space<vmem>> -> memref<2x128xi32, #tpu.memory_space<vmem>>
    %dma_start3A_23 = arith.constant 0 : i32
    %dma_start3A_24 = arith.constant 0 : i32
    %dma_start3A_25 = tpu.memref_slice %arg3[%arg0, %arg1, %dma_start3A_17, %dma_start3A_23, %dma_start3A_24] : memref<2x16x80x2x128xi32, #tpu.memory_space<hbm>> -> memref<1x1x1x2x128xi32, #tpu.memory_space<hbm>>
    %dma_start3A_26 = tpu.memref_squeeze %dma_start3A_25 : memref<1x1x1x2x128xi32, #tpu.memory_space<hbm>> -> memref<2x128xi32, #tpu.memory_space<hbm>>
    %dma_start3A_27 = arith.constant 0 : i32
    %dma_start3A_28 = arith.constant 0 : i32
    %dma_start3A_29 = tpu.memref_slice %arg6[%dma_start3A_18, %dma_start3A_27, %dma_start3A_28] : memref<4x2x128xi32, #tpu.memory_space<vmem>> -> memref<1x2x128xi32, #tpu.memory_space<vmem>>
    %dma_start3A_30 = tpu.memref_squeeze %dma_start3A_29 : memref<1x2x128xi32, #tpu.memory_space<vmem>> -> memref<2x128xi32, #tpu.memory_space<vmem>>
    %dma_start3A_31 = arith.constant 0 : i32
    %dma_start3A_32 = arith.constant 0 : i32
    %dma_start3A_33 = tpu.memref_slice %arg3[%arg0, %arg1, %dma_start3A_17, %dma_start3A_31, %dma_start3A_32] : memref<2x16x80x2x128xi32, #tpu.memory_space<hbm>> -> memref<1x1x1x2x128xi32, #tpu.memory_space<hbm>>
    %dma_start3A_34 = tpu.memref_squeeze %dma_start3A_33 : memref<1x1x1x2x128xi32, #tpu.memory_space<hbm>> -> memref<2x128xi32, #tpu.memory_space<hbm>>
    tpu.enqueue_dma source(%dma_start3A_34 : memref<2x128xi32, #tpu.memory_space<hbm>>) target(%dma_start3A_30 : memref<2x128xi32, #tpu.memory_space<vmem>>) target_semaphore(%arg11 : memref<!tpu.dma_semaphore, #tpu.memory_space<semaphore_mem>>)
    %dma_start3A_35 = arith.constant 2 : i32
    %dma_start3A_36 = arith.constant 2 : i32
    %dma_start3A_37 = arith.constant 0 : i32
    %dma_start3A_38 = arith.constant 0 : i32
    %dma_start3A_39 = tpu.memref_slice %arg6[%dma_start3A_36, %dma_start3A_37, %dma_start3A_38] : memref<4x2x128xi32, #tpu.memory_space<vmem>> -> memref<1x2x128xi32, #tpu.memory_space<vmem>>
    %dma_start3A_40 = tpu.memref_squeeze %dma_start3A_39 : memref<1x2x128xi32, #tpu.memory_space<vmem>> -> memref<2x128xi32, #tpu.memory_space<vmem>>
    %dma_start3A_41 = arith.constant 0 : i32
    %dma_start3A_42 = arith.constant 0 : i32
    %dma_start3A_43 = tpu.memref_slice %arg3[%arg0, %arg1, %dma_start3A_35, %dma_start3A_41, %dma_start3A_42] : memref<2x16x80x2x128xi32, #tpu.memory_space<hbm>> -> memref<1x1x1x2x128xi32, #tpu.memory_space<hbm>>
    %dma_start3A_44 = tpu.memref_squeeze %dma_start3A_43 : memref<1x1x1x2x128xi32, #tpu.memory_space<hbm>> -> memref<2x128xi32, #tpu.memory_space<hbm>>
    %dma_start3A_45 = arith.constant 0 : i32
    %dma_start3A_46 = arith.constant 0 : i32
    %dma_start3A_47 = tpu.memref_slice %arg6[%dma_start3A_36, %dma_start3A_45, %dma_start3A_46] : memref<4x2x128xi32, #tpu.memory_space<vmem>> -> memref<1x2x128xi32, #tpu.memory_space<vmem>>
    %dma_start3A_48 = tpu.memref_squeeze %dma_start3A_47 : memref<1x2x128xi32, #tpu.memory_space<vmem>> -> memref<2x128xi32, #tpu.memory_space<vmem>>
    %dma_start3A_49 = arith.constant 0 : i32
    %dma_start3A_50 = arith.constant 0 : i32
    %dma_start3A_51 = tpu.memref_slice %arg3[%arg0, %arg1, %dma_start3A_35, %dma_start3A_49, %dma_start3A_50] : memref<2x16x80x2x128xi32, #tpu.memory_space<hbm>> -> memref<1x1x1x2x128xi32, #tpu.memory_space<hbm>>
    %dma_start3A_52 = tpu.memref_squeeze %dma_start3A_51 : memref<1x1x1x2x128xi32, #tpu.memory_space<hbm>> -> memref<2x128xi32, #tpu.memory_space<hbm>>
    tpu.enqueue_dma source(%dma_start3A_52 : memref<2x128xi32, #tpu.memory_space<hbm>>) target(%dma_start3A_48 : memref<2x128xi32, #tpu.memory_space<vmem>>) target_semaphore(%arg12 : memref<!tpu.dma_semaphore, #tpu.memory_space<semaphore_mem>>)
    %mul3A = arith.constant 10240 : i32
    %mul3A_53 = arith.muli %arg0, %mul3A : i32
    %mul3A_54 = arith.constant 640 : i32
    %mul3A_55 = arith.muli %arg1, %mul3A_54 : i32
    %add3A = arith.addi %mul3A_53, %mul3A_55 : i32
    %mul3A_56 = arith.constant 640 : i32
    %mul3A_57 = arith.muli %arg1, %mul3A_56 : i32
    "tpu.region"() ({
      %run_scoped3A = tpu.sem_alloc : memref<!tpu.dma_semaphore, #tpu.memory_space<semaphore_mem>>
      %dma_start3A_104 = arith.constant 0 : i32
      %dma_start3A_105 = tpu.memref_slice %arg9[%mul3A_57, %dma_start3A_104] : memref<10240x128xf32, #tpu.memory_space<vmem_shared>> -> memref<640x128xf32, #tpu.memory_space<vmem_shared>>
      %dma_start3A_106 = arith.constant 0 : i32
      %dma_start3A_107 = tpu.memref_slice %arg2[%add3A, %dma_start3A_106] : memref<20480x128xf32, #tpu.memory_space<hbm>> -> memref<640x128xf32, #tpu.memory_space<hbm>>
      tpu.enqueue_dma source(%dma_start3A_107 : memref<640x128xf32, #tpu.memory_space<hbm>>) target(%dma_start3A_105 : memref<640x128xf32, #tpu.memory_space<vmem_shared>>) target_semaphore(%run_scoped3A : memref<!tpu.dma_semaphore, #tpu.memory_space<semaphore_mem>>)
      %dma_wait3A_108 = arith.constant 0 : i32
      %dma_wait3A_109 = tpu.memref_slice %arg9[%mul3A_57, %dma_wait3A_108] : memref<10240x128xf32, #tpu.memory_space<vmem_shared>> -> memref<640x128xf32, #tpu.memory_space<vmem_shared>>
      %dma_wait3A_110 = arith.constant 0 : i32
      %dma_wait3A_111 = tpu.memref_slice %arg2[%add3A, %dma_wait3A_110] : memref<20480x128xf32, #tpu.memory_space<hbm>> -> memref<640x128xf32, #tpu.memory_space<hbm>>
      tpu.wait_dma2 semaphore(%run_scoped3A : memref<!tpu.dma_semaphore, #tpu.memory_space<semaphore_mem>>) src(%dma_wait3A_111 : memref<640x128xf32, #tpu.memory_space<hbm>>) dst(%dma_wait3A_109 : memref<640x128xf32, #tpu.memory_space<vmem_shared>>)
      tpu.yield
    }) : () -> ()
    %dma_wait3A = arith.constant 0 : i32
    %dma_wait3A_58 = arith.constant 0 : i32
    %dma_wait3A_59 = arith.constant 0 : i32
    %dma_wait3A_60 = arith.constant 0 : i32
    %dma_wait3A_61 = tpu.memref_slice %arg6[%dma_wait3A_58, %dma_wait3A_59, %dma_wait3A_60] : memref<4x2x128xi32, #tpu.memory_space<vmem>> -> memref<1x2x128xi32, #tpu.memory_space<vmem>>
    %dma_wait3A_62 = tpu.memref_squeeze %dma_wait3A_61 : memref<1x2x128xi32, #tpu.memory_space<vmem>> -> memref<2x128xi32, #tpu.memory_space<vmem>>
    %dma_wait3A_63 = arith.constant 0 : i32
    %dma_wait3A_64 = arith.constant 0 : i32
    %dma_wait3A_65 = tpu.memref_slice %arg3[%arg0, %arg1, %dma_wait3A, %dma_wait3A_63, %dma_wait3A_64] : memref<2x16x80x2x128xi32, #tpu.memory_space<hbm>> -> memref<1x1x1x2x128xi32, #tpu.memory_space<hbm>>
    %dma_wait3A_66 = tpu.memref_squeeze %dma_wait3A_65 : memref<1x1x1x2x128xi32, #tpu.memory_space<hbm>> -> memref<2x128xi32, #tpu.memory_space<hbm>>
    %dma_wait3A_67 = arith.constant 0 : i32
    %dma_wait3A_68 = arith.constant 0 : i32
    %dma_wait3A_69 = tpu.memref_slice %arg6[%dma_wait3A_58, %dma_wait3A_67, %dma_wait3A_68] : memref<4x2x128xi32, #tpu.memory_space<vmem>> -> memref<1x2x128xi32, #tpu.memory_space<vmem>>
    %dma_wait3A_70 = tpu.memref_squeeze %dma_wait3A_69 : memref<1x2x128xi32, #tpu.memory_space<vmem>> -> memref<2x128xi32, #tpu.memory_space<vmem>>
    %dma_wait3A_71 = arith.constant 0 : i32
    %dma_wait3A_72 = arith.constant 0 : i32
    %dma_wait3A_73 = tpu.memref_slice %arg3[%arg0, %arg1, %dma_wait3A, %dma_wait3A_71, %dma_wait3A_72] : memref<2x16x80x2x128xi32, #tpu.memory_space<hbm>> -> memref<1x1x1x2x128xi32, #tpu.memory_space<hbm>>
    %dma_wait3A_74 = tpu.memref_squeeze %dma_wait3A_73 : memref<1x1x1x2x128xi32, #tpu.memory_space<hbm>> -> memref<2x128xi32, #tpu.memory_space<hbm>>
    tpu.wait_dma2 semaphore(%arg10 : memref<!tpu.dma_semaphore, #tpu.memory_space<semaphore_mem>>) src(%dma_wait3A_74 : memref<2x128xi32, #tpu.memory_space<hbm>>) dst(%dma_wait3A_70 : memref<2x128xi32, #tpu.memory_space<vmem>>)
    %dma_start3A_75 = arith.constant 0 : i32
    %dma_start3A_76 = arith.constant 0 : i32
    %dma_start3A_77 = arith.constant 0 : i32
    %dma_start3A_78 = tpu.memref_slice %arg6[%dma_start3A_75, %dma_start3A_76, %dma_start3A_77] : memref<4x2x128xi32, #tpu.memory_space<vmem>> -> memref<1x1x128xi32, #tpu.memory_space<vmem>>
    %dma_start3A_79 = tpu.memref_squeeze %dma_start3A_78 : memref<1x1x128xi32, #tpu.memory_space<vmem>> -> memref<128xi32, #tpu.memory_space<vmem>>
    %dma_start3A_80 = arith.constant 0 : i32
    %dma_start3A_81 = arith.constant 0 : i32
    %dma_start3A_82 = tpu.memref_slice %arg2[%dma_start3A_80, %dma_start3A_81] : memref<20480x128xf32, #tpu.memory_space<hbm>> -> memref<20480x128xf32, #tpu.memory_space<hbm>>
    tpu.enqueue_indirect_dma source(%dma_start3A_82 : memref<20480x128xf32, #tpu.memory_space<hbm>>) target(%arg7 : memref<128x128xf32, #tpu.memory_space<vmem>>) offsets(%dma_start3A_79 : memref<128xi32, #tpu.memory_space<vmem>>) semaphore(%arg14 : memref<!tpu.dma_semaphore, #tpu.memory_space<semaphore_mem>>)
    %barrier3A = arith.constant 0 : index
    tpu.barrier barrier_id(%barrier3A)
    %scan3A = arith.constant 0 : i32
    %scan3A_83 = arith.constant 0 : i32
    %scan3A_84 = arith.constant 20 : i32
    %scan3A_85 = arith.addi %scan3A_83, %scan3A_84 : i32
    %scan3A_86 = arith.constant 1 : i32
    scf.for %scan3A_104 = %scan3A_83 to %scan3A_85 step %scan3A_86  : i32 {
      %mul3A_105 = arith.constant 4 : i32
      %mul3A_106 = arith.muli %scan3A_104, %mul3A_105 : i32
      %add3A_107 = arith.constant 0 : i32
      %add3A_108 = arith.addi %mul3A_106, %add3A_107 : i32
      %ge3A = arith.constant 1 : i32
      %ge3A_109 = arith.cmpi sge, %add3A_108, %ge3A : i32
      %convert_element_type3A_110 = arith.extui %ge3A_109 : i1 to i32
      %cond3A_111 = arith.constant 0 : i32
      %cond3A_112 = arith.cmpi ne, %convert_element_type3A_110, %cond3A_111 : i32
      scf.if %cond3A_112 {
        %sub3A = arith.constant 1 : i32
        %sub3A_259 = arith.subi %add3A_108, %sub3A : i32
        %dma_wait3A_260 = arith.constant 3 : i32
        %dma_wait3A_261 = arith.constant 1 : i32
        %dma_wait3A_262 = arith.constant 0 : i32
        %dma_wait3A_263 = tpu.memref_slice %arg6[%dma_wait3A_260, %dma_wait3A_261, %dma_wait3A_262] : memref<4x2x128xi32, #tpu.memory_space<vmem>> -> memref<1x1x128xi32, #tpu.memory_space<vmem>>
        %dma_wait3A_264 = tpu.memref_squeeze %dma_wait3A_263 : memref<1x1x128xi32, #tpu.memory_space<vmem>> -> memref<128xi32, #tpu.memory_space<vmem>>
        %dma_wait3A_265 = arith.constant 0 : i32
        %dma_wait3A_266 = arith.constant 0 : i32
        %dma_wait3A_267 = tpu.memref_slice %arg9[%dma_wait3A_265, %dma_wait3A_266] : memref<10240x128xf32, #tpu.memory_space<vmem_shared>> -> memref<10240x128xf32, #tpu.memory_space<vmem_shared>>
        tpu.wait_indirect_dma semaphore(%arg17 : memref<!tpu.dma_semaphore, #tpu.memory_space<semaphore_mem>>) src(%arg8 : memref<128x128xf32, #tpu.memory_space<vmem>>) dst(%dma_wait3A_267 : memref<10240x128xf32, #tpu.memory_space<vmem_shared>>)
      } else {
      }
      %add3A_113 = arith.constant 1 : i32
      %add3A_114 = arith.addi %add3A_108, %add3A_113 : i32
      %lt3A = arith.constant 80 : i32
      %lt3A_115 = arith.cmpi slt, %add3A_114, %lt3A : i32
      %convert_element_type3A_116 = arith.extui %lt3A_115 : i1 to i32
      %cond3A_117 = arith.constant 0 : i32
      %cond3A_118 = arith.cmpi ne, %convert_element_type3A_116, %cond3A_117 : i32
      scf.if %cond3A_118 {
        %add3A_259 = arith.constant 1 : i32
        %add3A_260 = arith.addi %add3A_108, %add3A_259 : i32
        %dma_wait3A_261 = arith.constant 1 : i32
        %dma_wait3A_262 = arith.constant 0 : i32
        %dma_wait3A_263 = arith.constant 0 : i32
        %dma_wait3A_264 = tpu.memref_slice %arg6[%dma_wait3A_261, %dma_wait3A_262, %dma_wait3A_263] : memref<4x2x128xi32, #tpu.memory_space<vmem>> -> memref<1x2x128xi32, #tpu.memory_space<vmem>>
        %dma_wait3A_265 = tpu.memref_squeeze %dma_wait3A_264 : memref<1x2x128xi32, #tpu.memory_space<vmem>> -> memref<2x128xi32, #tpu.memory_space<vmem>>
        %dma_wait3A_266 = arith.constant 0 : i32
        %dma_wait3A_267 = arith.constant 0 : i32
        %dma_wait3A_268 = tpu.memref_slice %arg3[%arg0, %arg1, %add3A_260, %dma_wait3A_266, %dma_wait3A_267] : memref<2x16x80x2x128xi32, #tpu.memory_space<hbm>> -> memref<1x1x1x2x128xi32, #tpu.memory_space<hbm>>
        %dma_wait3A_269 = tpu.memref_squeeze %dma_wait3A_268 : memref<1x1x1x2x128xi32, #tpu.memory_space<hbm>> -> memref<2x128xi32, #tpu.memory_space<hbm>>
        %dma_wait3A_270 = arith.constant 0 : i32
        %dma_wait3A_271 = arith.constant 0 : i32
        %dma_wait3A_272 = tpu.memref_slice %arg6[%dma_wait3A_261, %dma_wait3A_270, %dma_wait3A_271] : memref<4x2x128xi32, #tpu.memory_space<vmem>> -> memref<1x2x128xi32, #tpu.memory_space<vmem>>
        %dma_wait3A_273 = tpu.memref_squeeze %dma_wait3A_272 : memref<1x2x128xi32, #tpu.memory_space<vmem>> -> memref<2x128xi32, #tpu.memory_space<vmem>>
        %dma_wait3A_274 = arith.constant 0 : i32
        %dma_wait3A_275 = arith.constant 0 : i32
        %dma_wait3A_276 = tpu.memref_slice %arg3[%arg0, %arg1, %add3A_260, %dma_wait3A_274, %dma_wait3A_275] : memref<2x16x80x2x128xi32, #tpu.memory_space<hbm>> -> memref<1x1x1x2x128xi32, #tpu.memory_space<hbm>>
        %dma_wait3A_277 = tpu.memref_squeeze %dma_wait3A_276 : memref<1x1x1x2x128xi32, #tpu.memory_space<hbm>> -> memref<2x128xi32, #tpu.memory_space<hbm>>
        tpu.wait_dma2 semaphore(%arg11 : memref<!tpu.dma_semaphore, #tpu.memory_space<semaphore_mem>>) src(%dma_wait3A_277 : memref<2x128xi32, #tpu.memory_space<hbm>>) dst(%dma_wait3A_273 : memref<2x128xi32, #tpu.memory_space<vmem>>)
        %add3A_278 = arith.constant 1 : i32
        %add3A_279 = arith.addi %add3A_108, %add3A_278 : i32
        %dma_start3A_280 = arith.constant 1 : i32
        %dma_start3A_281 = arith.constant 0 : i32
        %dma_start3A_282 = arith.constant 0 : i32
        %dma_start3A_283 = tpu.memref_slice %arg6[%dma_start3A_280, %dma_start3A_281, %dma_start3A_282] : memref<4x2x128xi32, #tpu.memory_space<vmem>> -> memref<1x1x128xi32, #tpu.memory_space<vmem>>
        %dma_start3A_284 = tpu.memref_squeeze %dma_start3A_283 : memref<1x1x128xi32, #tpu.memory_space<vmem>> -> memref<128xi32, #tpu.memory_space<vmem>>
        %dma_start3A_285 = arith.constant 0 : i32
        %dma_start3A_286 = arith.constant 0 : i32
        %dma_start3A_287 = tpu.memref_slice %arg2[%dma_start3A_285, %dma_start3A_286] : memref<20480x128xf32, #tpu.memory_space<hbm>> -> memref<20480x128xf32, #tpu.memory_space<hbm>>
        tpu.enqueue_indirect_dma source(%dma_start3A_287 : memref<20480x128xf32, #tpu.memory_space<hbm>>) target(%arg8 : memref<128x128xf32, #tpu.memory_space<vmem>>) offsets(%dma_start3A_284 : memref<128xi32, #tpu.memory_space<vmem>>) semaphore(%arg15 : memref<!tpu.dma_semaphore, #tpu.memory_space<semaphore_mem>>)
      } else {
      }
      %dma_wait3A_119 = arith.constant 0 : i32
      %dma_wait3A_120 = arith.constant 0 : i32
      %dma_wait3A_121 = arith.constant 0 : i32
      %dma_wait3A_122 = tpu.memref_slice %arg6[%dma_wait3A_119, %dma_wait3A_120, %dma_wait3A_121] : memref<4x2x128xi32, #tpu.memory_space<vmem>> -> memref<1x1x128xi32, #tpu.memory_space<vmem>>
      %dma_wait3A_123 = tpu.memref_squeeze %dma_wait3A_122 : memref<1x1x128xi32, #tpu.memory_space<vmem>> -> memref<128xi32, #tpu.memory_space<vmem>>
      %dma_wait3A_124 = arith.constant 0 : i32
      %dma_wait3A_125 = arith.constant 0 : i32
      %dma_wait3A_126 = tpu.memref_slice %arg2[%dma_wait3A_124, %dma_wait3A_125] : memref<20480x128xf32, #tpu.memory_space<hbm>> -> memref<20480x128xf32, #tpu.memory_space<hbm>>
      tpu.wait_indirect_dma semaphore(%arg14 : memref<!tpu.dma_semaphore, #tpu.memory_space<semaphore_mem>>) src(%dma_wait3A_126 : memref<20480x128xf32, #tpu.memory_space<hbm>>) dst(%arg7 : memref<128x128xf32, #tpu.memory_space<vmem>>)
      %dma_start3A_127 = arith.constant 0 : i32
      %dma_start3A_128 = arith.constant 1 : i32
      %dma_start3A_129 = arith.constant 0 : i32
      %dma_start3A_130 = tpu.memref_slice %arg6[%dma_start3A_127, %dma_start3A_128, %dma_start3A_129] : memref<4x2x128xi32, #tpu.memory_space<vmem>> -> memref<1x1x128xi32, #tpu.memory_space<vmem>>
      %dma_start3A_131 = tpu.memref_squeeze %dma_start3A_130 : memref<1x1x128xi32, #tpu.memory_space<vmem>> -> memref<128xi32, #tpu.memory_space<vmem>>
      %dma_start3A_132 = arith.constant 0 : i32
      %dma_start3A_133 = arith.constant 0 : i32
      %dma_start3A_134 = tpu.memref_slice %arg9[%dma_start3A_132, %dma_start3A_133] : memref<10240x128xf32, #tpu.memory_space<vmem_shared>> -> memref<10240x128xf32, #tpu.memory_space<vmem_shared>>
      tpu.enqueue_indirect_dma source(%arg7 : memref<128x128xf32, #tpu.memory_space<vmem>>) target(%dma_start3A_134 : memref<10240x128xf32, #tpu.memory_space<vmem_shared>>) offsets(%dma_start3A_131 : memref<128xi32, #tpu.memory_space<vmem>>) semaphore(%arg16 : memref<!tpu.dma_semaphore, #tpu.memory_space<semaphore_mem>>) {add = true}
      %add3A_135 = arith.constant 3 : i32
      %add3A_136 = arith.addi %add3A_108, %add3A_135 : i32
      %lt3A_137 = arith.constant 80 : i32
      %lt3A_138 = arith.cmpi slt, %add3A_136, %lt3A_137 : i32
      %convert_element_type3A_139 = arith.extui %lt3A_138 : i1 to i32
      %cond3A_140 = arith.constant 0 : i32
      %cond3A_141 = arith.cmpi ne, %convert_element_type3A_139, %cond3A_140 : i32
      scf.if %cond3A_141 {
        %add3A_259 = arith.constant 3 : i32
        %add3A_260 = arith.addi %add3A_108, %add3A_259 : i32
        %dma_start3A_261 = arith.constant 3 : i32
        %dma_start3A_262 = arith.constant 0 : i32
        %dma_start3A_263 = arith.constant 0 : i32
        %dma_start3A_264 = tpu.memref_slice %arg6[%dma_start3A_261, %dma_start3A_262, %dma_start3A_263] : memref<4x2x128xi32, #tpu.memory_space<vmem>> -> memref<1x2x128xi32, #tpu.memory_space<vmem>>
        %dma_start3A_265 = tpu.memref_squeeze %dma_start3A_264 : memref<1x2x128xi32, #tpu.memory_space<vmem>> -> memref<2x128xi32, #tpu.memory_space<vmem>>
        %dma_start3A_266 = arith.constant 0 : i32
        %dma_start3A_267 = arith.constant 0 : i32
        %dma_start3A_268 = tpu.memref_slice %arg3[%arg0, %arg1, %add3A_260, %dma_start3A_266, %dma_start3A_267] : memref<2x16x80x2x128xi32, #tpu.memory_space<hbm>> -> memref<1x1x1x2x128xi32, #tpu.memory_space<hbm>>
        %dma_start3A_269 = tpu.memref_squeeze %dma_start3A_268 : memref<1x1x1x2x128xi32, #tpu.memory_space<hbm>> -> memref<2x128xi32, #tpu.memory_space<hbm>>
        %dma_start3A_270 = arith.constant 0 : i32
        %dma_start3A_271 = arith.constant 0 : i32
        %dma_start3A_272 = tpu.memref_slice %arg6[%dma_start3A_261, %dma_start3A_270, %dma_start3A_271] : memref<4x2x128xi32, #tpu.memory_space<vmem>> -> memref<1x2x128xi32, #tpu.memory_space<vmem>>
        %dma_start3A_273 = tpu.memref_squeeze %dma_start3A_272 : memref<1x2x128xi32, #tpu.memory_space<vmem>> -> memref<2x128xi32, #tpu.memory_space<vmem>>
        %dma_start3A_274 = arith.constant 0 : i32
        %dma_start3A_275 = arith.constant 0 : i32
        %dma_start3A_276 = tpu.memref_slice %arg3[%arg0, %arg1, %add3A_260, %dma_start3A_274, %dma_start3A_275] : memref<2x16x80x2x128xi32, #tpu.memory_space<hbm>> -> memref<1x1x1x2x128xi32, #tpu.memory_space<hbm>>
        %dma_start3A_277 = tpu.memref_squeeze %dma_start3A_276 : memref<1x1x1x2x128xi32, #tpu.memory_space<hbm>> -> memref<2x128xi32, #tpu.memory_space<hbm>>
        tpu.enqueue_dma source(%dma_start3A_277 : memref<2x128xi32, #tpu.memory_space<hbm>>) target(%dma_start3A_273 : memref<2x128xi32, #tpu.memory_space<vmem>>) target_semaphore(%arg13 : memref<!tpu.dma_semaphore, #tpu.memory_space<semaphore_mem>>)
      } else {
      }
      %mul3A_142 = arith.constant 4 : i32
      %mul3A_143 = arith.muli %scan3A_104, %mul3A_142 : i32
      %add3A_144 = arith.constant 1 : i32
      %add3A_145 = arith.addi %mul3A_143, %add3A_144 : i32
      %ge3A_146 = arith.constant 1 : i32
      %ge3A_147 = arith.cmpi sge, %add3A_145, %ge3A_146 : i32
      %convert_element_type3A_148 = arith.extui %ge3A_147 : i1 to i32
      %cond3A_149 = arith.constant 0 : i32
      %cond3A_150 = arith.cmpi ne, %convert_element_type3A_148, %cond3A_149 : i32
      scf.if %cond3A_150 {
        %sub3A = arith.constant 1 : i32
        %sub3A_259 = arith.subi %add3A_145, %sub3A : i32
        %dma_wait3A_260 = arith.constant 0 : i32
        %dma_wait3A_261 = arith.constant 1 : i32
        %dma_wait3A_262 = arith.constant 0 : i32
        %dma_wait3A_263 = tpu.memref_slice %arg6[%dma_wait3A_260, %dma_wait3A_261, %dma_wait3A_262] : memref<4x2x128xi32, #tpu.memory_space<vmem>> -> memref<1x1x128xi32, #tpu.memory_space<vmem>>
        %dma_wait3A_264 = tpu.memref_squeeze %dma_wait3A_263 : memref<1x1x128xi32, #tpu.memory_space<vmem>> -> memref<128xi32, #tpu.memory_space<vmem>>
        %dma_wait3A_265 = arith.constant 0 : i32
        %dma_wait3A_266 = arith.constant 0 : i32
        %dma_wait3A_267 = tpu.memref_slice %arg9[%dma_wait3A_265, %dma_wait3A_266] : memref<10240x128xf32, #tpu.memory_space<vmem_shared>> -> memref<10240x128xf32, #tpu.memory_space<vmem_shared>>
        tpu.wait_indirect_dma semaphore(%arg16 : memref<!tpu.dma_semaphore, #tpu.memory_space<semaphore_mem>>) src(%arg7 : memref<128x128xf32, #tpu.memory_space<vmem>>) dst(%dma_wait3A_267 : memref<10240x128xf32, #tpu.memory_space<vmem_shared>>)
      } else {
      }
      %add3A_151 = arith.constant 1 : i32
      %add3A_152 = arith.addi %add3A_145, %add3A_151 : i32
      %lt3A_153 = arith.constant 80 : i32
      %lt3A_154 = arith.cmpi slt, %add3A_152, %lt3A_153 : i32
      %convert_element_type3A_155 = arith.extui %lt3A_154 : i1 to i32
      %cond3A_156 = arith.constant 0 : i32
      %cond3A_157 = arith.cmpi ne, %convert_element_type3A_155, %cond3A_156 : i32
      scf.if %cond3A_157 {
        %add3A_259 = arith.constant 1 : i32
        %add3A_260 = arith.addi %add3A_145, %add3A_259 : i32
        %dma_wait3A_261 = arith.constant 2 : i32
        %dma_wait3A_262 = arith.constant 0 : i32
        %dma_wait3A_263 = arith.constant 0 : i32
        %dma_wait3A_264 = tpu.memref_slice %arg6[%dma_wait3A_261, %dma_wait3A_262, %dma_wait3A_263] : memref<4x2x128xi32, #tpu.memory_space<vmem>> -> memref<1x2x128xi32, #tpu.memory_space<vmem>>
        %dma_wait3A_265 = tpu.memref_squeeze %dma_wait3A_264 : memref<1x2x128xi32, #tpu.memory_space<vmem>> -> memref<2x128xi32, #tpu.memory_space<vmem>>
        %dma_wait3A_266 = arith.constant 0 : i32
        %dma_wait3A_267 = arith.constant 0 : i32
        %dma_wait3A_268 = tpu.memref_slice %arg3[%arg0, %arg1, %add3A_260, %dma_wait3A_266, %dma_wait3A_267] : memref<2x16x80x2x128xi32, #tpu.memory_space<hbm>> -> memref<1x1x1x2x128xi32, #tpu.memory_space<hbm>>
        %dma_wait3A_269 = tpu.memref_squeeze %dma_wait3A_268 : memref<1x1x1x2x128xi32, #tpu.memory_space<hbm>> -> memref<2x128xi32, #tpu.memory_space<hbm>>
        %dma_wait3A_270 = arith.constant 0 : i32
        %dma_wait3A_271 = arith.constant 0 : i32
        %dma_wait3A_272 = tpu.memref_slice %arg6[%dma_wait3A_261, %dma_wait3A_270, %dma_wait3A_271] : memref<4x2x128xi32, #tpu.memory_space<vmem>> -> memref<1x2x128xi32, #tpu.memory_space<vmem>>
        %dma_wait3A_273 = tpu.memref_squeeze %dma_wait3A_272 : memref<1x2x128xi32, #tpu.memory_space<vmem>> -> memref<2x128xi32, #tpu.memory_space<vmem>>
        %dma_wait3A_274 = arith.constant 0 : i32
        %dma_wait3A_275 = arith.constant 0 : i32
        %dma_wait3A_276 = tpu.memref_slice %arg3[%arg0, %arg1, %add3A_260, %dma_wait3A_274, %dma_wait3A_275] : memref<2x16x80x2x128xi32, #tpu.memory_space<hbm>> -> memref<1x1x1x2x128xi32, #tpu.memory_space<hbm>>
        %dma_wait3A_277 = tpu.memref_squeeze %dma_wait3A_276 : memref<1x1x1x2x128xi32, #tpu.memory_space<hbm>> -> memref<2x128xi32, #tpu.memory_space<hbm>>
        tpu.wait_dma2 semaphore(%arg12 : memref<!tpu.dma_semaphore, #tpu.memory_space<semaphore_mem>>) src(%dma_wait3A_277 : memref<2x128xi32, #tpu.memory_space<hbm>>) dst(%dma_wait3A_273 : memref<2x128xi32, #tpu.memory_space<vmem>>)
        %add3A_278 = arith.constant 1 : i32
        %add3A_279 = arith.addi %add3A_145, %add3A_278 : i32
        %dma_start3A_280 = arith.constant 2 : i32
        %dma_start3A_281 = arith.constant 0 : i32
        %dma_start3A_282 = arith.constant 0 : i32
        %dma_start3A_283 = tpu.memref_slice %arg6[%dma_start3A_280, %dma_start3A_281, %dma_start3A_282] : memref<4x2x128xi32, #tpu.memory_space<vmem>> -> memref<1x1x128xi32, #tpu.memory_space<vmem>>
        %dma_start3A_284 = tpu.memref_squeeze %dma_start3A_283 : memref<1x1x128xi32, #tpu.memory_space<vmem>> -> memref<128xi32, #tpu.memory_space<vmem>>
        %dma_start3A_285 = arith.constant 0 : i32
        %dma_start3A_286 = arith.constant 0 : i32
        %dma_start3A_287 = tpu.memref_slice %arg2[%dma_start3A_285, %dma_start3A_286] : memref<20480x128xf32, #tpu.memory_space<hbm>> -> memref<20480x128xf32, #tpu.memory_space<hbm>>
        tpu.enqueue_indirect_dma source(%dma_start3A_287 : memref<20480x128xf32, #tpu.memory_space<hbm>>) target(%arg7 : memref<128x128xf32, #tpu.memory_space<vmem>>) offsets(%dma_start3A_284 : memref<128xi32, #tpu.memory_space<vmem>>) semaphore(%arg14 : memref<!tpu.dma_semaphore, #tpu.memory_space<semaphore_mem>>)
      } else {
      }
      %dma_wait3A_158 = arith.constant 1 : i32
      %dma_wait3A_159 = arith.constant 0 : i32
      %dma_wait3A_160 = arith.constant 0 : i32
      %dma_wait3A_161 = tpu.memref_slice %arg6[%dma_wait3A_158, %dma_wait3A_159, %dma_wait3A_160] : memref<4x2x128xi32, #tpu.memory_space<vmem>> -> memref<1x1x128xi32, #tpu.memory_space<vmem>>
      %dma_wait3A_162 = tpu.memref_squeeze %dma_wait3A_161 : memref<1x1x128xi32, #tpu.memory_space<vmem>> -> memref<128xi32, #tpu.memory_space<vmem>>
      %dma_wait3A_163 = arith.constant 0 : i32
      %dma_wait3A_164 = arith.constant 0 : i32
      %dma_wait3A_165 = tpu.memref_slice %arg2[%dma_wait3A_163, %dma_wait3A_164] : memref<20480x128xf32, #tpu.memory_space<hbm>> -> memref<20480x128xf32, #tpu.memory_space<hbm>>
      tpu.wait_indirect_dma semaphore(%arg15 : memref<!tpu.dma_semaphore, #tpu.memory_space<semaphore_mem>>) src(%dma_wait3A_165 : memref<20480x128xf32, #tpu.memory_space<hbm>>) dst(%arg8 : memref<128x128xf32, #tpu.memory_space<vmem>>)
      %dma_start3A_166 = arith.constant 1 : i32
      %dma_start3A_167 = arith.constant 1 : i32
      %dma_start3A_168 = arith.constant 0 : i32
      %dma_start3A_169 = tpu.memref_slice %arg6[%dma_start3A_166, %dma_start3A_167, %dma_start3A_168] : memref<4x2x128xi32, #tpu.memory_space<vmem>> -> memref<1x1x128xi32, #tpu.memory_space<vmem>>
      %dma_start3A_170 = tpu.memref_squeeze %dma_start3A_169 : memref<1x1x128xi32, #tpu.memory_space<vmem>> -> memref<128xi32, #tpu.memory_space<vmem>>
      %dma_start3A_171 = arith.constant 0 : i32
      %dma_start3A_172 = arith.constant 0 : i32
      %dma_start3A_173 = tpu.memref_slice %arg9[%dma_start3A_171, %dma_start3A_172] : memref<10240x128xf32, #tpu.memory_space<vmem_shared>> -> memref<10240x128xf32, #tpu.memory_space<vmem_shared>>
      tpu.enqueue_indirect_dma source(%arg8 : memref<128x128xf32, #tpu.memory_space<vmem>>) target(%dma_start3A_173 : memref<10240x128xf32, #tpu.memory_space<vmem_shared>>) offsets(%dma_start3A_170 : memref<128xi32, #tpu.memory_space<vmem>>) semaphore(%arg17 : memref<!tpu.dma_semaphore, #tpu.memory_space<semaphore_mem>>) {add = true}
      %add3A_174 = arith.constant 3 : i32
      %add3A_175 = arith.addi %add3A_145, %add3A_174 : i32
      %lt3A_176 = arith.constant 80 : i32
      %lt3A_177 = arith.cmpi slt, %add3A_175, %lt3A_176 : i32
      %convert_element_type3A_178 = arith.extui %lt3A_177 : i1 to i32
      %cond3A_179 = arith.constant 0 : i32
      %cond3A_180 = arith.cmpi ne, %convert_element_type3A_178, %cond3A_179 : i32
      scf.if %cond3A_180 {
        %add3A_259 = arith.constant 3 : i32
        %add3A_260 = arith.addi %add3A_145, %add3A_259 : i32
        %dma_start3A_261 = arith.constant 0 : i32
        %dma_start3A_262 = arith.constant 0 : i32
        %dma_start3A_263 = arith.constant 0 : i32
        %dma_start3A_264 = tpu.memref_slice %arg6[%dma_start3A_261, %dma_start3A_262, %dma_start3A_263] : memref<4x2x128xi32, #tpu.memory_space<vmem>> -> memref<1x2x128xi32, #tpu.memory_space<vmem>>
        %dma_start3A_265 = tpu.memref_squeeze %dma_start3A_264 : memref<1x2x128xi32, #tpu.memory_space<vmem>> -> memref<2x128xi32, #tpu.memory_space<vmem>>
        %dma_start3A_266 = arith.constant 0 : i32
        %dma_start3A_267 = arith.constant 0 : i32
        %dma_start3A_268 = tpu.memref_slice %arg3[%arg0, %arg1, %add3A_260, %dma_start3A_266, %dma_start3A_267] : memref<2x16x80x2x128xi32, #tpu.memory_space<hbm>> -> memref<1x1x1x2x128xi32, #tpu.memory_space<hbm>>
        %dma_start3A_269 = tpu.memref_squeeze %dma_start3A_268 : memref<1x1x1x2x128xi32, #tpu.memory_space<hbm>> -> memref<2x128xi32, #tpu.memory_space<hbm>>
        %dma_start3A_270 = arith.constant 0 : i32
        %dma_start3A_271 = arith.constant 0 : i32
        %dma_start3A_272 = tpu.memref_slice %arg6[%dma_start3A_261, %dma_start3A_270, %dma_start3A_271] : memref<4x2x128xi32, #tpu.memory_space<vmem>> -> memref<1x2x128xi32, #tpu.memory_space<vmem>>
        %dma_start3A_273 = tpu.memref_squeeze %dma_start3A_272 : memref<1x2x128xi32, #tpu.memory_space<vmem>> -> memref<2x128xi32, #tpu.memory_space<vmem>>
        %dma_start3A_274 = arith.constant 0 : i32
        %dma_start3A_275 = arith.constant 0 : i32
        %dma_start3A_276 = tpu.memref_slice %arg3[%arg0, %arg1, %add3A_260, %dma_start3A_274, %dma_start3A_275] : memref<2x16x80x2x128xi32, #tpu.memory_space<hbm>> -> memref<1x1x1x2x128xi32, #tpu.memory_space<hbm>>
        %dma_start3A_277 = tpu.memref_squeeze %dma_start3A_276 : memref<1x1x1x2x128xi32, #tpu.memory_space<hbm>> -> memref<2x128xi32, #tpu.memory_space<hbm>>
        tpu.enqueue_dma source(%dma_start3A_277 : memref<2x128xi32, #tpu.memory_space<hbm>>) target(%dma_start3A_273 : memref<2x128xi32, #tpu.memory_space<vmem>>) target_semaphore(%arg10 : memref<!tpu.dma_semaphore, #tpu.memory_space<semaphore_mem>>)
      } else {
      }
      %mul3A_181 = arith.constant 4 : i32
      %mul3A_182 = arith.muli %scan3A_104, %mul3A_181 : i32
      %add3A_183 = arith.constant 2 : i32
      %add3A_184 = arith.addi %mul3A_182, %add3A_183 : i32
      %ge3A_185 = arith.constant 1 : i32
      %ge3A_186 = arith.cmpi sge, %add3A_184, %ge3A_185 : i32
      %convert_element_type3A_187 = arith.extui %ge3A_186 : i1 to i32
      %cond3A_188 = arith.constant 0 : i32
      %cond3A_189 = arith.cmpi ne, %convert_element_type3A_187, %cond3A_188 : i32
      scf.if %cond3A_189 {
        %sub3A = arith.constant 1 : i32
        %sub3A_259 = arith.subi %add3A_184, %sub3A : i32
        %dma_wait3A_260 = arith.constant 1 : i32
        %dma_wait3A_261 = arith.constant 1 : i32
        %dma_wait3A_262 = arith.constant 0 : i32
        %dma_wait3A_263 = tpu.memref_slice %arg6[%dma_wait3A_260, %dma_wait3A_261, %dma_wait3A_262] : memref<4x2x128xi32, #tpu.memory_space<vmem>> -> memref<1x1x128xi32, #tpu.memory_space<vmem>>
        %dma_wait3A_264 = tpu.memref_squeeze %dma_wait3A_263 : memref<1x1x128xi32, #tpu.memory_space<vmem>> -> memref<128xi32, #tpu.memory_space<vmem>>
        %dma_wait3A_265 = arith.constant 0 : i32
        %dma_wait3A_266 = arith.constant 0 : i32
        %dma_wait3A_267 = tpu.memref_slice %arg9[%dma_wait3A_265, %dma_wait3A_266] : memref<10240x128xf32, #tpu.memory_space<vmem_shared>> -> memref<10240x128xf32, #tpu.memory_space<vmem_shared>>
        tpu.wait_indirect_dma semaphore(%arg17 : memref<!tpu.dma_semaphore, #tpu.memory_space<semaphore_mem>>) src(%arg8 : memref<128x128xf32, #tpu.memory_space<vmem>>) dst(%dma_wait3A_267 : memref<10240x128xf32, #tpu.memory_space<vmem_shared>>)
      } else {
      }
      %add3A_190 = arith.constant 1 : i32
      %add3A_191 = arith.addi %add3A_184, %add3A_190 : i32
      %lt3A_192 = arith.constant 80 : i32
      %lt3A_193 = arith.cmpi slt, %add3A_191, %lt3A_192 : i32
      %convert_element_type3A_194 = arith.extui %lt3A_193 : i1 to i32
      %cond3A_195 = arith.constant 0 : i32
      %cond3A_196 = arith.cmpi ne, %convert_element_type3A_194, %cond3A_195 : i32
      scf.if %cond3A_196 {
        %add3A_259 = arith.constant 1 : i32
        %add3A_260 = arith.addi %add3A_184, %add3A_259 : i32
        %dma_wait3A_261 = arith.constant 3 : i32
        %dma_wait3A_262 = arith.constant 0 : i32
        %dma_wait3A_263 = arith.constant 0 : i32
        %dma_wait3A_264 = tpu.memref_slice %arg6[%dma_wait3A_261, %dma_wait3A_262, %dma_wait3A_263] : memref<4x2x128xi32, #tpu.memory_space<vmem>> -> memref<1x2x128xi32, #tpu.memory_space<vmem>>
        %dma_wait3A_265 = tpu.memref_squeeze %dma_wait3A_264 : memref<1x2x128xi32, #tpu.memory_space<vmem>> -> memref<2x128xi32, #tpu.memory_space<vmem>>
        %dma_wait3A_266 = arith.constant 0 : i32
        %dma_wait3A_267 = arith.constant 0 : i32
        %dma_wait3A_268 = tpu.memref_slice %arg3[%arg0, %arg1, %add3A_260, %dma_wait3A_266, %dma_wait3A_267] : memref<2x16x80x2x128xi32, #tpu.memory_space<hbm>> -> memref<1x1x1x2x128xi32, #tpu.memory_space<hbm>>
        %dma_wait3A_269 = tpu.memref_squeeze %dma_wait3A_268 : memref<1x1x1x2x128xi32, #tpu.memory_space<hbm>> -> memref<2x128xi32, #tpu.memory_space<hbm>>
        %dma_wait3A_270 = arith.constant 0 : i32
        %dma_wait3A_271 = arith.constant 0 : i32
        %dma_wait3A_272 = tpu.memref_slice %arg6[%dma_wait3A_261, %dma_wait3A_270, %dma_wait3A_271] : memref<4x2x128xi32, #tpu.memory_space<vmem>> -> memref<1x2x128xi32, #tpu.memory_space<vmem>>
        %dma_wait3A_273 = tpu.memref_squeeze %dma_wait3A_272 : memref<1x2x128xi32, #tpu.memory_space<vmem>> -> memref<2x128xi32, #tpu.memory_space<vmem>>
        %dma_wait3A_274 = arith.constant 0 : i32
        %dma_wait3A_275 = arith.constant 0 : i32
        %dma_wait3A_276 = tpu.memref_slice %arg3[%arg0, %arg1, %add3A_260, %dma_wait3A_274, %dma_wait3A_275] : memref<2x16x80x2x128xi32, #tpu.memory_space<hbm>> -> memref<1x1x1x2x128xi32, #tpu.memory_space<hbm>>
        %dma_wait3A_277 = tpu.memref_squeeze %dma_wait3A_276 : memref<1x1x1x2x128xi32, #tpu.memory_space<hbm>> -> memref<2x128xi32, #tpu.memory_space<hbm>>
        tpu.wait_dma2 semaphore(%arg13 : memref<!tpu.dma_semaphore, #tpu.memory_space<semaphore_mem>>) src(%dma_wait3A_277 : memref<2x128xi32, #tpu.memory_space<hbm>>) dst(%dma_wait3A_273 : memref<2x128xi32, #tpu.memory_space<vmem>>)
        %add3A_278 = arith.constant 1 : i32
        %add3A_279 = arith.addi %add3A_184, %add3A_278 : i32
        %dma_start3A_280 = arith.constant 3 : i32
        %dma_start3A_281 = arith.constant 0 : i32
        %dma_start3A_282 = arith.constant 0 : i32
        %dma_start3A_283 = tpu.memref_slice %arg6[%dma_start3A_280, %dma_start3A_281, %dma_start3A_282] : memref<4x2x128xi32, #tpu.memory_space<vmem>> -> memref<1x1x128xi32, #tpu.memory_space<vmem>>
        %dma_start3A_284 = tpu.memref_squeeze %dma_start3A_283 : memref<1x1x128xi32, #tpu.memory_space<vmem>> -> memref<128xi32, #tpu.memory_space<vmem>>
        %dma_start3A_285 = arith.constant 0 : i32
        %dma_start3A_286 = arith.constant 0 : i32
        %dma_start3A_287 = tpu.memref_slice %arg2[%dma_start3A_285, %dma_start3A_286] : memref<20480x128xf32, #tpu.memory_space<hbm>> -> memref<20480x128xf32, #tpu.memory_space<hbm>>
        tpu.enqueue_indirect_dma source(%dma_start3A_287 : memref<20480x128xf32, #tpu.memory_space<hbm>>) target(%arg8 : memref<128x128xf32, #tpu.memory_space<vmem>>) offsets(%dma_start3A_284 : memref<128xi32, #tpu.memory_space<vmem>>) semaphore(%arg15 : memref<!tpu.dma_semaphore, #tpu.memory_space<semaphore_mem>>)
      } else {
      }
      %dma_wait3A_197 = arith.constant 2 : i32
      %dma_wait3A_198 = arith.constant 0 : i32
      %dma_wait3A_199 = arith.constant 0 : i32
      %dma_wait3A_200 = tpu.memref_slice %arg6[%dma_wait3A_197, %dma_wait3A_198, %dma_wait3A_199] : memref<4x2x128xi32, #tpu.memory_space<vmem>> -> memref<1x1x128xi32, #tpu.memory_space<vmem>>
      %dma_wait3A_201 = tpu.memref_squeeze %dma_wait3A_200 : memref<1x1x128xi32, #tpu.memory_space<vmem>> -> memref<128xi32, #tpu.memory_space<vmem>>
      %dma_wait3A_202 = arith.constant 0 : i32
      %dma_wait3A_203 = arith.constant 0 : i32
      %dma_wait3A_204 = tpu.memref_slice %arg2[%dma_wait3A_202, %dma_wait3A_203] : memref<20480x128xf32, #tpu.memory_space<hbm>> -> memref<20480x128xf32, #tpu.memory_space<hbm>>
      tpu.wait_indirect_dma semaphore(%arg14 : memref<!tpu.dma_semaphore, #tpu.memory_space<semaphore_mem>>) src(%dma_wait3A_204 : memref<20480x128xf32, #tpu.memory_space<hbm>>) dst(%arg7 : memref<128x128xf32, #tpu.memory_space<vmem>>)
      %dma_start3A_205 = arith.constant 2 : i32
      %dma_start3A_206 = arith.constant 1 : i32
      %dma_start3A_207 = arith.constant 0 : i32
      %dma_start3A_208 = tpu.memref_slice %arg6[%dma_start3A_205, %dma_start3A_206, %dma_start3A_207] : memref<4x2x128xi32, #tpu.memory_space<vmem>> -> memref<1x1x128xi32, #tpu.memory_space<vmem>>
      %dma_start3A_209 = tpu.memref_squeeze %dma_start3A_208 : memref<1x1x128xi32, #tpu.memory_space<vmem>> -> memref<128xi32, #tpu.memory_space<vmem>>
      %dma_start3A_210 = arith.constant 0 : i32
      %dma_start3A_211 = arith.constant 0 : i32
      %dma_start3A_212 = tpu.memref_slice %arg9[%dma_start3A_210, %dma_start3A_211] : memref<10240x128xf32, #tpu.memory_space<vmem_shared>> -> memref<10240x128xf32, #tpu.memory_space<vmem_shared>>
      tpu.enqueue_indirect_dma source(%arg7 : memref<128x128xf32, #tpu.memory_space<vmem>>) target(%dma_start3A_212 : memref<10240x128xf32, #tpu.memory_space<vmem_shared>>) offsets(%dma_start3A_209 : memref<128xi32, #tpu.memory_space<vmem>>) semaphore(%arg16 : memref<!tpu.dma_semaphore, #tpu.memory_space<semaphore_mem>>) {add = true}
      %add3A_213 = arith.constant 3 : i32
      %add3A_214 = arith.addi %add3A_184, %add3A_213 : i32
      %lt3A_215 = arith.constant 80 : i32
      %lt3A_216 = arith.cmpi slt, %add3A_214, %lt3A_215 : i32
      %convert_element_type3A_217 = arith.extui %lt3A_216 : i1 to i32
      %cond3A_218 = arith.constant 0 : i32
      %cond3A_219 = arith.cmpi ne, %convert_element_type3A_217, %cond3A_218 : i32
      scf.if %cond3A_219 {
        %add3A_259 = arith.constant 3 : i32
        %add3A_260 = arith.addi %add3A_184, %add3A_259 : i32
        %dma_start3A_261 = arith.constant 1 : i32
        %dma_start3A_262 = arith.constant 0 : i32
        %dma_start3A_263 = arith.constant 0 : i32
        %dma_start3A_264 = tpu.memref_slice %arg6[%dma_start3A_261, %dma_start3A_262, %dma_start3A_263] : memref<4x2x128xi32, #tpu.memory_space<vmem>> -> memref<1x2x128xi32, #tpu.memory_space<vmem>>
        %dma_start3A_265 = tpu.memref_squeeze %dma_start3A_264 : memref<1x2x128xi32, #tpu.memory_space<vmem>> -> memref<2x128xi32, #tpu.memory_space<vmem>>
        %dma_start3A_266 = arith.constant 0 : i32
        %dma_start3A_267 = arith.constant 0 : i32
        %dma_start3A_268 = tpu.memref_slice %arg3[%arg0, %arg1, %add3A_260, %dma_start3A_266, %dma_start3A_267] : memref<2x16x80x2x128xi32, #tpu.memory_space<hbm>> -> memref<1x1x1x2x128xi32, #tpu.memory_space<hbm>>
        %dma_start3A_269 = tpu.memref_squeeze %dma_start3A_268 : memref<1x1x1x2x128xi32, #tpu.memory_space<hbm>> -> memref<2x128xi32, #tpu.memory_space<hbm>>
        %dma_start3A_270 = arith.constant 0 : i32
        %dma_start3A_271 = arith.constant 0 : i32
        %dma_start3A_272 = tpu.memref_slice %arg6[%dma_start3A_261, %dma_start3A_270, %dma_start3A_271] : memref<4x2x128xi32, #tpu.memory_space<vmem>> -> memref<1x2x128xi32, #tpu.memory_space<vmem>>
        %dma_start3A_273 = tpu.memref_squeeze %dma_start3A_272 : memref<1x2x128xi32, #tpu.memory_space<vmem>> -> memref<2x128xi32, #tpu.memory_space<vmem>>
        %dma_start3A_274 = arith.constant 0 : i32
        %dma_start3A_275 = arith.constant 0 : i32
        %dma_start3A_276 = tpu.memref_slice %arg3[%arg0, %arg1, %add3A_260, %dma_start3A_274, %dma_start3A_275] : memref<2x16x80x2x128xi32, #tpu.memory_space<hbm>> -> memref<1x1x1x2x128xi32, #tpu.memory_space<hbm>>
        %dma_start3A_277 = tpu.memref_squeeze %dma_start3A_276 : memref<1x1x1x2x128xi32, #tpu.memory_space<hbm>> -> memref<2x128xi32, #tpu.memory_space<hbm>>
        tpu.enqueue_dma source(%dma_start3A_277 : memref<2x128xi32, #tpu.memory_space<hbm>>) target(%dma_start3A_273 : memref<2x128xi32, #tpu.memory_space<vmem>>) target_semaphore(%arg11 : memref<!tpu.dma_semaphore, #tpu.memory_space<semaphore_mem>>)
      } else {
      }
      %mul3A_220 = arith.constant 4 : i32
      %mul3A_221 = arith.muli %scan3A_104, %mul3A_220 : i32
      %add3A_222 = arith.constant 3 : i32
      %add3A_223 = arith.addi %mul3A_221, %add3A_222 : i32
      %ge3A_224 = arith.constant 1 : i32
      %ge3A_225 = arith.cmpi sge, %add3A_223, %ge3A_224 : i32
      %convert_element_type3A_226 = arith.extui %ge3A_225 : i1 to i32
      %cond3A_227 = arith.constant 0 : i32
      %cond3A_228 = arith.cmpi ne, %convert_element_type3A_226, %cond3A_227 : i32
      scf.if %cond3A_228 {
        %sub3A = arith.constant 1 : i32
        %sub3A_259 = arith.subi %add3A_223, %sub3A : i32
        %dma_wait3A_260 = arith.constant 2 : i32
        %dma_wait3A_261 = arith.constant 1 : i32
        %dma_wait3A_262 = arith.constant 0 : i32
        %dma_wait3A_263 = tpu.memref_slice %arg6[%dma_wait3A_260, %dma_wait3A_261, %dma_wait3A_262] : memref<4x2x128xi32, #tpu.memory_space<vmem>> -> memref<1x1x128xi32, #tpu.memory_space<vmem>>
        %dma_wait3A_264 = tpu.memref_squeeze %dma_wait3A_263 : memref<1x1x128xi32, #tpu.memory_space<vmem>> -> memref<128xi32, #tpu.memory_space<vmem>>
        %dma_wait3A_265 = arith.constant 0 : i32
        %dma_wait3A_266 = arith.constant 0 : i32
        %dma_wait3A_267 = tpu.memref_slice %arg9[%dma_wait3A_265, %dma_wait3A_266] : memref<10240x128xf32, #tpu.memory_space<vmem_shared>> -> memref<10240x128xf32, #tpu.memory_space<vmem_shared>>
        tpu.wait_indirect_dma semaphore(%arg16 : memref<!tpu.dma_semaphore, #tpu.memory_space<semaphore_mem>>) src(%arg7 : memref<128x128xf32, #tpu.memory_space<vmem>>) dst(%dma_wait3A_267 : memref<10240x128xf32, #tpu.memory_space<vmem_shared>>)
      } else {
      }
      %add3A_229 = arith.constant 1 : i32
      %add3A_230 = arith.addi %add3A_223, %add3A_229 : i32
      %lt3A_231 = arith.constant 80 : i32
      %lt3A_232 = arith.cmpi slt, %add3A_230, %lt3A_231 : i32
      %convert_element_type3A_233 = arith.extui %lt3A_232 : i1 to i32
      %cond3A_234 = arith.constant 0 : i32
      %cond3A_235 = arith.cmpi ne, %convert_element_type3A_233, %cond3A_234 : i32
      scf.if %cond3A_235 {
        %add3A_259 = arith.constant 1 : i32
        %add3A_260 = arith.addi %add3A_223, %add3A_259 : i32
        %dma_wait3A_261 = arith.constant 0 : i32
        %dma_wait3A_262 = arith.constant 0 : i32
        %dma_wait3A_263 = arith.constant 0 : i32
        %dma_wait3A_264 = tpu.memref_slice %arg6[%dma_wait3A_261, %dma_wait3A_262, %dma_wait3A_263] : memref<4x2x128xi32, #tpu.memory_space<vmem>> -> memref<1x2x128xi32, #tpu.memory_space<vmem>>
        %dma_wait3A_265 = tpu.memref_squeeze %dma_wait3A_264 : memref<1x2x128xi32, #tpu.memory_space<vmem>> -> memref<2x128xi32, #tpu.memory_space<vmem>>
        %dma_wait3A_266 = arith.constant 0 : i32
        %dma_wait3A_267 = arith.constant 0 : i32
        %dma_wait3A_268 = tpu.memref_slice %arg3[%arg0, %arg1, %add3A_260, %dma_wait3A_266, %dma_wait3A_267] : memref<2x16x80x2x128xi32, #tpu.memory_space<hbm>> -> memref<1x1x1x2x128xi32, #tpu.memory_space<hbm>>
        %dma_wait3A_269 = tpu.memref_squeeze %dma_wait3A_268 : memref<1x1x1x2x128xi32, #tpu.memory_space<hbm>> -> memref<2x128xi32, #tpu.memory_space<hbm>>
        %dma_wait3A_270 = arith.constant 0 : i32
        %dma_wait3A_271 = arith.constant 0 : i32
        %dma_wait3A_272 = tpu.memref_slice %arg6[%dma_wait3A_261, %dma_wait3A_270, %dma_wait3A_271] : memref<4x2x128xi32, #tpu.memory_space<vmem>> -> memref<1x2x128xi32, #tpu.memory_space<vmem>>
        %dma_wait3A_273 = tpu.memref_squeeze %dma_wait3A_272 : memref<1x2x128xi32, #tpu.memory_space<vmem>> -> memref<2x128xi32, #tpu.memory_space<vmem>>
        %dma_wait3A_274 = arith.constant 0 : i32
        %dma_wait3A_275 = arith.constant 0 : i32
        %dma_wait3A_276 = tpu.memref_slice %arg3[%arg0, %arg1, %add3A_260, %dma_wait3A_274, %dma_wait3A_275] : memref<2x16x80x2x128xi32, #tpu.memory_space<hbm>> -> memref<1x1x1x2x128xi32, #tpu.memory_space<hbm>>
        %dma_wait3A_277 = tpu.memref_squeeze %dma_wait3A_276 : memref<1x1x1x2x128xi32, #tpu.memory_space<hbm>> -> memref<2x128xi32, #tpu.memory_space<hbm>>
        tpu.wait_dma2 semaphore(%arg10 : memref<!tpu.dma_semaphore, #tpu.memory_space<semaphore_mem>>) src(%dma_wait3A_277 : memref<2x128xi32, #tpu.memory_space<hbm>>) dst(%dma_wait3A_273 : memref<2x128xi32, #tpu.memory_space<vmem>>)
        %add3A_278 = arith.constant 1 : i32
        %add3A_279 = arith.addi %add3A_223, %add3A_278 : i32
        %dma_start3A_280 = arith.constant 0 : i32
        %dma_start3A_281 = arith.constant 0 : i32
        %dma_start3A_282 = arith.constant 0 : i32
        %dma_start3A_283 = tpu.memref_slice %arg6[%dma_start3A_280, %dma_start3A_281, %dma_start3A_282] : memref<4x2x128xi32, #tpu.memory_space<vmem>> -> memref<1x1x128xi32, #tpu.memory_space<vmem>>
        %dma_start3A_284 = tpu.memref_squeeze %dma_start3A_283 : memref<1x1x128xi32, #tpu.memory_space<vmem>> -> memref<128xi32, #tpu.memory_space<vmem>>
        %dma_start3A_285 = arith.constant 0 : i32
        %dma_start3A_286 = arith.constant 0 : i32
        %dma_start3A_287 = tpu.memref_slice %arg2[%dma_start3A_285, %dma_start3A_286] : memref<20480x128xf32, #tpu.memory_space<hbm>> -> memref<20480x128xf32, #tpu.memory_space<hbm>>
        tpu.enqueue_indirect_dma source(%dma_start3A_287 : memref<20480x128xf32, #tpu.memory_space<hbm>>) target(%arg7 : memref<128x128xf32, #tpu.memory_space<vmem>>) offsets(%dma_start3A_284 : memref<128xi32, #tpu.memory_space<vmem>>) semaphore(%arg14 : memref<!tpu.dma_semaphore, #tpu.memory_space<semaphore_mem>>)
      } else {
      }
      %dma_wait3A_236 = arith.constant 3 : i32
      %dma_wait3A_237 = arith.constant 0 : i32
      %dma_wait3A_238 = arith.constant 0 : i32
      %dma_wait3A_239 = tpu.memref_slice %arg6[%dma_wait3A_236, %dma_wait3A_237, %dma_wait3A_238] : memref<4x2x128xi32, #tpu.memory_space<vmem>> -> memref<1x1x128xi32, #tpu.memory_space<vmem>>
      %dma_wait3A_240 = tpu.memref_squeeze %dma_wait3A_239 : memref<1x1x128xi32, #tpu.memory_space<vmem>> -> memref<128xi32, #tpu.memory_space<vmem>>
      %dma_wait3A_241 = arith.constant 0 : i32
      %dma_wait3A_242 = arith.constant 0 : i32
      %dma_wait3A_243 = tpu.memref_slice %arg2[%dma_wait3A_241, %dma_wait3A_242] : memref<20480x128xf32, #tpu.memory_space<hbm>> -> memref<20480x128xf32, #tpu.memory_space<hbm>>
      tpu.wait_indirect_dma semaphore(%arg15 : memref<!tpu.dma_semaphore, #tpu.memory_space<semaphore_mem>>) src(%dma_wait3A_243 : memref<20480x128xf32, #tpu.memory_space<hbm>>) dst(%arg8 : memref<128x128xf32, #tpu.memory_space<vmem>>)
      %dma_start3A_244 = arith.constant 3 : i32
      %dma_start3A_245 = arith.constant 1 : i32
      %dma_start3A_246 = arith.constant 0 : i32
      %dma_start3A_247 = tpu.memref_slice %arg6[%dma_start3A_244, %dma_start3A_245, %dma_start3A_246] : memref<4x2x128xi32, #tpu.memory_space<vmem>> -> memref<1x1x128xi32, #tpu.memory_space<vmem>>
      %dma_start3A_248 = tpu.memref_squeeze %dma_start3A_247 : memref<1x1x128xi32, #tpu.memory_space<vmem>> -> memref<128xi32, #tpu.memory_space<vmem>>
      %dma_start3A_249 = arith.constant 0 : i32
      %dma_start3A_250 = arith.constant 0 : i32
      %dma_start3A_251 = tpu.memref_slice %arg9[%dma_start3A_249, %dma_start3A_250] : memref<10240x128xf32, #tpu.memory_space<vmem_shared>> -> memref<10240x128xf32, #tpu.memory_space<vmem_shared>>
      tpu.enqueue_indirect_dma source(%arg8 : memref<128x128xf32, #tpu.memory_space<vmem>>) target(%dma_start3A_251 : memref<10240x128xf32, #tpu.memory_space<vmem_shared>>) offsets(%dma_start3A_248 : memref<128xi32, #tpu.memory_space<vmem>>) semaphore(%arg17 : memref<!tpu.dma_semaphore, #tpu.memory_space<semaphore_mem>>) {add = true}
      %add3A_252 = arith.constant 3 : i32
      %add3A_253 = arith.addi %add3A_223, %add3A_252 : i32
      %lt3A_254 = arith.constant 80 : i32
      %lt3A_255 = arith.cmpi slt, %add3A_253, %lt3A_254 : i32
      %convert_element_type3A_256 = arith.extui %lt3A_255 : i1 to i32
      %cond3A_257 = arith.constant 0 : i32
      %cond3A_258 = arith.cmpi ne, %convert_element_type3A_256, %cond3A_257 : i32
      scf.if %cond3A_258 {
        %add3A_259 = arith.constant 3 : i32
        %add3A_260 = arith.addi %add3A_223, %add3A_259 : i32
        %dma_start3A_261 = arith.constant 2 : i32
        %dma_start3A_262 = arith.constant 0 : i32
        %dma_start3A_263 = arith.constant 0 : i32
        %dma_start3A_264 = tpu.memref_slice %arg6[%dma_start3A_261, %dma_start3A_262, %dma_start3A_263] : memref<4x2x128xi32, #tpu.memory_space<vmem>> -> memref<1x2x128xi32, #tpu.memory_space<vmem>>
        %dma_start3A_265 = tpu.memref_squeeze %dma_start3A_264 : memref<1x2x128xi32, #tpu.memory_space<vmem>> -> memref<2x128xi32, #tpu.memory_space<vmem>>
        %dma_start3A_266 = arith.constant 0 : i32
        %dma_start3A_267 = arith.constant 0 : i32
        %dma_start3A_268 = tpu.memref_slice %arg3[%arg0, %arg1, %add3A_260, %dma_start3A_266, %dma_start3A_267] : memref<2x16x80x2x128xi32, #tpu.memory_space<hbm>> -> memref<1x1x1x2x128xi32, #tpu.memory_space<hbm>>
        %dma_start3A_269 = tpu.memref_squeeze %dma_start3A_268 : memref<1x1x1x2x128xi32, #tpu.memory_space<hbm>> -> memref<2x128xi32, #tpu.memory_space<hbm>>
        %dma_start3A_270 = arith.constant 0 : i32
        %dma_start3A_271 = arith.constant 0 : i32
        %dma_start3A_272 = tpu.memref_slice %arg6[%dma_start3A_261, %dma_start3A_270, %dma_start3A_271] : memref<4x2x128xi32, #tpu.memory_space<vmem>> -> memref<1x2x128xi32, #tpu.memory_space<vmem>>
        %dma_start3A_273 = tpu.memref_squeeze %dma_start3A_272 : memref<1x2x128xi32, #tpu.memory_space<vmem>> -> memref<2x128xi32, #tpu.memory_space<vmem>>
        %dma_start3A_274 = arith.constant 0 : i32
        %dma_start3A_275 = arith.constant 0 : i32
        %dma_start3A_276 = tpu.memref_slice %arg3[%arg0, %arg1, %add3A_260, %dma_start3A_274, %dma_start3A_275] : memref<2x16x80x2x128xi32, #tpu.memory_space<hbm>> -> memref<1x1x1x2x128xi32, #tpu.memory_space<hbm>>
        %dma_start3A_277 = tpu.memref_squeeze %dma_start3A_276 : memref<1x1x1x2x128xi32, #tpu.memory_space<hbm>> -> memref<2x128xi32, #tpu.memory_space<hbm>>
        tpu.enqueue_dma source(%dma_start3A_277 : memref<2x128xi32, #tpu.memory_space<hbm>>) target(%dma_start3A_273 : memref<2x128xi32, #tpu.memory_space<vmem>>) target_semaphore(%arg12 : memref<!tpu.dma_semaphore, #tpu.memory_space<semaphore_mem>>)
      } else {
      }
    }
    %scan3A_87 = arith.constant 20 : i32
    %dma_wait3A_88 = arith.constant 3 : i32
    %dma_wait3A_89 = arith.constant 1 : i32
    %dma_wait3A_90 = arith.constant 0 : i32
    %dma_wait3A_91 = tpu.memref_slice %arg6[%dma_wait3A_88, %dma_wait3A_89, %dma_wait3A_90] : memref<4x2x128xi32, #tpu.memory_space<vmem>> -> memref<1x1x128xi32, #tpu.memory_space<vmem>>
    %dma_wait3A_92 = tpu.memref_squeeze %dma_wait3A_91 : memref<1x1x128xi32, #tpu.memory_space<vmem>> -> memref<128xi32, #tpu.memory_space<vmem>>
    %dma_wait3A_93 = arith.constant 0 : i32
    %dma_wait3A_94 = arith.constant 0 : i32
    %dma_wait3A_95 = tpu.memref_slice %arg9[%dma_wait3A_93, %dma_wait3A_94] : memref<10240x128xf32, #tpu.memory_space<vmem_shared>> -> memref<10240x128xf32, #tpu.memory_space<vmem_shared>>
    tpu.wait_indirect_dma semaphore(%arg17 : memref<!tpu.dma_semaphore, #tpu.memory_space<semaphore_mem>>) src(%arg8 : memref<128x128xf32, #tpu.memory_space<vmem>>) dst(%dma_wait3A_95 : memref<10240x128xf32, #tpu.memory_space<vmem_shared>>)
    %barrier3A_96 = arith.constant 0 : index
    tpu.barrier barrier_id(%barrier3A_96)
    %eq3A = arith.constant 0 : i32
    %eq3A_97 = arith.cmpi eq, %arg0, %eq3A : i32
    %convert_element_type3A = arith.extui %eq3A_97 : i1 to i32
    %cond3A = arith.constant 0 : i32
    %cond3A_98 = arith.cmpi ne, %convert_element_type3A, %cond3A : i32
    scf.if %cond3A_98 {
      %mul3A_104 = arith.constant 640 : i32
      %mul3A_105 = arith.muli %arg1, %mul3A_104 : i32
      %mul3A_106 = arith.constant 640 : i32
      %mul3A_107 = arith.muli %arg1, %mul3A_106 : i32
      "tpu.region"() ({
        %run_scoped3A = tpu.sem_alloc : memref<!tpu.dma_semaphore, #tpu.memory_space<semaphore_mem>>
        %dma_start3A_108 = arith.constant 0 : i32
        %dma_start3A_109 = tpu.memref_slice %arg4[%mul3A_107, %dma_start3A_108] : memref<10240x128xf32, #tpu.memory_space<hbm>> -> memref<640x128xf32, #tpu.memory_space<hbm>>
        %dma_start3A_110 = arith.constant 0 : i32
        %dma_start3A_111 = tpu.memref_slice %arg9[%mul3A_105, %dma_start3A_110] : memref<10240x128xf32, #tpu.memory_space<vmem_shared>> -> memref<640x128xf32, #tpu.memory_space<vmem_shared>>
        tpu.enqueue_dma source(%dma_start3A_111 : memref<640x128xf32, #tpu.memory_space<vmem_shared>>) target(%dma_start3A_109 : memref<640x128xf32, #tpu.memory_space<hbm>>) target_semaphore(%run_scoped3A : memref<!tpu.dma_semaphore, #tpu.memory_space<semaphore_mem>>)
        %dma_wait3A_112 = arith.constant 0 : i32
        %dma_wait3A_113 = tpu.memref_slice %arg4[%mul3A_107, %dma_wait3A_112] : memref<10240x128xf32, #tpu.memory_space<hbm>> -> memref<640x128xf32, #tpu.memory_space<hbm>>
        %dma_wait3A_114 = arith.constant 0 : i32
        %dma_wait3A_115 = tpu.memref_slice %arg9[%mul3A_105, %dma_wait3A_114] : memref<10240x128xf32, #tpu.memory_space<vmem_shared>> -> memref<640x128xf32, #tpu.memory_space<vmem_shared>>
        tpu.wait_dma2 semaphore(%run_scoped3A : memref<!tpu.dma_semaphore, #tpu.memory_space<semaphore_mem>>) src(%dma_wait3A_115 : memref<640x128xf32, #tpu.memory_space<vmem_shared>>) dst(%dma_wait3A_113 : memref<640x128xf32, #tpu.memory_space<hbm>>)
        tpu.yield
      }) : () -> ()
    } else {
    }
    %eq3A_99 = arith.constant 1 : i32
    %eq3A_100 = arith.cmpi eq, %arg0, %eq3A_99 : i32
    %convert_element_type3A_101 = arith.extui %eq3A_100 : i1 to i32
    %cond3A_102 = arith.constant 0 : i32
    %cond3A_103 = arith.cmpi ne, %convert_element_type3A_101, %cond3A_102 : i32
    scf.if %cond3A_103 {
      %mul3A_104 = arith.constant 640 : i32
      %mul3A_105 = arith.muli %arg1, %mul3A_104 : i32
      %mul3A_106 = arith.constant 640 : i32
      %mul3A_107 = arith.muli %arg1, %mul3A_106 : i32
      "tpu.region"() ({
        %run_scoped3A = tpu.sem_alloc : memref<!tpu.dma_semaphore, #tpu.memory_space<semaphore_mem>>
        %dma_start3A_108 = arith.constant 0 : i32
        %dma_start3A_109 = tpu.memref_slice %arg5[%mul3A_107, %dma_start3A_108] : memref<10240x128xf32, #tpu.memory_space<hbm>> -> memref<640x128xf32, #tpu.memory_space<hbm>>
        %dma_start3A_110 = arith.constant 0 : i32
        %dma_start3A_111 = tpu.memref_slice %arg9[%mul3A_105, %dma_start3A_110] : memref<10240x128xf32, #tpu.memory_space<vmem_shared>> -> memref<640x128xf32, #tpu.memory_space<vmem_shared>>
        tpu.enqueue_dma source(%dma_start3A_111 : memref<640x128xf32, #tpu.memory_space<vmem_shared>>) target(%dma_start3A_109 : memref<640x128xf32, #tpu.memory_space<hbm>>) target_semaphore(%run_scoped3A : memref<!tpu.dma_semaphore, #tpu.memory_space<semaphore_mem>>)
        %dma_wait3A_112 = arith.constant 0 : i32
        %dma_wait3A_113 = tpu.memref_slice %arg5[%mul3A_107, %dma_wait3A_112] : memref<10240x128xf32, #tpu.memory_space<hbm>> -> memref<640x128xf32, #tpu.memory_space<hbm>>
        %dma_wait3A_114 = arith.constant 0 : i32
        %dma_wait3A_115 = tpu.memref_slice %arg9[%mul3A_105, %dma_wait3A_114] : memref<10240x128xf32, #tpu.memory_space<vmem_shared>> -> memref<640x128xf32, #tpu.memory_space<vmem_shared>>
        tpu.wait_dma2 semaphore(%run_scoped3A : memref<!tpu.dma_semaphore, #tpu.memory_space<semaphore_mem>>) src(%dma_wait3A_115 : memref<640x128xf32, #tpu.memory_space<vmem_shared>>) dst(%dma_wait3A_113 : memref<640x128xf32, #tpu.memory_space<hbm>>)
        tpu.yield
      }) : () -> ()
    } else {
    }
    return
  }
}

module attributes {stable_mosaic.version = 14 : i64} {
  func.func @_tc_a_body(%arg0: i32, %arg1: memref<2560x256xf32, #tpu.memory_space<vmem>>, %arg2: memref<256x256xf32, #tpu.memory_space<vmem>>, %arg3: memref<2x2560xf32, #tpu.memory_space<vmem>>, %arg4: memref<1x1xf32, #tpu.memory_space<vmem>>, %arg5: memref<2x2560x128xf32, #tpu.memory_space<vmem>>) attributes {dimension_semantics = [#tpu.dimension_semantics<arbitrary>], iteration_bounds = array<i64: 4>, scalar_prefetch = 0 : i64, scratch_operands = 0 : i64, tpu.core_type = #tpu.core_type<tc>, window_params = [{transform_indices = @transform_0, window_bounds = array<i64: 2560, 256>}, {pipeline_mode = #tpu.pipeline_mode<synchronous>, transform_indices = @transform_1, window_bounds = array<i64: 256, 256>}, {transform_indices = @transform_2, window_bounds = array<i64: 2, 2560>}, {pipeline_mode = #tpu.pipeline_mode<synchronous>, transform_indices = @transform_3, window_bounds = array<i64: 1, 1>}, {transform_indices = @transform_4, window_bounds = array<i64: 2, 2560, 128>}]} {
    %get3A = arith.constant 0 : index
    %get3A_0 = arith.constant 0 : index
    %get3A_1 = vector.load %arg3[%get3A, %get3A_0] : memref<2x2560xf32, #tpu.memory_space<vmem>>, vector<1x2560xf32>
    %get3A_2 = vector.shape_cast %get3A_1 : vector<1x2560xf32> to vector<2560xf32>
    %get3A_3 = arith.constant 1 : index
    %get3A_4 = arith.constant 0 : index
    %get3A_5 = vector.load %arg3[%get3A_3, %get3A_4] : memref<2x2560xf32, #tpu.memory_space<vmem>>, vector<1x2560xf32>
    %get3A_6 = vector.shape_cast %get3A_5 : vector<1x2560xf32> to vector<2560xf32>
    %add3A = arith.addf %get3A_2, %get3A_6 : vector<2560xf32>
    %add3A_7 = arith.constant 1.000000e+00 : f32
    %add3A_8 = vector.broadcast %add3A_7 : f32 to vector<2560xf32>
    %add3A_9 = arith.addf %add3A, %add3A_8 : vector<2560xf32>
    %rsqrt3A = math.rsqrt %add3A_9 : vector<2560xf32>
    %broadcast_in_dim3A = vector.shape_cast %rsqrt3A : vector<2560xf32> to vector<2560x1xf32>
    %get3A_10 = arith.constant 0 : index
    %get3A_11 = arith.constant 0 : index
    %get3A_12 = vector.load %arg1[%get3A_10, %get3A_11] : memref<2560x256xf32, #tpu.memory_space<vmem>>, vector<2560x256xf32>
    %get3A_13 = arith.constant 0 : index
    %get3A_14 = arith.constant 0 : index
    %get3A_15 = vector.load %arg4[%get3A_13, %get3A_14] : memref<1x1xf32, #tpu.memory_space<vmem>>, vector<1x1xf32>
    %get3A_16 = vector.extract %get3A_15[0, 0] : f32 from vector<1x1xf32>
    %add3A_17 = vector.broadcast %get3A_16 : f32 to vector<2560x256xf32>
    %add3A_18 = arith.addf %get3A_12, %add3A_17 : vector<2560x256xf32>
    %get3A_19 = arith.constant 0 : index
    %get3A_20 = arith.constant 0 : index
    %get3A_21 = vector.load %arg2[%get3A_19, %get3A_20] : memref<256x256xf32, #tpu.memory_space<vmem>>, vector<256x256xf32>
    %dot_general3A = arith.constant dense<0.000000e+00> : vector<2560x256xf32>
    %dot_general3A_22 = tpu.matmul %add3A_18, %get3A_21, %dot_general3A {dimension_numbers = #tpu.dot_dimension_numbers<[1], [0], [0], [1], [0, 0, 1, 1], [], []>, transpose_lhs_hint = false} : vector<2560x256xf32>, vector<256x256xf32>, vector<2560x256xf32> -> vector<2560x256xf32>
    %mul3A = vector.broadcast %broadcast_in_dim3A : vector<2560x1xf32> to vector<2560x256xf32>
    %mul3A_23 = arith.mulf %dot_general3A_22, %mul3A : vector<2560x256xf32>
    %slice3A = vector.extract_strided_slice %mul3A_23 {offsets = [0, 0], sizes = [2560, 128], strides = [1, 1]} : vector<2560x256xf32> to vector<2560x128xf32>
    %swap3A = arith.constant 0 : index
    %swap3A_24 = arith.constant 0 : index
    %swap3A_25 = arith.constant 0 : index
    %swap3A_26 = vector.load %arg5[%swap3A, %swap3A_24, %swap3A_25] : memref<2x2560x128xf32, #tpu.memory_space<vmem>>, vector<1x2560x128xf32>
    %swap3A_27 = vector.shape_cast %swap3A_26 : vector<1x2560x128xf32> to vector<2560x128xf32>
    %swap3A_28 = vector.shape_cast %slice3A : vector<2560x128xf32> to vector<1x2560x128xf32>
    tpu.vector_store %arg5[%swap3A, %swap3A_24, %swap3A_25], %swap3A_28 {strides = array<i32>} : memref<2x2560x128xf32, #tpu.memory_space<vmem>>, vector<1x2560x128xf32>,
    %slice3A_29 = vector.extract_strided_slice %mul3A_23 {offsets = [0, 128], sizes = [2560, 128], strides = [1, 1]} : vector<2560x256xf32> to vector<2560x128xf32>
    %swap3A_30 = arith.constant 1 : index
    %swap3A_31 = arith.constant 0 : index
    %swap3A_32 = arith.constant 0 : index
    %swap3A_33 = vector.load %arg5[%swap3A_30, %swap3A_31, %swap3A_32] : memref<2x2560x128xf32, #tpu.memory_space<vmem>>, vector<1x2560x128xf32>
    %swap3A_34 = vector.shape_cast %swap3A_33 : vector<1x2560x128xf32> to vector<2560x128xf32>
    %swap3A_35 = vector.shape_cast %slice3A_29 : vector<2560x128xf32> to vector<1x2560x128xf32>
    tpu.vector_store %arg5[%swap3A_30, %swap3A_31, %swap3A_32], %swap3A_35 {strides = array<i32>} : memref<2x2560x128xf32, #tpu.memory_space<vmem>>, vector<1x2560x128xf32>,
    return
  }
  func.func @transform_0(%arg0: i32) -> (i32, i32) {
    %c0_i32 = arith.constant 0 : i32
    %c0_i32_0 = arith.constant 0 : i32
    return %arg0, %c0_i32 : i32, i32
  }
  func.func @transform_1(%arg0: i32) -> (i32, i32) {
    %c0_i32 = arith.constant 0 : i32
    %c0_i32_0 = arith.constant 0 : i32
    %c0_i32_1 = arith.constant 0 : i32
    return %c0_i32, %c0_i32_0 : i32, i32
  }
  func.func @transform_2(%arg0: i32) -> (i32, i32) {
    %c0_i32 = arith.constant 0 : i32
    %c0_i32_0 = arith.constant 0 : i32
    return %c0_i32, %arg0 : i32, i32
  }
  func.func @transform_3(%arg0: i32) -> (i32, i32) {
    %c0_i32 = arith.constant 0 : i32
    %c0_i32_0 = arith.constant 0 : i32
    %c0_i32_1 = arith.constant 0 : i32
    return %c0_i32, %c0_i32_0 : i32, i32
  }
  func.func @transform_4(%arg0: i32) -> (i32, i32, i32) {
    %c0_i32 = arith.constant 0 : i32
    %c0_i32_0 = arith.constant 0 : i32
    %c0_i32_1 = arith.constant 0 : i32
    return %c0_i32, %arg0, %c0_i32_0 : i32, i32, i32
  }
}

module attributes {stable_mosaic.version = 14 : i64} {
  func.func @_tc_b_body(%arg0: i32, %arg1: memref<2560x128xf32, #tpu.memory_space<vmem>>, %arg2: memref<2560x128xf32, #tpu.memory_space<vmem>>, %arg3: memref<2x2560xf32, #tpu.memory_space<vmem>>, %arg4: memref<2x128xf32, #tpu.memory_space<vmem>>, %arg5: memref<256x256xf32, #tpu.memory_space<vmem>>, %arg6: memref<2x2560x128xf32, #tpu.memory_space<vmem>>) attributes {dimension_semantics = [#tpu.dimension_semantics<arbitrary>], iteration_bounds = array<i64: 4>, scalar_prefetch = 0 : i64, scratch_operands = 0 : i64, tpu.core_type = #tpu.core_type<tc>, window_params = [{transform_indices = @transform_0, window_bounds = array<i64: 2560, 128>}, {transform_indices = @transform_1, window_bounds = array<i64: 2560, 128>}, {transform_indices = @transform_2, window_bounds = array<i64: 2, 2560>}, {pipeline_mode = #tpu.pipeline_mode<synchronous>, transform_indices = @transform_3, window_bounds = array<i64: 2, 128>}, {pipeline_mode = #tpu.pipeline_mode<synchronous>, transform_indices = @transform_4, window_bounds = array<i64: 256, 256>}, {transform_indices = @transform_5, window_bounds = array<i64: 2, 2560, 128>}]} {
    %get3A = arith.constant 0 : index
    %get3A_0 = arith.constant 0 : index
    %get3A_1 = vector.load %arg3[%get3A, %get3A_0] : memref<2x2560xf32, #tpu.memory_space<vmem>>, vector<1x2560xf32>
    %get3A_2 = vector.shape_cast %get3A_1 : vector<1x2560xf32> to vector<2560xf32>
    %get3A_3 = arith.constant 1 : index
    %get3A_4 = arith.constant 0 : index
    %get3A_5 = vector.load %arg3[%get3A_3, %get3A_4] : memref<2x2560xf32, #tpu.memory_space<vmem>>, vector<1x2560xf32>
    %get3A_6 = vector.shape_cast %get3A_5 : vector<1x2560xf32> to vector<2560xf32>
    %add3A = arith.addf %get3A_2, %get3A_6 : vector<2560xf32>
    %add3A_7 = arith.constant 1.000000e+00 : f32
    %add3A_8 = vector.broadcast %add3A_7 : f32 to vector<2560xf32>
    %add3A_9 = arith.addf %add3A, %add3A_8 : vector<2560xf32>
    %rsqrt3A = math.rsqrt %add3A_9 : vector<2560xf32>
    %broadcast_in_dim3A = vector.shape_cast %rsqrt3A : vector<2560xf32> to vector<2560x1xf32>
    %get3A_10 = arith.constant 0 : index
    %get3A_11 = arith.constant 0 : index
    %get3A_12 = vector.load %arg1[%get3A_10, %get3A_11] : memref<2560x128xf32, #tpu.memory_space<vmem>>, vector<2560x128xf32>
    %mul3A = vector.broadcast %broadcast_in_dim3A : vector<2560x1xf32> to vector<2560x128xf32>
    %mul3A_13 = arith.mulf %get3A_12, %mul3A : vector<2560x128xf32>
    %get3A_14 = arith.constant 0 : index
    %get3A_15 = arith.constant 0 : index
    %get3A_16 = vector.load %arg4[%get3A_14, %get3A_15] : memref<2x128xf32, #tpu.memory_space<vmem>>, vector<1x128xf32>
    %get3A_17 = vector.shape_cast %get3A_16 : vector<1x128xf32> to vector<128xf32>
    %broadcast_in_dim3A_18 = vector.shape_cast %get3A_17 : vector<128xf32> to vector<1x128xf32>
    %add3A_19 = vector.broadcast %broadcast_in_dim3A_18 : vector<1x128xf32> to vector<2560x128xf32>
    %add3A_20 = arith.addf %mul3A_13, %add3A_19 : vector<2560x128xf32>
    %max3A = arith.constant 0.000000e+00 : f32
    %max3A_21 = vector.broadcast %max3A : f32 to vector<2560x128xf32>
    %max3A_22 = arith.maximumf %add3A_20, %max3A_21 : vector<2560x128xf32>
    %get3A_23 = arith.constant 0 : index
    %get3A_24 = arith.constant 0 : index
    %get3A_25 = vector.load %arg2[%get3A_23, %get3A_24] : memref<2560x128xf32, #tpu.memory_space<vmem>>, vector<2560x128xf32>
    %mul3A_26 = vector.broadcast %broadcast_in_dim3A : vector<2560x1xf32> to vector<2560x128xf32>
    %mul3A_27 = arith.mulf %get3A_25, %mul3A_26 : vector<2560x128xf32>
    %get3A_28 = arith.constant 1 : index
    %get3A_29 = arith.constant 0 : index
    %get3A_30 = vector.load %arg4[%get3A_28, %get3A_29] : memref<2x128xf32, #tpu.memory_space<vmem>>, vector<1x128xf32>
    %get3A_31 = vector.shape_cast %get3A_30 : vector<1x128xf32> to vector<128xf32>
    %broadcast_in_dim3A_32 = vector.shape_cast %get3A_31 : vector<128xf32> to vector<1x128xf32>
    %add3A_33 = vector.broadcast %broadcast_in_dim3A_32 : vector<1x128xf32> to vector<2560x128xf32>
    %add3A_34 = arith.addf %mul3A_27, %add3A_33 : vector<2560x128xf32>
    %max3A_35 = arith.constant 0.000000e+00 : f32
    %max3A_36 = vector.broadcast %max3A_35 : f32 to vector<2560x128xf32>
    %max3A_37 = arith.maximumf %add3A_34, %max3A_36 : vector<2560x128xf32>
    %get3A_38 = arith.constant 0 : index
    %get3A_39 = arith.constant 0 : index
    %get3A_40 = vector.load %arg5[%get3A_38, %get3A_39] : memref<256x256xf32, #tpu.memory_space<vmem>>, vector<128x256xf32>
    %dot_general3A = arith.constant dense<0.000000e+00> : vector<2560x256xf32>
    %dot_general3A_41 = tpu.matmul %max3A_22, %get3A_40, %dot_general3A {dimension_numbers = #tpu.dot_dimension_numbers<[1], [0], [0], [1], [0, 0, 1, 1], [], []>, transpose_lhs_hint = false} : vector<2560x128xf32>, vector<128x256xf32>, vector<2560x256xf32> -> vector<2560x256xf32>
    %get3A_42 = arith.constant 128 : index
    %get3A_43 = arith.constant 0 : index
    %get3A_44 = vector.load %arg5[%get3A_42, %get3A_43] : memref<256x256xf32, #tpu.memory_space<vmem>>, vector<128x256xf32>
    %dot_general3A_45 = arith.constant dense<0.000000e+00> : vector<2560x256xf32>
    %dot_general3A_46 = tpu.matmul %max3A_37, %get3A_44, %dot_general3A_45 {dimension_numbers = #tpu.dot_dimension_numbers<[1], [0], [0], [1], [0, 0, 1, 1], [], []>, transpose_lhs_hint = false} : vector<2560x128xf32>, vector<128x256xf32>, vector<2560x256xf32> -> vector<2560x256xf32>
    %add3A_47 = arith.addf %dot_general3A_41, %dot_general3A_46 : vector<2560x256xf32>
    %mul3A_48 = vector.broadcast %broadcast_in_dim3A : vector<2560x1xf32> to vector<2560x256xf32>
    %mul3A_49 = arith.mulf %add3A_47, %mul3A_48 : vector<2560x256xf32>
    %slice3A = vector.extract_strided_slice %mul3A_49 {offsets = [0, 0], sizes = [2560, 128], strides = [1, 1]} : vector<2560x256xf32> to vector<2560x128xf32>
    %swap3A = arith.constant 0 : index
    %swap3A_50 = arith.constant 0 : index
    %swap3A_51 = arith.constant 0 : index
    %swap3A_52 = vector.load %arg6[%swap3A, %swap3A_50, %swap3A_51] : memref<2x2560x128xf32, #tpu.memory_space<vmem>>, vector<1x2560x128xf32>
    %swap3A_53 = vector.shape_cast %swap3A_52 : vector<1x2560x128xf32> to vector<2560x128xf32>
    %swap3A_54 = vector.shape_cast %slice3A : vector<2560x128xf32> to vector<1x2560x128xf32>
    tpu.vector_store %arg6[%swap3A, %swap3A_50, %swap3A_51], %swap3A_54 {strides = array<i32>} : memref<2x2560x128xf32, #tpu.memory_space<vmem>>, vector<1x2560x128xf32>,
    %slice3A_55 = vector.extract_strided_slice %mul3A_49 {offsets = [0, 128], sizes = [2560, 128], strides = [1, 1]} : vector<2560x256xf32> to vector<2560x128xf32>
    %swap3A_56 = arith.constant 1 : index
    %swap3A_57 = arith.constant 0 : index
    %swap3A_58 = arith.constant 0 : index
    %swap3A_59 = vector.load %arg6[%swap3A_56, %swap3A_57, %swap3A_58] : memref<2x2560x128xf32, #tpu.memory_space<vmem>>, vector<1x2560x128xf32>
    %swap3A_60 = vector.shape_cast %swap3A_59 : vector<1x2560x128xf32> to vector<2560x128xf32>
    %swap3A_61 = vector.shape_cast %slice3A_55 : vector<2560x128xf32> to vector<1x2560x128xf32>
    tpu.vector_store %arg6[%swap3A_56, %swap3A_57, %swap3A_58], %swap3A_61 {strides = array<i32>} : memref<2x2560x128xf32, #tpu.memory_space<vmem>>, vector<1x2560x128xf32>,
    return
  }
  func.func @transform_0(%arg0: i32) -> (i32, i32) {
    %c0_i32 = arith.constant 0 : i32
    %c0_i32_0 = arith.constant 0 : i32
    return %arg0, %c0_i32 : i32, i32
  }
  func.func @transform_1(%arg0: i32) -> (i32, i32) {
    %c0_i32 = arith.constant 0 : i32
    %c0_i32_0 = arith.constant 0 : i32
    return %arg0, %c0_i32 : i32, i32
  }
  func.func @transform_2(%arg0: i32) -> (i32, i32) {
    %c0_i32 = arith.constant 0 : i32
    %c0_i32_0 = arith.constant 0 : i32
    return %c0_i32, %arg0 : i32, i32
  }
  func.func @transform_3(%arg0: i32) -> (i32, i32) {
    %c0_i32 = arith.constant 0 : i32
    %c0_i32_0 = arith.constant 0 : i32
    %c0_i32_1 = arith.constant 0 : i32
    return %c0_i32, %c0_i32_0 : i32, i32
  }
  func.func @transform_4(%arg0: i32) -> (i32, i32) {
    %c0_i32 = arith.constant 0 : i32
    %c0_i32_0 = arith.constant 0 : i32
    %c0_i32_1 = arith.constant 0 : i32
    return %c0_i32, %c0_i32_0 : i32, i32
  }
  func.func @transform_5(%arg0: i32) -> (i32, i32, i32) {
    %c0_i32 = arith.constant 0 : i32
    %c0_i32_0 = arith.constant 0 : i32
    %c0_i32_1 = arith.constant 0 : i32
    return %c0_i32, %arg0, %c0_i32_0 : i32, i32, i32
  }
}

module attributes {stable_mosaic.version = 14 : i64} {
  func.func @_tc_c_body(%arg0: i32, %arg1: memref<2560x128xf32, #tpu.memory_space<vmem>>, %arg2: memref<2560x128xf32, #tpu.memory_space<vmem>>, %arg3: memref<2x2560xf32, #tpu.memory_space<vmem>>, %arg4: memref<1x256xf32, #tpu.memory_space<vmem>>, %arg5: memref<2560x4x256xf32, #tpu.memory_space<vmem>>) attributes {dimension_semantics = [#tpu.dimension_semantics<arbitrary>], iteration_bounds = array<i64: 4>, scalar_prefetch = 0 : i64, scratch_operands = 0 : i64, tpu.core_type = #tpu.core_type<tc>, window_params = [{transform_indices = @transform_0, window_bounds = array<i64: 2560, 128>}, {transform_indices = @transform_1, window_bounds = array<i64: 2560, 128>}, {transform_indices = @transform_2, window_bounds = array<i64: 2, 2560>}, {pipeline_mode = #tpu.pipeline_mode<synchronous>, transform_indices = @transform_3, window_bounds = array<i64: 1, 256>}, {transform_indices = @transform_4, window_bounds = array<i64: 2560, 4, 256>}]} {
    %get3A = arith.constant 0 : index
    %get3A_0 = arith.constant 0 : index
    %get3A_1 = vector.load %arg3[%get3A, %get3A_0] : memref<2x2560xf32, #tpu.memory_space<vmem>>, vector<1x2560xf32>
    %get3A_2 = vector.shape_cast %get3A_1 : vector<1x2560xf32> to vector<2560xf32>
    %get3A_3 = arith.constant 1 : index
    %get3A_4 = arith.constant 0 : index
    %get3A_5 = vector.load %arg3[%get3A_3, %get3A_4] : memref<2x2560xf32, #tpu.memory_space<vmem>>, vector<1x2560xf32>
    %get3A_6 = vector.shape_cast %get3A_5 : vector<1x2560xf32> to vector<2560xf32>
    %add3A = arith.addf %get3A_2, %get3A_6 : vector<2560xf32>
    %add3A_7 = arith.constant 1.000000e+00 : f32
    %add3A_8 = vector.broadcast %add3A_7 : f32 to vector<2560xf32>
    %add3A_9 = arith.addf %add3A, %add3A_8 : vector<2560xf32>
    %rsqrt3A = math.rsqrt %add3A_9 : vector<2560xf32>
    %broadcast_in_dim3A = vector.shape_cast %rsqrt3A : vector<2560xf32> to vector<2560x1xf32>
    %get3A_10 = arith.constant 0 : index
    %get3A_11 = arith.constant 0 : index
    %get3A_12 = vector.load %arg1[%get3A_10, %get3A_11] : memref<2560x128xf32, #tpu.memory_space<vmem>>, vector<2560x128xf32>
    %mul3A = vector.broadcast %broadcast_in_dim3A : vector<2560x1xf32> to vector<2560x128xf32>
    %mul3A_13 = arith.mulf %get3A_12, %mul3A : vector<2560x128xf32>
    %get3A_14 = arith.constant 0 : index
    %get3A_15 = arith.constant 0 : index
    %get3A_16 = vector.load %arg2[%get3A_14, %get3A_15] : memref<2560x128xf32, #tpu.memory_space<vmem>>, vector<2560x128xf32>
    %mul3A_17 = vector.broadcast %broadcast_in_dim3A : vector<2560x1xf32> to vector<2560x128xf32>
    %mul3A_18 = arith.mulf %get3A_16, %mul3A_17 : vector<2560x128xf32>
    %concatenate3A = tpu.concatenate %mul3A_13, %mul3A_18 in 1 : vector<2560x128xf32>, vector<2560x128xf32> -> vector<2560x256xf32>
    %get3A_19 = arith.constant 0 : index
    %get3A_20 = arith.constant 0 : index
    %get3A_21 = vector.load %arg4[%get3A_19, %get3A_20] : memref<1x256xf32, #tpu.memory_space<vmem>>, vector<1x256xf32>
    %get3A_22 = vector.shape_cast %get3A_21 : vector<1x256xf32> to vector<256xf32>
    %broadcast_in_dim3A_23 = vector.shape_cast %get3A_22 : vector<256xf32> to vector<1x256xf32>
    %add3A_24 = vector.broadcast %broadcast_in_dim3A_23 : vector<1x256xf32> to vector<2560x256xf32>
    %add3A_25 = arith.addf %concatenate3A, %add3A_24 : vector<2560x256xf32>
    %max3A = arith.constant 0.000000e+00 : f32
    %max3A_26 = vector.broadcast %max3A : f32 to vector<2560x256xf32>
    %max3A_27 = arith.maximumf %add3A_25, %max3A_26 : vector<2560x256xf32>
    %broadcast_in_dim3A_28 = vector.shape_cast %max3A_27 : vector<2560x256xf32> to vector<2560x1x256xf32>
    %broadcast_in_dim3A_29 = vector.shape_cast %broadcast_in_dim3A_28 : vector<2560x1x256xf32> to vector<2560x1x256xf32>
    %broadcast_in_dim3A_30 = vector.broadcast %broadcast_in_dim3A_29 : vector<2560x1x256xf32> to vector<2560x4x256xf32>
    %swap3A = arith.constant 0 : index
    %swap3A_31 = arith.constant 0 : index
    %swap3A_32 = arith.constant 0 : index
    %swap3A_33 = vector.load %arg5[%swap3A, %swap3A_31, %swap3A_32] : memref<2560x4x256xf32, #tpu.memory_space<vmem>>, vector<2560x4x256xf32>
    tpu.vector_store %arg5[%swap3A, %swap3A_31, %swap3A_32], %broadcast_in_dim3A_30 {strides = array<i32>} : memref<2560x4x256xf32, #tpu.memory_space<vmem>>, vector<2560x4x256xf32>,
    return
  }
  func.func @transform_0(%arg0: i32) -> (i32, i32) {
    %c0_i32 = arith.constant 0 : i32
    %c0_i32_0 = arith.constant 0 : i32
    return %arg0, %c0_i32 : i32, i32
  }
  func.func @transform_1(%arg0: i32) -> (i32, i32) {
    %c0_i32 = arith.constant 0 : i32
    %c0_i32_0 = arith.constant 0 : i32
    return %arg0, %c0_i32 : i32, i32
  }
  func.func @transform_2(%arg0: i32) -> (i32, i32) {
    %c0_i32 = arith.constant 0 : i32
    %c0_i32_0 = arith.constant 0 : i32
    return %c0_i32, %arg0 : i32, i32
  }
  func.func @transform_3(%arg0: i32) -> (i32, i32) {
    %c0_i32 = arith.constant 0 : i32
    %c0_i32_0 = arith.constant 0 : i32
    %c0_i32_1 = arith.constant 0 : i32
    return %c0_i32, %c0_i32_0 : i32, i32
  }
  func.func @transform_4(%arg0: i32) -> (i32, i32, i32) {
    %c0_i32 = arith.constant 0 : i32
    %c0_i32_0 = arith.constant 0 : i32
    %c0_i32_1 = arith.constant 0 : i32
    return %arg0, %c0_i32, %c0_i32_0 : i32, i32, i32
  }
}

</mosaic_0001>

<sc_bundles>
// kernel: kernel.11.cloned.1.call-start
scs
__scs_entry_jumppad:
0x0: {  	(pc) =	sbr.rel $0x88, $3  }
0x1: {  	(tag) =	ssettag $0x0;
	lr =	simm.s32 $0x1  }
0x2: {  	[smem:$0x3F9A] =	sst lr;
	_ =	strace $0xD0000000  }
0x3: {  	_ = 	snop  }
0x4: {  	_ = 	snop  }
0x5: {  	_ = 	snop  }
0x6: {  	_ = 	snop  }
0x7: {  	_ = 	snop  }
__scs_overlays_trampoline_lowered:
0x8: {  	[smem:$0x3FA9] =	sst s0  }
0x9: {  	[smem:$0x3FAA] =	sst s1  }
0xa: {  	[smem:$0x3FAB] =	sst s2  }
0xb: {  	[smem:$0x3FAC] =	sst s3  }
0xc: {  	[smem:$0x3FAD] =	sst s4  }
0xd: {  	[smem:$0x3FAE] =	sst s5  }
0xe: {  	[smem:$0x3FAF] =	sst s6  }
0xf: {  	[smem:$0x3FB0] =	sst s7  }
0x10: {  	[smem:$0x3FB1] =	sst s8  }
0x11: {  	[smem:$0x3FB2] =	sst s9;
	s0 =	simm.s32 @!p0 $0x0  }
0x12: {  	s1 =	sld [smem:$0x3F98];
	s0 =	simm.s32 @p0 $0x1  }
0x13: {  	[smem:$0x3FB3] =	sst s0;
	s0 =	simm.s32 @!p1 $0x0  }
0x14: {  	s2 =	sld [smem:$0x3F97];
	s0 =	simm.s32 @p1 $0x1  }
0x15: {  	[smem:$0x3FB4] =	sst s0;
	s0 =	simm.s32 @!p2 $0x0  }
0x16: {  	s3 =	sld [smem:$0x3FDB];
	s0 =	simm.s32 @p2 $0x1  }
0x17: {  	s4 =	simm.s32 $0x1BF5;
	[smem:$0x3FB6] =	sst s0  }
0x18: {  	s0 =	sld [smem:$0x3F99];
	_ =	swait.ge [sflag:s4], $0x0  }
0x19: {  	s7 =	sld [smem:$0x3F9A]  }
0x1a: {  	s8 =	sadd.s32 $0xFFFFE003, lr  }
0x1b: {  	s9 =	sadd.s32 $0xFFFFFEF7, lr;
	s5 =	simm.s32 $0xFFFFFFFF;
	p2 =	slt.u32 s8, $0xFFFFF086  }
0x1c: {  	p1 =	slt.u32 s9, $0xF7A;
	s5 =	simm.s32 @!p2 $0x0  }
0x1d: {  	s5 =	simm.s32 @p1 $0x1;
	p0 =	seq.s32 s7, s2  }
0x1e: {  	s7 =	smul.u32 @!p0 $0xF7A, s2;
	p2 =	seq.s32 @!p0 s5, $0x0  }
0x1f: {  	s9 =	smul.u32 $0xF7A, s1;
	s8 =	simm.s32 @!p0 $0x1BF5;
	p2 =	por !p2, p0  }
0x20: {  	[sflag:s8] =	ssyncset.s32 @!p0 $0xFFFFF086;
	s6 =	sadd.s32 @!p0 s3, s7;
	s7 =	simm.s32 @!p0 $0x108  }
0x21: {  	s3 =	sadd.s32 s3, s9;
	s6 =	sadd.s32 @!p0 $0x88, s6;
	s7 =	simm.s32 @p2 $0x1082  }
0x22: {  	[simem:s7], [sflag:s8] =	dma.local @!p0 [hbm:s6], $0xF7A  }
0x23: {  	s9 =	sor.u32 $0xD0000000, s2;
	s6 =	simm.s32 $0x108;
	_ =	swait.ge @!p0 [sflag:s8], $0x0  }
0x24: {  	s3 =	sadd.s32 $0x88, s3;
	s6 =	simm.s32 @!p1 $0x1082;
	[sflag:s4] =	ssyncset.s32 $0xFFFFF086  }
0x25: {  	[simem:s6], [sflag:s4] =	dma.local [hbm:s3], $0xF7A  }
0x26: {  	[smem:$0x3F9A] =	sst s1;
	(tag) =	ssettag s2;
	_ =	strace s9  }
0x27: {  	s1 =	sld [smem:$0x3FAA]  }
0x28: {  	s2 =	sld [smem:$0x3FAB]  }
0x29: {  	s4 =	sld [smem:$0x3FAD]  }
0x2a: {  	p0 =	seq.s32 s5, $0x0;
	s5 =	sld [smem:$0x3FAE]  }
0x2b: {  	s6 =	sld [smem:$0x3FAF]  }
0x2c: {  	s7 =	sld [smem:$0x3FB0]  }
0x2d: {  	s3 =	simm.s32 $0x108;
	s8 =	sld [smem:$0x3FB1]  }
0x2e: {  	s3 =	simm.s32 @!p0 $0x1082;
	s9 =	sld [smem:$0x3FB2]  }
0x2f: {  	lr =	sadd.s32 s0, s3;
	s0 =	sld [smem:$0x3FA9]  }
0x30: {  	s3 =	sld [smem:$0x3FAC]  }
0x31: {  	[smem:$0x3FB5] =	sst s10  }
0x32: {  	s10 =	sld [smem:$0x3FB3];
	_ =	sdelay $0x3  }
0x33: {  	p0 =	seq.s32 s10, $0x1;
	s10 =	sld [smem:$0x3FB5];
	_ =	sdelay $0x3  }
0x34: {  	[smem:$0x3FB5] =	sst s10  }
0x35: {  	s10 =	sld [smem:$0x3FB4];
	_ =	sdelay $0x3  }
0x36: {  	p1 =	seq.s32 s10, $0x1;
	s10 =	sld [smem:$0x3FB5];
	_ =	sdelay $0x3  }
0x37: {  	[smem:$0x3FB5] =	sst s10  }
0x38: {  	s10 =	sld [smem:$0x3FB6]  }
0x39: {  	_ = 	snop;
	(pc) =	sbr.ind lr, $3  }
0x3a: {  	_ = 	snop  }
0x3b: {  	_ = 	snop  }
0x3c: {  	p2 =	seq.s32 s10, $0x1;
	s10 =	sld [smem:$0x3FB5]  }
0x3d: {  	_ =	shalt  }
0x3e: {  	_ =	shalt  }
0x3f: {  	_ =	shalt  }
0x40: {  	_ =	shalt  }
0x41: {  	_ =	shalt  }
0x42: {  	_ =	shalt  }
0x43: {  	_ =	shalt  }
0x44: {  	_ =	shalt  }
0x45: {  	_ =	shalt  }
0x46: {  	_ =	shalt  }
0x47: {  	_ =	shalt  }
0x48: {  	_ =	shalt  }
0x49: {  	_ =	shalt  }
0x4a: {  	_ =	shalt  }
0x4b: {  	_ =	shalt  }
0x4c: {  	_ =	shalt  }
0x4d: {  	_ =	shalt  }
0x4e: {  	_ =	shalt  }
0x4f: {  	_ =	shalt  }
0x50: {  	_ =	shalt  }
0x51: {  	_ =	shalt  }
0x52: {  	_ =	shalt  }
0x53: {  	_ =	shalt  }
0x54: {  	_ =	shalt  }
0x55: {  	_ =	shalt  }
0x56: {  	_ =	shalt  }
0x57: {  	_ =	shalt  }
0x58: {  	_ =	shalt  }
0x59: {  	_ =	shalt  }
0x5a: {  	_ =	shalt  }
0x5b: {  	_ =	shalt  }
0x5c: {  	_ =	shalt  }
0x5d: {  	_ =	shalt  }
0x5e: {  	_ =	shalt  }
0x5f: {  	_ =	shalt  }
0x60: {  	_ =	shalt  }
0x61: {  	_ =	shalt  }
0x62: {  	_ =	shalt  }
0x63: {  	_ =	shalt  }
0x64: {  	_ =	shalt  }
0x65: {  	_ =	shalt  }
0x66: {  	_ =	shalt  }
0x67: {  	_ =	shalt  }
0x68: {  	_ =	shalt  }
0x69: {  	_ =	shalt  }
0x6a: {  	_ =	shalt  }
0x6b: {  	_ =	shalt  }
0x6c: {  	_ =	shalt  }
0x6d: {  	_ =	shalt  }
0x6e: {  	_ =	shalt  }
0x6f: {  	_ =	shalt  }
0x70: {  	_ =	shalt  }
0x71: {  	_ =	shalt  }
0x72: {  	_ =	shalt  }
0x73: {  	_ =	shalt  }
0x74: {  	_ =	shalt  }
0x75: {  	_ =	shalt  }
0x76: {  	_ =	shalt  }
0x77: {  	_ =	shalt  }
0x78: {  	_ =	shalt  }
0x79: {  	_ =	shalt  }
0x7a: {  	_ =	shalt  }
0x7b: {  	_ =	shalt  }
0x7c: {  	_ =	shalt  }
0x7d: {  	_ =	shalt  }
0x7e: {  	_ =	shalt  }
0x7f: {  	_ =	shalt  }
0x80: {  	_ =	shalt  }
0x81: {  	_ =	shalt  }
0x82: {  	_ =	shalt  }
0x83: {  	_ =	shalt  }
0x84: {  	_ =	shalt  }
0x85: {  	_ =	shalt  }
0x86: {  	_ =	shalt  }
0x87: {  	_ =	shalt  }
.Lfunc_end0:
.L_simem_size_0:
called_computation.1_lowered:
.L_overlay_start_0:
0x88: {  	s2 =	sld [smem:$0x3FD9]  }
0x89: {  	s3 =	sld [smem:$0x3FFE];
	_ =	sdelay $0x1  }
0x8a: {  	s1 =	srdreg.scid  }
0x8b: {  	s0 =	sand.u32 $0x1, s1  }
0x8c: {  	s17 =	sshll.u32 s0, $0xA;
	s2 =	sadd.s32 s3, s2  }
0x8d: {  	s2 =	sadd.s32 s2, s17  }
0x8e: {  	[smem:$0x3FC1] =	sst s2  }
0x8f: {  	_ = 	snop  }
0x90: {  	s2 =	sld [smem:$0x3FD0];
	(tm) =	ssettm $0x1  }
0x91: {  	s18 =	sld [smem:$0x3FFB];
	_ =	sdelay $0x3  }
0x92: {  	_ =	strace s18  }
0x93: {  	s3 =	sld [smem:$0x3FFC];
	_ =	sdelay $0x3  }
0x94: {  	_ =	strace s3  }
0x95: {  	s3 =	sld [smem:$0x3FFD];
	_ =	sdelay $0x3  }
0x96: {  	_ =	strace s3  }
0x97: {  	_ =	strace $0x8FFFFFFF  }
0x98: {  	s19 =	sld [smem:$0x3FDB];
	_ =	sdelay $0x1  }
0x99: {  	s4 =	simm.s32 $_scs_section_size  }
0x9a: {  	s5 =	simm.s32 $_size__tile_overlayer_lowered;
	s6 =	simm.s32 $_tile_overlayer_lowered  }
0x9b: {  	s22 =	simm.s32 $0x1BFF;
	s21 =	sshll.u32 s6, $0x1;
	s3 =	sadd.s32 s4, s19  }
0x9c: {  	s7 =	simm.s32 $0x0;
	s20 =	sshll.u32 s5, $0x1;
	s5 =	sadd.s32 s21, s3  }
0x9d: {  	[timem:s7], [sflag:s22] =	dma.local [hbm:s5], s20  }
0x9e: {  	_ =	swait.ge [sflag:s22], s20  }
0x9f: {  	s4 =	ssub.s32 $0x0, s20;
	[sflag:s22] =	ssyncset.done $0x0  }
0xa0: {  	[sflag:s22] =	ssyncadd.s32 s4;
	_ =	sdelay $0x1  }
0xa1: {  	s23 =	simm.s32 $0x1B8B  }
0xa2: {  	_ =	swait.ge [sflag:s23], $0x1  }
0xa3: {  	[sflag:s23] =	ssyncset.done $0x0  }
0xa4: {  	s25 =	simm.s32 $0x1B8E;
	s24 =	sld [smem:$0x3FFE];
	[sflag:s23] =	ssyncadd.s32 $0xFFFFFFFF  }
0xa5: {  	s26 =	simm.s32 $execute0_lowered;
	[smem:$0x3FD2] =	sst s25  }
0xa6: {  	s5 =	sshll.u32 s26, $0x1;
	_ =	strace $0x80000049;
	[dreg:$0x1] =	wrdreg $0xFFFFFFFF  }
0xa7: {  	s28 =	simm.s32 $_size_execute0_lowered;
	s3 =	sadd.s32 s3, s5;
	[dreg:$0x0] =	wrdreg $0x0  }
0xa8: {  	s5 =	sshll.u32 s28, $0x1;
	[dreg:$0x2] =	wrdreg s3  }
0xa9: {  	[dreg:$0x3] =	wrdreg s5  }
0xaa: {  	[dreg:$0x4] =	wrdreg $0xC0  }
0xab: {  	_ =	task [dreg:s7], $0x5FFFF  }
0xac: {  	[dreg:$0x1] =	wrdreg $0xFFFFFFFF  }
0xad: {  	[dreg:$0x0] =	wrdreg $0x60  }
0xae: {  	[dreg:$0x2] =	wrdreg s2  }
0xaf: {  	[dreg:$0x3] =	wrdreg s24  }
0xb0: {  	[dreg:$0x4] =	wrdreg $0x84000  }
0xb1: {  	[dreg:$0x5] =	wrdreg $0x9  }
0xb2: {  	_ =	task.clear_ibuf [dreg:s7], $0x6FFFF;
	_ =	strace $0x90000049  }
0xb3: {  	s29 =	simm.s32 $0x9;
	_ =	strace $0x8000004B  }
0xb4: {  	_ =	swait.ge [sflag:s29], $0x1  }
0xb5: {  	[sflag:s29] =	ssyncadd.s32 $0xFFFFFFFF  }
0xb6: {  	_ =	strace $0x9000004B  }
0xb7: {  	_ =	sfence  }
0xb8: {  	s30 =	sld [smem:$0x0];
	_ =	sdelay $0x2  }
0xb9: {  	s31 =	sshll.u32 s1, $0xD;
	s1 =	sshrl.u32 s1, $0x2  }
0xba: {  	s3 =	sand.u32 $0x4000, s31;
	s1 =	sadd.s32 s1, s30  }
0xbb: {  	s0 =	sor.u32 s3, s0;
	s1 =	sshll.u32 s1, $0x11  }
0xbc: {  	s0 =	sor.u32 s1, s0  }
0xbd: {  	s0 =	sadd.s32 $0x8F2B, s0  }
0xbe: {  	[sflag:s0] =	ssyncadd.remote.s32 $0x1  }
0xbf: {  	_ =	sfence.sel $0xFFFF  }
0xc0: {  	[dreg:$0x0] =	wrdreg $0xFFFFFFFF;
	(pc) =	sbr.abs _section_cstart, $3  }
0xc1: {  	[dreg:$0x1] =	wrdreg $0xFFFFFFFF  }
0xc2: {  	_ =	task.clear_ibuf [dreg:s7], $0x2FFFF;
	_ =	strace $0x9FFFFFFF  }
0xc3: {  	(tm) =	ssettm $0x7FFFFFFF  }
tec
execute0_lowered:
.L_overlay_start_1:
0x0: {  	(tag) =	ssettag $0x1  }
0x1: {  	s1 =	rddreg [dreg:$0x0]  }
0x2: {  	s0 =	rddreg [dreg:$0x1]  }
0x3: {  	s2 =	rddreg [dreg:$0x2];
	s3 =	srdreg.scid  }
0x4: {  	s4 =	simm.s32 $0x0;
	s12 =	stileid.u32;
	s16 =	simm.s32 $0x100  }
0x5: {  	s17 =	simm.s32 $0x200;
	s28 =	simm.s32 $0x7;
	s29 =	simm.s32 $0x3  }
0x6: {  	s30 =	simm.s32 $0x6;
	s31 =	simm.s32 $0x180;
	s6 =	smul.u32 $0x5000, s12  }
0x7: {  	s3 =	sand.u32 $0x1, s3;
	[smem:$0x7FF] =	sst s4;
	s18 =	smul.u32 $0x50000, s12  }
0x8: {  	s7 =	sadd.s32 $0x3200, s0;
	s11 =	smul.u32 $0x2800, s12;
	s21 =	sshll.u32 s12, $0x6  }
0x9: {  	s5 =	smul.u32 $0x50000, s3;
	_ =	strace $0x8000004A;
	s8 =	ssub.s32 $0x2, s3  }
0xa: {  	s10 =	smul.u32 $0x28000, s3;
	p0 =	seq.s32 s3, $0x1;
	s3 =	simm.s32 $0x3F200  }
0xb: {  	s9 =	sshrl.u32 s8, $0x1;
	s3 =	simm.s32 @!p0 $0x17200;
	s5 =	sadd.s32 s6, s5  }
0xc: {  	s8 =	ssub.s32 s8, s9;
	s6 =	sshrl.u32 s18, $0x2;
	s20 =	sadd.s32 s11, s10  }
0xd: {  	s0 =	sadd.s32 s3, s0;
	s19 =	sshrl.u32 s5, $0x3;
	s6 =	sadd.s32 s6, s2  }
0xe: {  	s22 =	sor.u32 $0x600, s5;
	s8 =	smax.u32 s8, $0x1;
	s0 =	sadd.s32 s0, s11  }
0xf: {  	s24 =	sor.u32 $0x500, s5;
	s25 =	sor.u32 $0x400, s5;
	[dreg:$0x8] =	wrdreg s8  }
0x10: {  	s5 =	sor.u32 $0x300, s5;
	s9 =	sadd.s32 s7, s19;
	[dreg:$0x9] =	wrdreg s0  }
0x11: {  	s23 =	sshrl.u32 s22, $0x3;
	s0 =	sshrl.u32 s24, $0x3;
	s3 =	sshrl.u32 s25, $0x3  }
0x12: {  	s26 =	sshrl.u32 s5, $0x3;
	s18 =	sshrl.u32 s6, $0x3;
	s19 =	simm.s32 $0x9  }
0x13: {  	s22 =	simm.s32 $0x400;
	s24 =	simm.s32 $0x4400;
	s25 =	simm.s32 $0x5  }
0x14: {  	s6 =	simm.s32 $0x280;
	s8 =	simm.s32 $0x0;
	s13 =	sadd.s32 $0x20, s9  }
0x15: {  	[dreg:$0x4] =	wrdreg s9;
	s9 =	sadd.s32 $0x40, s9;
	s12 =	sadd.s32 s23, s7  }
.Ltmp0:
0x16: {  	s14 =	sadd.s32 s3, s7;
	s15 =	sadd.s32 s26, s7;
	(pc) =	sbr.rel .LBB2_1-.Ltmp0, $4  }
0x17: {  	s23 =	simm.s32 $0x2;
	s26 =	simm.s32 $0x300;
	[dreg:$0x5] =	wrdreg s13  }
0x18: {  	s3 =	simm.s32 $0x4;
	[dreg:$0x6] =	wrdreg s9;
	s9 =	sadd.s32 s1, s20  }
0x19: {  	s13 =	sadd.s32 s0, s7;
	s0 =	simm.s32 $0x8;
	s7 =	simm.s32 $0x380  }
0x1a: {  	[dreg:$0x7] =	wrdreg s9;
	s9 =	sor.u32 $0x1C09, s21;
	s21 =	simm.s32 $0x80  }
.LBB2_4:
0x1b: {  	_ =	swait.ge [sflag:s0], $0x4000  }
0x1c: {  	[sflag:s0] =	ssyncset.done $0x0  }
0x1d: {  	[sflag:s0] =	ssyncadd.s32 $0xFFFFC000  }
0x1e: {  	[bflag:$0x0] =	sbarrier.arrive $0xFFFF  }
0x1f: {  	s5 =	rddreg [dreg:$0x9]  }
0x20: {  	[hbm:s5], [sflag:s9] =	dma.local [spmem:s18], $0x2800  }
0x21: {  	_ =	swait.ge [sflag:s19], $0x2800  }
0x22: {  	s8 =	sadd.s32 $0x1, s8;
	s20 =	rddreg [dreg:$0x8]  }
0x23: {  	p0 =	sne.s32 s8, s20  }
.Ltmp1:
0x24: {  	_ = 	snop;
	(pc) =	sbr.rel @!p0 .LBB2_5-.Ltmp1, $3  }
0x25: {  	_ =	sdelay $0x1  }
0x26: {  	[sflag:s19] =	ssyncset.done $0x0  }
0x27: {  	[sflag:s19] =	ssyncadd.s32 $0xFFFFD800  }
.LBB2_1:
0x28: {  	s5 =	rddreg [dreg:$0x4]  }
0x29: {  	s20 =	rddreg [dreg:$0x5]  }
0x2a: {  	[tilespmem:s4], [sflag:$0x1] =	stream.linear.gather [hbm4b:s5+s4], $0x100, $0x38;
	[tilespmem:$0x1C400] =	vst v63  }
0x2b: {  	s10 =	rddreg [dreg:$0x6]  }
0x2c: {  	[tilespmem:s16], [sflag:$0x2] =	stream.linear.gather [hbm4b:s20+s4], $0x100, $0x38;
	[tilespmem:$0x1C400] =	vst v63  }
0x2d: {  	s11 =	rddreg [dreg:$0x7]  }
0x2e: {  	[tilespmem:s17], [sflag:$0x3] =	stream.linear.gather [hbm4b:s10+s4], $0x100, $0x38;
	[tilespmem:$0x1C400] =	vst v63  }
0x2f: {  	[spmem:s18], [sflag:s9] =	dma.local [hbm:s11], $0x2800  }
0x30: {  	_ =	swait.ge [sflag:s19], $0x2800  }
0x31: {  	[sflag:s19] =	ssyncset.done $0x0  }
0x32: {  	s20 =	simm.s32 $0x1;
	[sflag:s19] =	ssyncadd.s32 $0xFFFFD800  }
0x33: {  	_ =	swait.ge [sflag:s20], $0x100  }
0x34: {  	[sflag:s20] =	ssyncset.done $0x0  }
0x35: {  	[sflag:s20] =	ssyncadd.s32 $0xFFFFFF00  }
0x36: {  	[tilespmem:s22], [sflag:$0x5] =	stream.indirect.gather [hbm4b:s1+s21], $0x80, s4, s21, $0xb8;
	[tilespmem:$0x1C400] =	vst v63  }
0x37: {  	s5 =	simm.s32 $0x0;
	[bflag:$0x0] =	sbarrier.arrive $0xFFFF  }
.LBB2_2:
0x38: {  	p0 =	seq.s32 s5, $0x0  }
0x39: {  	s10 =	simm.s32 @!p0 $0x8  }
0x3a: {  	_ =	swait.ge @!p0 [sflag:s10], $0x4000  }
0x3b: {  	[sflag:s10] =	ssyncset.done @!p0 $0x0  }
0x3c: {  	[sflag:s10] =	ssyncadd.s32 @!p0 $0xFFFFC000  }
0x3d: {  	_ =	swait.ge [sflag:s23], $0x100  }
0x3e: {  	[sflag:s23] =	ssyncset.done $0x0  }
0x3f: {  	[sflag:s23] =	ssyncadd.s32 $0xFFFFFF00  }
0x40: {  	[tilespmem:s24], [sflag:$0x6] =	stream.indirect.gather [hbm4b:s1+s21], $0x80, s16, s21, $0xb8;
	[tilespmem:$0x1C400] =	vst v63  }
0x41: {  	_ =	swait.ge [sflag:s25], $0x4000  }
0x42: {  	[sflag:s25] =	ssyncset.done $0x0  }
0x43: {  	[sflag:s25] =	ssyncadd.s32 $0xFFFFC000  }
0x44: {  	[spmem:s2] =	stream.indirect.scatter.add.f32 [tilespmem:s22], [sflag:$0x7], $0x80, s21, s21, $0xb8;
	[tilespmem:$0x1C400] =	vst v63  }
0x45: {  	s20 =	sadd.s32 s5, s15  }
0x46: {  	[tilespmem:s26], [sflag:$0x4] =	stream.linear.gather [hbm4b:s20+s4], $0x100, $0x38;
	[tilespmem:$0x1C400] =	vst v63  }
0x47: {  	_ =	swait.ge [sflag:s28], $0x4000  }
0x48: {  	[sflag:s28] =	ssyncset.done $0x0  }
0x49: {  	[sflag:s28] =	ssyncadd.s32 $0xFFFFC000  }
0x4a: {  	_ =	swait.ge [sflag:s29], $0x100  }
0x4b: {  	[sflag:s29] =	ssyncset.done $0x0  }
0x4c: {  	[sflag:s29] =	ssyncadd.s32 $0xFFFFFF00  }
0x4d: {  	[tilespmem:s22], [sflag:$0x5] =	stream.indirect.gather [hbm4b:s1+s21], $0x80, s17, s21, $0xb8;
	[tilespmem:$0x1C400] =	vst v63  }
0x4e: {  	_ =	swait.ge [sflag:s30], $0x4000  }
0x4f: {  	[sflag:s30] =	ssyncset.done $0x0  }
0x50: {  	p0 =	seq.s32 s5, $0x980;
	[sflag:s30] =	ssyncadd.s32 $0xFFFFC000  }
0x51: {  	[spmem:s2] =	stream.indirect.scatter.add.f32 [tilespmem:s24], [sflag:$0x8], $0x80, s31, s21, $0xb8;
	[tilespmem:$0x1C400] =	vst v63  }
0x52: {  	s10 =	sadd.s32 @!p0 s5, s14;
	s11 =	simm.s32 @!p0 $0x0  }
0x53: {  	[tilespmem:s11], [sflag:$0x1] =	stream.linear.gather @!p0 [hbm4b:s10+s11], $0x100, $0x38;
	[tilespmem:$0x1C400] =	vst v63  }
0x54: {  	_ =	swait.ge [sflag:s0], $0x4000  }
0x55: {  	[sflag:s0] =	ssyncset.done $0x0  }
0x56: {  	[sflag:s0] =	ssyncadd.s32 $0xFFFFC000  }
0x57: {  	_ =	swait.ge [sflag:s3], $0x100  }
0x58: {  	[sflag:s3] =	ssyncset.done $0x0  }
0x59: {  	[sflag:s3] =	ssyncadd.s32 $0xFFFFFF00  }
0x5a: {  	[tilespmem:s24], [sflag:$0x6] =	stream.indirect.gather [hbm4b:s1+s21], $0x80, s26, s21, $0xb8;
	[tilespmem:$0x1C400] =	vst v63  }
0x5b: {  	_ =	swait.ge [sflag:s25], $0x4000  }
0x5c: {  	[sflag:s25] =	ssyncset.done $0x0  }
0x5d: {  	p1 =	sne.s32 s5, $0x980;
	[sflag:s25] =	ssyncadd.s32 $0xFFFFC000  }
0x5e: {  	[spmem:s2] =	stream.indirect.scatter.add.f32 [tilespmem:s22], [sflag:$0x7], $0x80, s6, s21, $0xb8;
	[tilespmem:$0x1C400] =	vst v63  }
0x5f: {  	s20 =	simm.s32 @p1 $0x100;
	s10 =	sadd.s32 @p1 s5, s13;
	s11 =	simm.s32 @p1 $0x0  }
0x60: {  	[tilespmem:s20], [sflag:$0x2] =	stream.linear.gather @p1 [hbm4b:s10+s11], $0x100, $0x38;
	[tilespmem:$0x1C400] =	vst v63  }
0x61: {  	s10 =	simm.s32 @p1 $0x7  }
0x62: {  	_ =	swait.ge @p1 [sflag:s10], $0x4000  }
0x63: {  	[sflag:s10] =	ssyncset.done @p1 $0x0  }
0x64: {  	[sflag:s10] =	ssyncadd.s32 @p1 $0xFFFFC000;
	s10 =	simm.s32 @p1 $0x1  }
0x65: {  	_ =	swait.ge @p1 [sflag:s10], $0x100  }
0x66: {  	[sflag:s10] =	ssyncset.done @p1 $0x0  }
0x67: {  	s20 =	simm.s32 @p1 $0x400;
	[sflag:s10] =	ssyncadd.s32 @p1 $0xFFFFFF00;
	s10 =	simm.s32 @p1 $0x80  }
0x68: {  	[tilespmem:s20], [sflag:$0x5] =	stream.indirect.gather @p1 [hbm4b:s1+s10], $0x80, s11, s10, $0xb8;
	[tilespmem:$0x1C400] =	vst v63  }
0x69: {  	s10 =	simm.s32 @!p1 $0x7  }
0x6a: {  	_ =	swait.ge @!p1 [sflag:s10], $0x4000  }
0x6b: {  	[sflag:s10] =	ssyncset.done @!p1 $0x0  }
.Ltmp2:
0x6c: {  	[sflag:s10] =	ssyncadd.s32 @!p1 $0xFFFFC000;
	(pc) =	sbr.rel @p0 .LBB2_4-.Ltmp2, $4  }
0x6d: {  	_ =	swait.ge [sflag:s30], $0x4000  }
0x6e: {  	[sflag:s30] =	ssyncset.done $0x0  }
0x6f: {  	[sflag:s30] =	ssyncadd.s32 $0xFFFFC000  }
0x70: {  	[spmem:s2] =	stream.indirect.scatter.add.f32 [tilespmem:s24], [sflag:$0x8], $0x80, s7, s21, $0xb8;
	[tilespmem:$0x1C400] =	vst v63  }
.Ltmp3:
0x71: {  	(pc) =	sbr.rel .LBB2_2-.Ltmp3, $3  }
0x72: {  	_ =	sdelay $0x1  }
0x73: {  	s10 =	sadd.s32 s5, s12;
	s5 =	sadd.s32 $0x80, s5  }
0x74: {  	[tilespmem:s17], [sflag:$0x3] =	stream.linear.gather [hbm4b:s10+s4], $0x100, $0x38;
	[tilespmem:$0x1C400] =	vst v63  }
.LBB2_5:
0x75: {  	_ =	sfence.sel $0x180000  }
0x76: {  	[bflag:$0x0] =	sbarrier.arrive $0xFFFF  }
0x77: {  	_ =	strace $0x9000004A  }
0x78: {  	s0 =	stileid.u32;
	[bflag:$0x2] =	sbarrier.arrive $0xFFFF  }
0x79: {  	p0 =	sne.s32 s0, $0x0;
	s0 =	rddreg [dreg:$0x3]  }
0x7a: {  	s0 =	sadd.s32 @!p0 $0x100000, s0  }
0x7b: {  	[sflag:s0] =	ssyncadd.tile.s32 @!p0 $0x1;
	_ =	shalt  }
.Lfunc_end2:
_tile_overlayer_lowered:
.L_overlay_start_2:
0x7c: {  	(tag) =	ssettag $0x2  }
0x7d: {  	s0 =	rddreg [dreg:$0x0];
	s2 =	stileid.u32  }
0x7e: {  	s1 =	rddreg [dreg:$0x1];
	p0 =	sne.s32 s2, $0x0  }
0x7f: {  	s3 =	rddreg [dreg:$0x2];
	[bflag:$0x3] =	sbarrier.arrive $0xFFFF;
	s2 =	simm.s32 @!p0 $0x1C09  }
0x80: {  	[timem:s3], [sflag:s2] =	dma.local @!p0 [hbm:s0], s1  }
0x81: {  	s0 =	simm.s32 @!p0 $0x9  }
0x82: {  	_ =	swait.ge @!p0 [sflag:s0], s1  }
0x83: {  	s1 =	ssub.s32 @!p0 $0x0, s1;
	[sflag:s0] =	ssyncset.done @!p0 $0x0  }
0x84: {  	[sflag:s0] =	ssyncadd.s32 @!p0 s1  }
0x85: {  	[bflag:$0x3] =	sbarrier.arrive $0xFFFF  }
0x86: {  	_ =	shalt  }

// kernel: kernel.14.cloned.1.call-start
scs
__scs_entry_jumppad:
0x0: {  	(pc) =	sbr.rel $0x88, $3  }
0x1: {  	(tag) =	ssettag $0x0;
	lr =	simm.s32 $0x1  }
0x2: {  	[smem:$0x3F9A] =	sst lr;
	_ =	strace $0xD0000000  }
0x3: {  	_ = 	snop  }
0x4: {  	_ = 	snop  }
0x5: {  	_ = 	snop  }
0x6: {  	_ = 	snop  }
0x7: {  	_ = 	snop  }
__scs_overlays_trampoline_lowered:
0x8: {  	[smem:$0x3FA9] =	sst s0  }
0x9: {  	[smem:$0x3FAA] =	sst s1  }
0xa: {  	[smem:$0x3FAB] =	sst s2  }
0xb: {  	[smem:$0x3FAC] =	sst s3  }
0xc: {  	[smem:$0x3FAD] =	sst s4  }
0xd: {  	[smem:$0x3FAE] =	sst s5  }
0xe: {  	[smem:$0x3FAF] =	sst s6  }
0xf: {  	[smem:$0x3FB0] =	sst s7  }
0x10: {  	[smem:$0x3FB1] =	sst s8  }
0x11: {  	[smem:$0x3FB2] =	sst s9;
	s0 =	simm.s32 @!p0 $0x0  }
0x12: {  	s1 =	sld [smem:$0x3F98];
	s0 =	simm.s32 @p0 $0x1  }
0x13: {  	[smem:$0x3FB3] =	sst s0;
	s0 =	simm.s32 @!p1 $0x0  }
0x14: {  	s2 =	sld [smem:$0x3F97];
	s0 =	simm.s32 @p1 $0x1  }
0x15: {  	[smem:$0x3FB4] =	sst s0;
	s0 =	simm.s32 @!p2 $0x0  }
0x16: {  	s3 =	sld [smem:$0x3FDB];
	s0 =	simm.s32 @p2 $0x1  }
0x17: {  	s4 =	simm.s32 $0x1BF5;
	[smem:$0x3FB6] =	sst s0  }
0x18: {  	s0 =	sld [smem:$0x3F99];
	_ =	swait.ge [sflag:s4], $0x0  }
0x19: {  	s7 =	sld [smem:$0x3F9A]  }
0x1a: {  	s8 =	sadd.s32 $0xFFFFE003, lr  }
0x1b: {  	s9 =	sadd.s32 $0xFFFFFEF7, lr;
	s5 =	simm.s32 $0xFFFFFFFF;
	p2 =	slt.u32 s8, $0xFFFFF086  }
0x1c: {  	p1 =	slt.u32 s9, $0xF7A;
	s5 =	simm.s32 @!p2 $0x0  }
0x1d: {  	s5 =	simm.s32 @p1 $0x1;
	p0 =	seq.s32 s7, s2  }
0x1e: {  	s7 =	smul.u32 @!p0 $0xF7A, s2;
	p2 =	seq.s32 @!p0 s5, $0x0  }
0x1f: {  	s9 =	smul.u32 $0xF7A, s1;
	s8 =	simm.s32 @!p0 $0x1BF5;
	p2 =	por !p2, p0  }
0x20: {  	[sflag:s8] =	ssyncset.s32 @!p0 $0xFFFFF086;
	s6 =	sadd.s32 @!p0 s3, s7;
	s7 =	simm.s32 @!p0 $0x108  }
0x21: {  	s3 =	sadd.s32 s3, s9;
	s6 =	sadd.s32 @!p0 $0x88, s6;
	s7 =	simm.s32 @p2 $0x1082  }
0x22: {  	[simem:s7], [sflag:s8] =	dma.local @!p0 [hbm:s6], $0xF7A  }
0x23: {  	s9 =	sor.u32 $0xD0000000, s2;
	s6 =	simm.s32 $0x108;
	_ =	swait.ge @!p0 [sflag:s8], $0x0  }
0x24: {  	s3 =	sadd.s32 $0x88, s3;
	s6 =	simm.s32 @!p1 $0x1082;
	[sflag:s4] =	ssyncset.s32 $0xFFFFF086  }
0x25: {  	[simem:s6], [sflag:s4] =	dma.local [hbm:s3], $0xF7A  }
0x26: {  	[smem:$0x3F9A] =	sst s1;
	(tag) =	ssettag s2;
	_ =	strace s9  }
0x27: {  	s1 =	sld [smem:$0x3FAA]  }
0x28: {  	s2 =	sld [smem:$0x3FAB]  }
0x29: {  	s4 =	sld [smem:$0x3FAD]  }
0x2a: {  	p0 =	seq.s32 s5, $0x0;
	s5 =	sld [smem:$0x3FAE]  }
0x2b: {  	s6 =	sld [smem:$0x3FAF]  }
0x2c: {  	s7 =	sld [smem:$0x3FB0]  }
0x2d: {  	s3 =	simm.s32 $0x108;
	s8 =	sld [smem:$0x3FB1]  }
0x2e: {  	s3 =	simm.s32 @!p0 $0x1082;
	s9 =	sld [smem:$0x3FB2]  }
0x2f: {  	lr =	sadd.s32 s0, s3;
	s0 =	sld [smem:$0x3FA9]  }
0x30: {  	s3 =	sld [smem:$0x3FAC]  }
0x31: {  	[smem:$0x3FB5] =	sst s10  }
0x32: {  	s10 =	sld [smem:$0x3FB3];
	_ =	sdelay $0x3  }
0x33: {  	p0 =	seq.s32 s10, $0x1;
	s10 =	sld [smem:$0x3FB5];
	_ =	sdelay $0x3  }
0x34: {  	[smem:$0x3FB5] =	sst s10  }
0x35: {  	s10 =	sld [smem:$0x3FB4];
	_ =	sdelay $0x3  }
0x36: {  	p1 =	seq.s32 s10, $0x1;
	s10 =	sld [smem:$0x3FB5];
	_ =	sdelay $0x3  }
0x37: {  	[smem:$0x3FB5] =	sst s10  }
0x38: {  	s10 =	sld [smem:$0x3FB6]  }
0x39: {  	_ = 	snop;
	(pc) =	sbr.ind lr, $3  }
0x3a: {  	_ = 	snop  }
0x3b: {  	_ = 	snop  }
0x3c: {  	p2 =	seq.s32 s10, $0x1;
	s10 =	sld [smem:$0x3FB5]  }
0x3d: {  	_ =	shalt  }
0x3e: {  	_ =	shalt  }
0x3f: {  	_ =	shalt  }
0x40: {  	_ =	shalt  }
0x41: {  	_ =	shalt  }
0x42: {  	_ =	shalt  }
0x43: {  	_ =	shalt  }
0x44: {  	_ =	shalt  }
0x45: {  	_ =	shalt  }
0x46: {  	_ =	shalt  }
0x47: {  	_ =	shalt  }
0x48: {  	_ =	shalt  }
0x49: {  	_ =	shalt  }
0x4a: {  	_ =	shalt  }
0x4b: {  	_ =	shalt  }
0x4c: {  	_ =	shalt  }
0x4d: {  	_ =	shalt  }
0x4e: {  	_ =	shalt  }
0x4f: {  	_ =	shalt  }
0x50: {  	_ =	shalt  }
0x51: {  	_ =	shalt  }
0x52: {  	_ =	shalt  }
0x53: {  	_ =	shalt  }
0x54: {  	_ =	shalt  }
0x55: {  	_ =	shalt  }
0x56: {  	_ =	shalt  }
0x57: {  	_ =	shalt  }
0x58: {  	_ =	shalt  }
0x59: {  	_ =	shalt  }
0x5a: {  	_ =	shalt  }
0x5b: {  	_ =	shalt  }
0x5c: {  	_ =	shalt  }
0x5d: {  	_ =	shalt  }
0x5e: {  	_ =	shalt  }
0x5f: {  	_ =	shalt  }
0x60: {  	_ =	shalt  }
0x61: {  	_ =	shalt  }
0x62: {  	_ =	shalt  }
0x63: {  	_ =	shalt  }
0x64: {  	_ =	shalt  }
0x65: {  	_ =	shalt  }
0x66: {  	_ =	shalt  }
0x67: {  	_ =	shalt  }
0x68: {  	_ =	shalt  }
0x69: {  	_ =	shalt  }
0x6a: {  	_ =	shalt  }
0x6b: {  	_ =	shalt  }
0x6c: {  	_ =	shalt  }
0x6d: {  	_ =	shalt  }
0x6e: {  	_ =	shalt  }
0x6f: {  	_ =	shalt  }
0x70: {  	_ =	shalt  }
0x71: {  	_ =	shalt  }
0x72: {  	_ =	shalt  }
0x73: {  	_ =	shalt  }
0x74: {  	_ =	shalt  }
0x75: {  	_ =	shalt  }
0x76: {  	_ =	shalt  }
0x77: {  	_ =	shalt  }
0x78: {  	_ =	shalt  }
0x79: {  	_ =	shalt  }
0x7a: {  	_ =	shalt  }
0x7b: {  	_ =	shalt  }
0x7c: {  	_ =	shalt  }
0x7d: {  	_ =	shalt  }
0x7e: {  	_ =	shalt  }
0x7f: {  	_ =	shalt  }
0x80: {  	_ =	shalt  }
0x81: {  	_ =	shalt  }
0x82: {  	_ =	shalt  }
0x83: {  	_ =	shalt  }
0x84: {  	_ =	shalt  }
0x85: {  	_ =	shalt  }
0x86: {  	_ =	shalt  }
0x87: {  	_ =	shalt  }
.Lfunc_end0:
.L_simem_size_0:
called_computation.2_lowered:
.L_overlay_start_0:
0x88: {  	s2 =	sld [smem:$0x3FD9]  }
0x89: {  	s3 =	sld [smem:$0x3FFE];
	_ =	sdelay $0x1  }
0x8a: {  	s1 =	srdreg.scid  }
0x8b: {  	s0 =	sand.u32 $0x1, s1  }
0x8c: {  	s17 =	sshll.u32 s0, $0xA;
	s2 =	sadd.s32 s3, s2  }
0x8d: {  	s2 =	sadd.s32 s2, s17  }
0x8e: {  	[smem:$0x3FC1] =	sst s2  }
0x8f: {  	_ = 	snop  }
0x90: {  	s2 =	sld [smem:$0x3FD0];
	(tm) =	ssettm $0x1  }
0x91: {  	s18 =	sld [smem:$0x3FFB];
	_ =	sdelay $0x3  }
0x92: {  	_ =	strace s18  }
0x93: {  	s3 =	sld [smem:$0x3FFC];
	_ =	sdelay $0x3  }
0x94: {  	_ =	strace s3  }
0x95: {  	s3 =	sld [smem:$0x3FFD];
	_ =	sdelay $0x3  }
0x96: {  	_ =	strace s3  }
0x97: {  	_ =	strace $0x8FFFFFFF  }
0x98: {  	s19 =	sld [smem:$0x3FDB];
	_ =	sdelay $0x1  }
0x99: {  	s4 =	simm.s32 $_scs_section_size  }
0x9a: {  	s5 =	simm.s32 $_size__tile_overlayer_lowered;
	s6 =	simm.s32 $_tile_overlayer_lowered  }
0x9b: {  	s22 =	simm.s32 $0x1BFF;
	s21 =	sshll.u32 s6, $0x1;
	s3 =	sadd.s32 s4, s19  }
0x9c: {  	s7 =	simm.s32 $0x0;
	s20 =	sshll.u32 s5, $0x1;
	s5 =	sadd.s32 s21, s3  }
0x9d: {  	[timem:s7], [sflag:s22] =	dma.local [hbm:s5], s20  }
0x9e: {  	_ =	swait.ge [sflag:s22], s20  }
0x9f: {  	s4 =	ssub.s32 $0x0, s20;
	[sflag:s22] =	ssyncset.done $0x0  }
0xa0: {  	[sflag:s22] =	ssyncadd.s32 s4;
	_ =	sdelay $0x1  }
0xa1: {  	s23 =	simm.s32 $0x1B8B  }
0xa2: {  	_ =	swait.ge [sflag:s23], $0x1  }
0xa3: {  	[sflag:s23] =	ssyncset.done $0x0  }
0xa4: {  	s25 =	simm.s32 $0x1B8E;
	s24 =	sld [smem:$0x3FFE];
	[sflag:s23] =	ssyncadd.s32 $0xFFFFFFFF  }
0xa5: {  	s26 =	simm.s32 $execute0_lowered;
	[smem:$0x3FD2] =	sst s25  }
0xa6: {  	s5 =	sshll.u32 s26, $0x1;
	_ =	strace $0x8000004C;
	[dreg:$0x1] =	wrdreg $0xFFFFFFFF  }
0xa7: {  	s28 =	simm.s32 $_size_execute0_lowered;
	s3 =	sadd.s32 s3, s5;
	[dreg:$0x0] =	wrdreg $0x0  }
0xa8: {  	s5 =	sshll.u32 s28, $0x1;
	[dreg:$0x2] =	wrdreg s3  }
0xa9: {  	[dreg:$0x3] =	wrdreg s5  }
0xaa: {  	[dreg:$0x4] =	wrdreg $0xC0  }
0xab: {  	_ =	task [dreg:s7], $0x5FFFF  }
0xac: {  	[dreg:$0x1] =	wrdreg $0xFFFFFFFF  }
0xad: {  	[dreg:$0x0] =	wrdreg $0x60  }
0xae: {  	[dreg:$0x2] =	wrdreg s2  }
0xaf: {  	[dreg:$0x3] =	wrdreg s24  }
0xb0: {  	[dreg:$0x4] =	wrdreg $0x84000  }
0xb1: {  	[dreg:$0x5] =	wrdreg $0x9  }
0xb2: {  	_ =	task.clear_ibuf [dreg:s7], $0x6FFFF;
	_ =	strace $0x9000004C  }
0xb3: {  	s29 =	simm.s32 $0x9;
	_ =	strace $0x8000004E  }
0xb4: {  	_ =	swait.ge [sflag:s29], $0x1  }
0xb5: {  	[sflag:s29] =	ssyncadd.s32 $0xFFFFFFFF  }
0xb6: {  	_ =	strace $0x9000004E  }
0xb7: {  	_ =	sfence  }
0xb8: {  	s30 =	sld [smem:$0x0];
	_ =	sdelay $0x2  }
0xb9: {  	s31 =	sshll.u32 s1, $0xD;
	s1 =	sshrl.u32 s1, $0x2  }
0xba: {  	s3 =	sand.u32 $0x4000, s31;
	s1 =	sadd.s32 s1, s30  }
0xbb: {  	s0 =	sor.u32 s3, s0;
	s1 =	sshll.u32 s1, $0x11  }
0xbc: {  	s0 =	sor.u32 s1, s0  }
0xbd: {  	s0 =	sadd.s32 $0x8F2B, s0  }
0xbe: {  	[sflag:s0] =	ssyncadd.remote.s32 $0x1  }
0xbf: {  	_ =	sfence.sel $0xFFFF  }
0xc0: {  	[dreg:$0x0] =	wrdreg $0xFFFFFFFF;
	(pc) =	sbr.abs _section_cstart, $3  }
0xc1: {  	[dreg:$0x1] =	wrdreg $0xFFFFFFFF  }
0xc2: {  	_ =	task.clear_ibuf [dreg:s7], $0x2FFFF;
	_ =	strace $0x9FFFFFFF  }
0xc3: {  	(tm) =	ssettm $0x7FFFFFFF  }
tec
execute0_lowered:
.L_overlay_start_1:
0x0: {  	(tag) =	ssettag $0x1  }
0x1: {  	s1 =	rddreg [dreg:$0x0]  }
0x2: {  	s0 =	rddreg [dreg:$0x1]  }
0x3: {  	s2 =	rddreg [dreg:$0x2];
	s3 =	srdreg.scid  }
0x4: {  	s4 =	simm.s32 $0x0;
	s12 =	stileid.u32;
	s16 =	simm.s32 $0x100  }
0x5: {  	s17 =	simm.s32 $0x200;
	s28 =	simm.s32 $0x7;
	s29 =	simm.s32 $0x3  }
0x6: {  	s30 =	simm.s32 $0x6;
	s31 =	simm.s32 $0x180;
	s6 =	smul.u32 $0x5000, s12  }
0x7: {  	s3 =	sand.u32 $0x1, s3;
	[smem:$0x7FF] =	sst s4;
	s18 =	smul.u32 $0x50000, s12  }
0x8: {  	s7 =	sadd.s32 $0x3200, s0;
	s11 =	smul.u32 $0x2800, s12;
	s21 =	sshll.u32 s12, $0x6  }
0x9: {  	s5 =	smul.u32 $0x50000, s3;
	_ =	strace $0x8000004D;
	s8 =	ssub.s32 $0x2, s3  }
0xa: {  	s10 =	smul.u32 $0x28000, s3;
	p0 =	seq.s32 s3, $0x1;
	s3 =	simm.s32 $0x3F200  }
0xb: {  	s9 =	sshrl.u32 s8, $0x1;
	s3 =	simm.s32 @!p0 $0x17200;
	s5 =	sadd.s32 s6, s5  }
0xc: {  	s8 =	ssub.s32 s8, s9;
	s6 =	sshrl.u32 s18, $0x2;
	s20 =	sadd.s32 s11, s10  }
0xd: {  	s0 =	sadd.s32 s3, s0;
	s19 =	sshrl.u32 s5, $0x3;
	s6 =	sadd.s32 s6, s2  }
0xe: {  	s22 =	sor.u32 $0x600, s5;
	s8 =	smax.u32 s8, $0x1;
	s0 =	sadd.s32 s0, s11  }
0xf: {  	s24 =	sor.u32 $0x500, s5;
	s25 =	sor.u32 $0x400, s5;
	[dreg:$0x8] =	wrdreg s8  }
0x10: {  	s5 =	sor.u32 $0x300, s5;
	s9 =	sadd.s32 s7, s19;
	[dreg:$0x9] =	wrdreg s0  }
0x11: {  	s23 =	sshrl.u32 s22, $0x3;
	s0 =	sshrl.u32 s24, $0x3;
	s3 =	sshrl.u32 s25, $0x3  }
0x12: {  	s26 =	sshrl.u32 s5, $0x3;
	s18 =	sshrl.u32 s6, $0x3;
	s19 =	simm.s32 $0x9  }
0x13: {  	s22 =	simm.s32 $0x400;
	s24 =	simm.s32 $0x4400;
	s25 =	simm.s32 $0x5  }
0x14: {  	s6 =	simm.s32 $0x280;
	s8 =	simm.s32 $0x0;
	s13 =	sadd.s32 $0x20, s9  }
0x15: {  	[dreg:$0x4] =	wrdreg s9;
	s9 =	sadd.s32 $0x40, s9;
	s12 =	sadd.s32 s23, s7  }
.Ltmp0:
0x16: {  	s14 =	sadd.s32 s3, s7;
	s15 =	sadd.s32 s26, s7;
	(pc) =	sbr.rel .LBB2_1-.Ltmp0, $4  }
0x17: {  	s23 =	simm.s32 $0x2;
	s26 =	simm.s32 $0x300;
	[dreg:$0x5] =	wrdreg s13  }
0x18: {  	s3 =	simm.s32 $0x4;
	[dreg:$0x6] =	wrdreg s9;
	s9 =	sadd.s32 s1, s20  }
0x19: {  	s13 =	sadd.s32 s0, s7;
	s0 =	simm.s32 $0x8;
	s7 =	simm.s32 $0x380  }
0x1a: {  	[dreg:$0x7] =	wrdreg s9;
	s9 =	sor.u32 $0x1C09, s21;
	s21 =	simm.s32 $0x80  }
.LBB2_4:
0x1b: {  	_ =	swait.ge [sflag:s0], $0x4000  }
0x1c: {  	[sflag:s0] =	ssyncset.done $0x0  }
0x1d: {  	[sflag:s0] =	ssyncadd.s32 $0xFFFFC000  }
0x1e: {  	[bflag:$0x0] =	sbarrier.arrive $0xFFFF  }
0x1f: {  	s5 =	rddreg [dreg:$0x9]  }
0x20: {  	[hbm:s5], [sflag:s9] =	dma.local [spmem:s18], $0x2800  }
0x21: {  	_ =	swait.ge [sflag:s19], $0x2800  }
0x22: {  	s8 =	sadd.s32 $0x1, s8;
	s20 =	rddreg [dreg:$0x8]  }
0x23: {  	p0 =	sne.s32 s8, s20  }
.Ltmp1:
0x24: {  	_ = 	snop;
	(pc) =	sbr.rel @!p0 .LBB2_5-.Ltmp1, $3  }
0x25: {  	_ =	sdelay $0x1  }
0x26: {  	[sflag:s19] =	ssyncset.done $0x0  }
0x27: {  	[sflag:s19] =	ssyncadd.s32 $0xFFFFD800  }
.LBB2_1:
0x28: {  	s5 =	rddreg [dreg:$0x4]  }
0x29: {  	s20 =	rddreg [dreg:$0x5]  }
0x2a: {  	[tilespmem:s4], [sflag:$0x1] =	stream.linear.gather [hbm4b:s5+s4], $0x100, $0x38;
	[tilespmem:$0x1C400] =	vst v63  }
0x2b: {  	s10 =	rddreg [dreg:$0x6]  }
0x2c: {  	[tilespmem:s16], [sflag:$0x2] =	stream.linear.gather [hbm4b:s20+s4], $0x100, $0x38;
	[tilespmem:$0x1C400] =	vst v63  }
0x2d: {  	s11 =	rddreg [dreg:$0x7]  }
0x2e: {  	[tilespmem:s17], [sflag:$0x3] =	stream.linear.gather [hbm4b:s10+s4], $0x100, $0x38;
	[tilespmem:$0x1C400] =	vst v63  }
0x2f: {  	[spmem:s18], [sflag:s9] =	dma.local [hbm:s11], $0x2800  }
0x30: {  	_ =	swait.ge [sflag:s19], $0x2800  }
0x31: {  	[sflag:s19] =	ssyncset.done $0x0  }
0x32: {  	s20 =	simm.s32 $0x1;
	[sflag:s19] =	ssyncadd.s32 $0xFFFFD800  }
0x33: {  	_ =	swait.ge [sflag:s20], $0x100  }
0x34: {  	[sflag:s20] =	ssyncset.done $0x0  }
0x35: {  	[sflag:s20] =	ssyncadd.s32 $0xFFFFFF00  }
0x36: {  	[tilespmem:s22], [sflag:$0x5] =	stream.indirect.gather [hbm4b:s1+s21], $0x80, s4, s21, $0xb8;
	[tilespmem:$0x1C400] =	vst v63  }
0x37: {  	s5 =	simm.s32 $0x0;
	[bflag:$0x0] =	sbarrier.arrive $0xFFFF  }
.LBB2_2:
0x38: {  	p0 =	seq.s32 s5, $0x0  }
0x39: {  	s10 =	simm.s32 @!p0 $0x8  }
0x3a: {  	_ =	swait.ge @!p0 [sflag:s10], $0x4000  }
0x3b: {  	[sflag:s10] =	ssyncset.done @!p0 $0x0  }
0x3c: {  	[sflag:s10] =	ssyncadd.s32 @!p0 $0xFFFFC000  }
0x3d: {  	_ =	swait.ge [sflag:s23], $0x100  }
0x3e: {  	[sflag:s23] =	ssyncset.done $0x0  }
0x3f: {  	[sflag:s23] =	ssyncadd.s32 $0xFFFFFF00  }
0x40: {  	[tilespmem:s24], [sflag:$0x6] =	stream.indirect.gather [hbm4b:s1+s21], $0x80, s16, s21, $0xb8;
	[tilespmem:$0x1C400] =	vst v63  }
0x41: {  	_ =	swait.ge [sflag:s25], $0x4000  }
0x42: {  	[sflag:s25] =	ssyncset.done $0x0  }
0x43: {  	[sflag:s25] =	ssyncadd.s32 $0xFFFFC000  }
0x44: {  	[spmem:s2] =	stream.indirect.scatter.add.f32 [tilespmem:s22], [sflag:$0x7], $0x80, s21, s21, $0xb8;
	[tilespmem:$0x1C400] =	vst v63  }
0x45: {  	s20 =	sadd.s32 s5, s15  }
0x46: {  	[tilespmem:s26], [sflag:$0x4] =	stream.linear.gather [hbm4b:s20+s4], $0x100, $0x38;
	[tilespmem:$0x1C400] =	vst v63  }
0x47: {  	_ =	swait.ge [sflag:s28], $0x4000  }
0x48: {  	[sflag:s28] =	ssyncset.done $0x0  }
0x49: {  	[sflag:s28] =	ssyncadd.s32 $0xFFFFC000  }
0x4a: {  	_ =	swait.ge [sflag:s29], $0x100  }
0x4b: {  	[sflag:s29] =	ssyncset.done $0x0  }
0x4c: {  	[sflag:s29] =	ssyncadd.s32 $0xFFFFFF00  }
0x4d: {  	[tilespmem:s22], [sflag:$0x5] =	stream.indirect.gather [hbm4b:s1+s21], $0x80, s17, s21, $0xb8;
	[tilespmem:$0x1C400] =	vst v63  }
0x4e: {  	_ =	swait.ge [sflag:s30], $0x4000  }
0x4f: {  	[sflag:s30] =	ssyncset.done $0x0  }
0x50: {  	p0 =	seq.s32 s5, $0x980;
	[sflag:s30] =	ssyncadd.s32 $0xFFFFC000  }
0x51: {  	[spmem:s2] =	stream.indirect.scatter.add.f32 [tilespmem:s24], [sflag:$0x8], $0x80, s31, s21, $0xb8;
	[tilespmem:$0x1C400] =	vst v63  }
0x52: {  	s10 =	sadd.s32 @!p0 s5, s14;
	s11 =	simm.s32 @!p0 $0x0  }
0x53: {  	[tilespmem:s11], [sflag:$0x1] =	stream.linear.gather @!p0 [hbm4b:s10+s11], $0x100, $0x38;
	[tilespmem:$0x1C400] =	vst v63  }
0x54: {  	_ =	swait.ge [sflag:s0], $0x4000  }
0x55: {  	[sflag:s0] =	ssyncset.done $0x0  }
0x56: {  	[sflag:s0] =	ssyncadd.s32 $0xFFFFC000  }
0x57: {  	_ =	swait.ge [sflag:s3], $0x100  }
0x58: {  	[sflag:s3] =	ssyncset.done $0x0  }
0x59: {  	[sflag:s3] =	ssyncadd.s32 $0xFFFFFF00  }
0x5a: {  	[tilespmem:s24], [sflag:$0x6] =	stream.indirect.gather [hbm4b:s1+s21], $0x80, s26, s21, $0xb8;
	[tilespmem:$0x1C400] =	vst v63  }
0x5b: {  	_ =	swait.ge [sflag:s25], $0x4000  }
0x5c: {  	[sflag:s25] =	ssyncset.done $0x0  }
0x5d: {  	p1 =	sne.s32 s5, $0x980;
	[sflag:s25] =	ssyncadd.s32 $0xFFFFC000  }
0x5e: {  	[spmem:s2] =	stream.indirect.scatter.add.f32 [tilespmem:s22], [sflag:$0x7], $0x80, s6, s21, $0xb8;
	[tilespmem:$0x1C400] =	vst v63  }
0x5f: {  	s20 =	simm.s32 @p1 $0x100;
	s10 =	sadd.s32 @p1 s5, s13;
	s11 =	simm.s32 @p1 $0x0  }
0x60: {  	[tilespmem:s20], [sflag:$0x2] =	stream.linear.gather @p1 [hbm4b:s10+s11], $0x100, $0x38;
	[tilespmem:$0x1C400] =	vst v63  }
0x61: {  	s10 =	simm.s32 @p1 $0x7  }
0x62: {  	_ =	swait.ge @p1 [sflag:s10], $0x4000  }
0x63: {  	[sflag:s10] =	ssyncset.done @p1 $0x0  }
0x64: {  	[sflag:s10] =	ssyncadd.s32 @p1 $0xFFFFC000;
	s10 =	simm.s32 @p1 $0x1  }
0x65: {  	_ =	swait.ge @p1 [sflag:s10], $0x100  }
0x66: {  	[sflag:s10] =	ssyncset.done @p1 $0x0  }
0x67: {  	s20 =	simm.s32 @p1 $0x400;
	[sflag:s10] =	ssyncadd.s32 @p1 $0xFFFFFF00;
	s10 =	simm.s32 @p1 $0x80  }
0x68: {  	[tilespmem:s20], [sflag:$0x5] =	stream.indirect.gather @p1 [hbm4b:s1+s10], $0x80, s11, s10, $0xb8;
	[tilespmem:$0x1C400] =	vst v63  }
0x69: {  	s10 =	simm.s32 @!p1 $0x7  }
0x6a: {  	_ =	swait.ge @!p1 [sflag:s10], $0x4000  }
0x6b: {  	[sflag:s10] =	ssyncset.done @!p1 $0x0  }
.Ltmp2:
0x6c: {  	[sflag:s10] =	ssyncadd.s32 @!p1 $0xFFFFC000;
	(pc) =	sbr.rel @p0 .LBB2_4-.Ltmp2, $4  }
0x6d: {  	_ =	swait.ge [sflag:s30], $0x4000  }
0x6e: {  	[sflag:s30] =	ssyncset.done $0x0  }
0x6f: {  	[sflag:s30] =	ssyncadd.s32 $0xFFFFC000  }
0x70: {  	[spmem:s2] =	stream.indirect.scatter.add.f32 [tilespmem:s24], [sflag:$0x8], $0x80, s7, s21, $0xb8;
	[tilespmem:$0x1C400] =	vst v63  }
.Ltmp3:
0x71: {  	(pc) =	sbr.rel .LBB2_2-.Ltmp3, $3  }
0x72: {  	_ =	sdelay $0x1  }
0x73: {  	s10 =	sadd.s32 s5, s12;
	s5 =	sadd.s32 $0x80, s5  }
0x74: {  	[tilespmem:s17], [sflag:$0x3] =	stream.linear.gather [hbm4b:s10+s4], $0x100, $0x38;
	[tilespmem:$0x1C400] =	vst v63  }
.LBB2_5:
0x75: {  	_ =	sfence.sel $0x180000  }
0x76: {  	[bflag:$0x0] =	sbarrier.arrive $0xFFFF  }
0x77: {  	_ =	strace $0x9000004D  }
0x78: {  	s0 =	stileid.u32;
	[bflag:$0x2] =	sbarrier.arrive $0xFFFF  }
0x79: {  	p0 =	sne.s32 s0, $0x0;
	s0 =	rddreg [dreg:$0x3]  }
0x7a: {  	s0 =	sadd.s32 @!p0 $0x100000, s0  }
0x7b: {  	[sflag:s0] =	ssyncadd.tile.s32 @!p0 $0x1;
	_ =	shalt  }
.Lfunc_end2:
_tile_overlayer_lowered:
.L_overlay_start_2:
0x7c: {  	(tag) =	ssettag $0x2  }
0x7d: {  	s0 =	rddreg [dreg:$0x0];
	s2 =	stileid.u32  }
0x7e: {  	s1 =	rddreg [dreg:$0x1];
	p0 =	sne.s32 s2, $0x0  }
0x7f: {  	s3 =	rddreg [dreg:$0x2];
	[bflag:$0x3] =	sbarrier.arrive $0xFFFF;
	s2 =	simm.s32 @!p0 $0x1C09  }
0x80: {  	[timem:s3], [sflag:s2] =	dma.local @!p0 [hbm:s0], s1  }
0x81: {  	s0 =	simm.s32 @!p0 $0x9  }
0x82: {  	_ =	swait.ge @!p0 [sflag:s0], s1  }
0x83: {  	s1 =	ssub.s32 @!p0 $0x0, s1;
	[sflag:s0] =	ssyncset.done @!p0 $0x0  }
0x84: {  	[sflag:s0] =	ssyncadd.s32 @!p0 s1  }
0x85: {  	[bflag:$0x3] =	sbarrier.arrive $0xFFFF  }
0x86: {  	_ =	shalt  }

// kernel: kernel.8.cloned.1.call-start
scs
__scs_entry_jumppad:
0x0: {  	(pc) =	sbr.rel $0x88, $3  }
0x1: {  	(tag) =	ssettag $0x0;
	lr =	simm.s32 $0x1  }
0x2: {  	[smem:$0x3F9A] =	sst lr;
	_ =	strace $0xD0000000  }
0x3: {  	_ = 	snop  }
0x4: {  	_ = 	snop  }
0x5: {  	_ = 	snop  }
0x6: {  	_ = 	snop  }
0x7: {  	_ = 	snop  }
__scs_overlays_trampoline_lowered:
0x8: {  	[smem:$0x3FA9] =	sst s0  }
0x9: {  	[smem:$0x3FAA] =	sst s1  }
0xa: {  	[smem:$0x3FAB] =	sst s2  }
0xb: {  	[smem:$0x3FAC] =	sst s3  }
0xc: {  	[smem:$0x3FAD] =	sst s4  }
0xd: {  	[smem:$0x3FAE] =	sst s5  }
0xe: {  	[smem:$0x3FAF] =	sst s6  }
0xf: {  	[smem:$0x3FB0] =	sst s7  }
0x10: {  	[smem:$0x3FB1] =	sst s8  }
0x11: {  	[smem:$0x3FB2] =	sst s9;
	s0 =	simm.s32 @!p0 $0x0  }
0x12: {  	s1 =	sld [smem:$0x3F98];
	s0 =	simm.s32 @p0 $0x1  }
0x13: {  	[smem:$0x3FB3] =	sst s0;
	s0 =	simm.s32 @!p1 $0x0  }
0x14: {  	s2 =	sld [smem:$0x3F97];
	s0 =	simm.s32 @p1 $0x1  }
0x15: {  	[smem:$0x3FB4] =	sst s0;
	s0 =	simm.s32 @!p2 $0x0  }
0x16: {  	s3 =	sld [smem:$0x3FDB];
	s0 =	simm.s32 @p2 $0x1  }
0x17: {  	s4 =	simm.s32 $0x1BF5;
	[smem:$0x3FB6] =	sst s0  }
0x18: {  	s0 =	sld [smem:$0x3F99];
	_ =	swait.ge [sflag:s4], $0x0  }
0x19: {  	s7 =	sld [smem:$0x3F9A]  }
0x1a: {  	s8 =	sadd.s32 $0xFFFFE003, lr  }
0x1b: {  	s9 =	sadd.s32 $0xFFFFFEF7, lr;
	s5 =	simm.s32 $0xFFFFFFFF;
	p2 =	slt.u32 s8, $0xFFFFF086  }
0x1c: {  	p1 =	slt.u32 s9, $0xF7A;
	s5 =	simm.s32 @!p2 $0x0  }
0x1d: {  	s5 =	simm.s32 @p1 $0x1;
	p0 =	seq.s32 s7, s2  }
0x1e: {  	s7 =	smul.u32 @!p0 $0xF7A, s2;
	p2 =	seq.s32 @!p0 s5, $0x0  }
0x1f: {  	s9 =	smul.u32 $0xF7A, s1;
	s8 =	simm.s32 @!p0 $0x1BF5;
	p2 =	por !p2, p0  }
0x20: {  	[sflag:s8] =	ssyncset.s32 @!p0 $0xFFFFF086;
	s6 =	sadd.s32 @!p0 s3, s7;
	s7 =	simm.s32 @!p0 $0x108  }
0x21: {  	s3 =	sadd.s32 s3, s9;
	s6 =	sadd.s32 @!p0 $0x88, s6;
	s7 =	simm.s32 @p2 $0x1082  }
0x22: {  	[simem:s7], [sflag:s8] =	dma.local @!p0 [hbm:s6], $0xF7A  }
0x23: {  	s9 =	sor.u32 $0xD0000000, s2;
	s6 =	simm.s32 $0x108;
	_ =	swait.ge @!p0 [sflag:s8], $0x0  }
0x24: {  	s3 =	sadd.s32 $0x88, s3;
	s6 =	simm.s32 @!p1 $0x1082;
	[sflag:s4] =	ssyncset.s32 $0xFFFFF086  }
0x25: {  	[simem:s6], [sflag:s4] =	dma.local [hbm:s3], $0xF7A  }
0x26: {  	[smem:$0x3F9A] =	sst s1;
	(tag) =	ssettag s2;
	_ =	strace s9  }
0x27: {  	s1 =	sld [smem:$0x3FAA]  }
0x28: {  	s2 =	sld [smem:$0x3FAB]  }
0x29: {  	s4 =	sld [smem:$0x3FAD]  }
0x2a: {  	p0 =	seq.s32 s5, $0x0;
	s5 =	sld [smem:$0x3FAE]  }
0x2b: {  	s6 =	sld [smem:$0x3FAF]  }
0x2c: {  	s7 =	sld [smem:$0x3FB0]  }
0x2d: {  	s3 =	simm.s32 $0x108;
	s8 =	sld [smem:$0x3FB1]  }
0x2e: {  	s3 =	simm.s32 @!p0 $0x1082;
	s9 =	sld [smem:$0x3FB2]  }
0x2f: {  	lr =	sadd.s32 s0, s3;
	s0 =	sld [smem:$0x3FA9]  }
0x30: {  	s3 =	sld [smem:$0x3FAC]  }
0x31: {  	[smem:$0x3FB5] =	sst s10  }
0x32: {  	s10 =	sld [smem:$0x3FB3];
	_ =	sdelay $0x3  }
0x33: {  	p0 =	seq.s32 s10, $0x1;
	s10 =	sld [smem:$0x3FB5];
	_ =	sdelay $0x3  }
0x34: {  	[smem:$0x3FB5] =	sst s10  }
0x35: {  	s10 =	sld [smem:$0x3FB4];
	_ =	sdelay $0x3  }
0x36: {  	p1 =	seq.s32 s10, $0x1;
	s10 =	sld [smem:$0x3FB5];
	_ =	sdelay $0x3  }
0x37: {  	[smem:$0x3FB5] =	sst s10  }
0x38: {  	s10 =	sld [smem:$0x3FB6]  }
0x39: {  	_ = 	snop;
	(pc) =	sbr.ind lr, $3  }
0x3a: {  	_ = 	snop  }
0x3b: {  	_ = 	snop  }
0x3c: {  	p2 =	seq.s32 s10, $0x1;
	s10 =	sld [smem:$0x3FB5]  }
0x3d: {  	_ =	shalt  }
0x3e: {  	_ =	shalt  }
0x3f: {  	_ =	shalt  }
0x40: {  	_ =	shalt  }
0x41: {  	_ =	shalt  }
0x42: {  	_ =	shalt  }
0x43: {  	_ =	shalt  }
0x44: {  	_ =	shalt  }
0x45: {  	_ =	shalt  }
0x46: {  	_ =	shalt  }
0x47: {  	_ =	shalt  }
0x48: {  	_ =	shalt  }
0x49: {  	_ =	shalt  }
0x4a: {  	_ =	shalt  }
0x4b: {  	_ =	shalt  }
0x4c: {  	_ =	shalt  }
0x4d: {  	_ =	shalt  }
0x4e: {  	_ =	shalt  }
0x4f: {  	_ =	shalt  }
0x50: {  	_ =	shalt  }
0x51: {  	_ =	shalt  }
0x52: {  	_ =	shalt  }
0x53: {  	_ =	shalt  }
0x54: {  	_ =	shalt  }
0x55: {  	_ =	shalt  }
0x56: {  	_ =	shalt  }
0x57: {  	_ =	shalt  }
0x58: {  	_ =	shalt  }
0x59: {  	_ =	shalt  }
0x5a: {  	_ =	shalt  }
0x5b: {  	_ =	shalt  }
0x5c: {  	_ =	shalt  }
0x5d: {  	_ =	shalt  }
0x5e: {  	_ =	shalt  }
0x5f: {  	_ =	shalt  }
0x60: {  	_ =	shalt  }
0x61: {  	_ =	shalt  }
0x62: {  	_ =	shalt  }
0x63: {  	_ =	shalt  }
0x64: {  	_ =	shalt  }
0x65: {  	_ =	shalt  }
0x66: {  	_ =	shalt  }
0x67: {  	_ =	shalt  }
0x68: {  	_ =	shalt  }
0x69: {  	_ =	shalt  }
0x6a: {  	_ =	shalt  }
0x6b: {  	_ =	shalt  }
0x6c: {  	_ =	shalt  }
0x6d: {  	_ =	shalt  }
0x6e: {  	_ =	shalt  }
0x6f: {  	_ =	shalt  }
0x70: {  	_ =	shalt  }
0x71: {  	_ =	shalt  }
0x72: {  	_ =	shalt  }
0x73: {  	_ =	shalt  }
0x74: {  	_ =	shalt  }
0x75: {  	_ =	shalt  }
0x76: {  	_ =	shalt  }
0x77: {  	_ =	shalt  }
0x78: {  	_ =	shalt  }
0x79: {  	_ =	shalt  }
0x7a: {  	_ =	shalt  }
0x7b: {  	_ =	shalt  }
0x7c: {  	_ =	shalt  }
0x7d: {  	_ =	shalt  }
0x7e: {  	_ =	shalt  }
0x7f: {  	_ =	shalt  }
0x80: {  	_ =	shalt  }
0x81: {  	_ =	shalt  }
0x82: {  	_ =	shalt  }
0x83: {  	_ =	shalt  }
0x84: {  	_ =	shalt  }
0x85: {  	_ =	shalt  }
0x86: {  	_ =	shalt  }
0x87: {  	_ =	shalt  }
.Lfunc_end0:
.L_simem_size_0:
called_computation_lowered:
.L_overlay_start_0:
0x88: {  	s2 =	sld [smem:$0x3FD9]  }
0x89: {  	s3 =	sld [smem:$0x3FFE];
	_ =	sdelay $0x1  }
0x8a: {  	s1 =	srdreg.scid  }
0x8b: {  	s0 =	sand.u32 $0x1, s1  }
0x8c: {  	s17 =	sshll.u32 s0, $0xA;
	s2 =	sadd.s32 s3, s2  }
0x8d: {  	s2 =	sadd.s32 s2, s17  }
0x8e: {  	[smem:$0x3FC1] =	sst s2  }
0x8f: {  	_ = 	snop  }
0x90: {  	s2 =	sld [smem:$0x3FD0];
	(tm) =	ssettm $0x1  }
0x91: {  	s18 =	sld [smem:$0x3FFB];
	_ =	sdelay $0x3  }
0x92: {  	_ =	strace s18  }
0x93: {  	s3 =	sld [smem:$0x3FFC];
	_ =	sdelay $0x3  }
0x94: {  	_ =	strace s3  }
0x95: {  	s3 =	sld [smem:$0x3FFD];
	_ =	sdelay $0x3  }
0x96: {  	_ =	strace s3  }
0x97: {  	_ =	strace $0x8FFFFFFF  }
0x98: {  	s19 =	sld [smem:$0x3FDB];
	_ =	sdelay $0x1  }
0x99: {  	s4 =	simm.s32 $_scs_section_size  }
0x9a: {  	s5 =	simm.s32 $_size__tile_overlayer_lowered;
	s6 =	simm.s32 $_tile_overlayer_lowered  }
0x9b: {  	s22 =	simm.s32 $0x1BFF;
	s21 =	sshll.u32 s6, $0x1;
	s3 =	sadd.s32 s4, s19  }
0x9c: {  	s7 =	simm.s32 $0x0;
	s20 =	sshll.u32 s5, $0x1;
	s5 =	sadd.s32 s21, s3  }
0x9d: {  	[timem:s7], [sflag:s22] =	dma.local [hbm:s5], s20  }
0x9e: {  	_ =	swait.ge [sflag:s22], s20  }
0x9f: {  	s4 =	ssub.s32 $0x0, s20;
	[sflag:s22] =	ssyncset.done $0x0  }
0xa0: {  	[sflag:s22] =	ssyncadd.s32 s4;
	_ =	sdelay $0x1  }
0xa1: {  	s23 =	simm.s32 $0x1B8B  }
0xa2: {  	_ =	swait.ge [sflag:s23], $0x1  }
0xa3: {  	[sflag:s23] =	ssyncset.done $0x0  }
0xa4: {  	s25 =	simm.s32 $0x1B8E;
	s24 =	sld [smem:$0x3FFE];
	[sflag:s23] =	ssyncadd.s32 $0xFFFFFFFF  }
0xa5: {  	s26 =	simm.s32 $execute0_lowered;
	[smem:$0x3FD2] =	sst s25  }
0xa6: {  	s5 =	sshll.u32 s26, $0x1;
	_ =	strace $0x80000046;
	[dreg:$0x1] =	wrdreg $0xFFFFFFFF  }
0xa7: {  	s28 =	simm.s32 $_size_execute0_lowered;
	s3 =	sadd.s32 s3, s5;
	[dreg:$0x0] =	wrdreg $0x0  }
0xa8: {  	s5 =	sshll.u32 s28, $0x1;
	[dreg:$0x2] =	wrdreg s3  }
0xa9: {  	[dreg:$0x3] =	wrdreg s5  }
0xaa: {  	[dreg:$0x4] =	wrdreg $0xC0  }
0xab: {  	_ =	task [dreg:s7], $0x5FFFF  }
0xac: {  	[dreg:$0x1] =	wrdreg $0xFFFFFFFF  }
0xad: {  	[dreg:$0x0] =	wrdreg $0x60  }
0xae: {  	[dreg:$0x2] =	wrdreg s2  }
0xaf: {  	[dreg:$0x3] =	wrdreg s24  }
0xb0: {  	[dreg:$0x4] =	wrdreg $0x17000  }
0xb1: {  	[dreg:$0x5] =	wrdreg $0x9  }
0xb2: {  	_ =	task.clear_ibuf [dreg:s7], $0x6FFFF;
	_ =	strace $0x90000046  }
0xb3: {  	s29 =	simm.s32 $0x9;
	_ =	strace $0x80000048  }
0xb4: {  	_ =	swait.ge [sflag:s29], $0x1  }
0xb5: {  	[sflag:s29] =	ssyncadd.s32 $0xFFFFFFFF  }
0xb6: {  	_ =	strace $0x90000048  }
0xb7: {  	_ =	sfence  }
0xb8: {  	s30 =	sld [smem:$0x0];
	_ =	sdelay $0x2  }
0xb9: {  	s31 =	sshll.u32 s1, $0xD;
	s1 =	sshrl.u32 s1, $0x2  }
0xba: {  	s3 =	sand.u32 $0x4000, s31;
	s1 =	sadd.s32 s1, s30  }
0xbb: {  	s0 =	sor.u32 s3, s0;
	s1 =	sshll.u32 s1, $0x11  }
0xbc: {  	s0 =	sor.u32 s1, s0  }
0xbd: {  	s0 =	sadd.s32 $0x8F2B, s0  }
0xbe: {  	[sflag:s0] =	ssyncadd.remote.s32 $0x1  }
0xbf: {  	_ =	sfence.sel $0xFFFF  }
0xc0: {  	[dreg:$0x0] =	wrdreg $0xFFFFFFFF;
	(pc) =	sbr.abs _section_cstart, $3  }
0xc1: {  	[dreg:$0x1] =	wrdreg $0xFFFFFFFF  }
0xc2: {  	_ =	task.clear_ibuf [dreg:s7], $0x2FFFF;
	_ =	strace $0x9FFFFFFF  }
0xc3: {  	(tm) =	ssettm $0x7FFFFFFF  }
tec
execute0_lowered:
.L_overlay_start_1:
0x0: {  	(tag) =	ssettag $0x1  }
0x1: {  	s4 =	rddreg [dreg:$0x0]  }
0x2: {  	s5 =	rddreg [dreg:$0x1]  }
0x3: {  	s2 =	rddreg [dreg:$0x2]  }
0x4: {  	s0 =	rddreg [dreg:$0x3]  }
0x5: {  	s3 =	simm.s32 $0x0;
	s6 =	srdreg.scid;
	s1 =	stileid.u32  }
0x6: {  	s11 =	simm.s32 $0x1400;
	s14 =	simm.s32 $0x20;
	s15 =	simm.s32 $0x10  }
0x7: {  	s16 =	simm.s32 $0x0;
	[smem:$0x7FF] =	sst s3;
	s7 =	smul.u32 $0x500, s1  }
0x8: {  	s6 =	sand.u32 $0x1, s6;
	s30 =	smul.u32 $0xA00, s1;
	s12 =	sshll.u32 s1, $0x6  }
0x9: {  	_ =	strace $0x80000047;
	s8 =	sshll.u32 s6, $0x7;
	s9 =	sshll.u32 s6, $0x4  }
0xa: {  	s6 =	ssub.s32 $0x2, s6;
	s12 =	sor.u32 $0x1C01, s12;
	s7 =	sor.u32 s8, s7  }
0xb: {  	s29 =	sor.u32 s1, s9;
	s31 =	sshrl.u32 s6, $0x1;
	s9 =	sshrl.u32 s30, $0x2  }
0xc: {  	s7 =	sshrl.u32 s7, $0x3;
	s8 =	smul.u32 $0x280, s29;
	s10 =	ssub.s32 s6, s31  }
0xd: {  	s7 =	sadd.s32 s7, s5;
	s5 =	sadd.s32 s9, s2;
	s9 =	simm.s32 $0x1480  }
0xe: {  	s4 =	sadd.s32 s4, s8;
	s6 =	sadd.s32 $0x2600, s7;
	s7 =	smax.u32 s10, $0x1  }
0xf: {  	v0 =	vimm.f32 $1.000000000e+00;
	v1 =	vimm.f32 $0.0e+00;
	s8 =	simm.s32 $0x1;
	s10 =	simm.s32 $0x80;
	s13 =	sshrl.u32 s5, $0x3  }
.LBB2_1:
0x10: {  	[tilespmem:s3], [sflag:$0x1] =	stream.linear.gather [hbm4b:s4+s3], $0x1400, $0x38;
	[tilespmem:$0x1980] =	vst v63  }
0x11: {  	_ =	swait.ge [sflag:s8], $0x1400  }
0x12: {  	[sflag:s8] =	ssyncset.done $0x0  }
0x13: {  	[sflag:s8] =	ssyncadd.s32 $0xFFFFEC00  }
0x14: {  	[tilespmem:$0x1400] =	vst v0  }
0x15: {  	[tilespmem:$0x1410] =	vst v0  }
0x16: {  	[tilespmem:$0x1420] =	vst v0  }
0x17: {  	[tilespmem:$0x1430] =	vst v0  }
0x18: {  	[tilespmem:$0x1440] =	vst v0  }
0x19: {  	[tilespmem:$0x1450] =	vst v0  }
0x1a: {  	[tilespmem:$0x1460] =	vst v0  }
0x1b: {  	[tilespmem:$0x1470] =	vst v0  }
0x1c: {  	[tilespmem:$0x1480] =	vst v1  }
0x1d: {  	[tilespmem:$0x1490] =	vst v1  }
0x1e: {  	[tilespmem:$0x14A0] =	vst v1  }
0x1f: {  	[tilespmem:$0x14B0] =	vst v1  }
0x20: {  	[tilespmem:$0x14C0] =	vst v1  }
0x21: {  	[tilespmem:$0x14D0] =	vst v1  }
0x22: {  	[tilespmem:$0x14E0] =	vst v1  }
0x23: {  	[tilespmem:$0x14F0] =	vst v1  }
0x24: {  	[tilespmem:$0x1500] =	vst v1  }
0x25: {  	[tilespmem:$0x1510] =	vst v1  }
0x26: {  	[tilespmem:$0x1520] =	vst v1  }
0x27: {  	[tilespmem:$0x1530] =	vst v1  }
0x28: {  	[tilespmem:$0x1540] =	vst v1  }
0x29: {  	[tilespmem:$0x1550] =	vst v1  }
0x2a: {  	[tilespmem:$0x1560] =	vst v1  }
0x2b: {  	[tilespmem:$0x1570] =	vst v1  }
0x2c: {  	[tilespmem:$0x1580] =	vst v1  }
0x2d: {  	[tilespmem:$0x1590] =	vst v1  }
0x2e: {  	[tilespmem:$0x15A0] =	vst v1  }
0x2f: {  	[tilespmem:$0x15B0] =	vst v1  }
0x30: {  	[tilespmem:$0x15C0] =	vst v1  }
0x31: {  	[tilespmem:$0x15D0] =	vst v1  }
0x32: {  	[tilespmem:$0x15E0] =	vst v1  }
0x33: {  	[tilespmem:$0x15F0] =	vst v1  }
0x34: {  	[tilespmem:$0x1600] =	vst v1  }
0x35: {  	[tilespmem:$0x1610] =	vst v1  }
0x36: {  	[tilespmem:$0x1620] =	vst v1  }
0x37: {  	[tilespmem:$0x1630] =	vst v1  }
0x38: {  	[tilespmem:$0x1640] =	vst v1  }
0x39: {  	[tilespmem:$0x1650] =	vst v1  }
0x3a: {  	[tilespmem:$0x1660] =	vst v1  }
0x3b: {  	[tilespmem:$0x1670] =	vst v1  }
0x3c: {  	[tilespmem:$0x1680] =	vst v1  }
0x3d: {  	[tilespmem:$0x1690] =	vst v1  }
0x3e: {  	[tilespmem:$0x16A0] =	vst v1  }
0x3f: {  	[tilespmem:$0x16B0] =	vst v1  }
0x40: {  	[tilespmem:$0x16C0] =	vst v1  }
0x41: {  	[tilespmem:$0x16D0] =	vst v1  }
0x42: {  	[tilespmem:$0x16E0] =	vst v1  }
0x43: {  	[tilespmem:$0x16F0] =	vst v1  }
0x44: {  	[spmem:s5] =	stream.linear.scatter [tilespmem:s9], [sflag:$0x1], $0x280, $0x38;
	[tilespmem:$0x1980] =	vst v63  }
0x45: {  	_ =	swait.ge [sflag:s8], $0x280  }
0x46: {  	[sflag:s8] =	ssyncset.done $0x0  }
0x47: {  	[sflag:s8] =	ssyncadd.s32 $0xFFFFFD80  }
0x48: {  	s17 =	simm.s32 $0x0;
	[bflag:$0x0] =	sbarrier.arrive $0xFFFF  }
0x49: {  	[spmem:s2] =	stream.indirect.scatter.add.f32 [tilespmem:s11], [sflag:$0x1], $0x1, s17, s10, $0xb8;
	[tilespmem:$0x1980] =	vst v63  }
0x4a: {  	_ =	swait.ge [sflag:s8], $0x80  }
0x4b: {  	s17 =	simm.s32 $0x200;
	[sflag:s8] =	ssyncset.done $0x0  }
.LBB2_2:
0x4c: {  	s18 =	sshra.s32 s17, $0x2;
	[sflag:s8] =	ssyncadd.s32 $0xFFFFFF80;
	p0 =	sne.s32 s17, $0x4E00  }
0x4d: {  	[spmem:s2] =	stream.indirect.scatter.add.f32 [tilespmem:s11], [sflag:$0x1], $0x1, s18, s10, $0xb8;
	[tilespmem:$0x1980] =	vst v63  }
.Ltmp0:
0x4e: {  	_ = 	snop;
	(pc) =	sbr.rel @p0 .LBB2_2-.Ltmp0, $4  }
0x4f: {  	_ = 	snop  }
0x50: {  	s17 =	sadd.s32 $0x200, s17  }
0x51: {  	_ =	swait.ge [sflag:s8], $0x80  }
0x52: {  	[sflag:s8] =	ssyncset.done $0x0  }
0x53: {  	s16 =	sadd.s32 $0x1, s16  }
0x54: {  	[sflag:s8] =	ssyncadd.s32 $0xFFFFFF80;
	p0 =	sne.s32 s16, s7  }
.Ltmp1:
0x55: {  	[bflag:$0x0] =	sbarrier.arrive $0xFFFF;
	(pc) =	sbr.rel @p0 .LBB2_1-.Ltmp1, $4  }
0x56: {  	[hbm:s6@s14], [sflag:s12] =	dma.strided [spmem:s13@s15], $0x50, s8, $0x10   }
0x57: {  	_ =	swait.ge [sflag:s8], $0x50  }
0x58: {  	[sflag:s8] =	ssyncset.done $0x0  }
0x59: {  	[sflag:s8] =	ssyncadd.s32 $0xFFFFFFB0  }
0x5a: {  	_ =	sfence.sel $0x180000  }
0x5b: {  	[bflag:$0x0] =	sbarrier.arrive $0xFFFF  }
0x5c: {  	p0 =	sne.s32 s1, $0x0;
	_ =	strace $0x90000047  }
0x5d: {  	s0 =	sadd.s32 @!p0 $0x100000, s0;
	[bflag:$0x2] =	sbarrier.arrive $0xFFFF  }
0x5e: {  	[sflag:s0] =	ssyncadd.tile.s32 @!p0 $0x1;
	_ =	shalt  }
.Lfunc_end2:
_tile_overlayer_lowered:
.L_overlay_start_2:
0x5f: {  	(tag) =	ssettag $0x2  }
0x60: {  	s0 =	rddreg [dreg:$0x0];
	s2 =	stileid.u32  }
0x61: {  	s1 =	rddreg [dreg:$0x1];
	p0 =	sne.s32 s2, $0x0  }
0x62: {  	s3 =	rddreg [dreg:$0x2];
	[bflag:$0x3] =	sbarrier.arrive $0xFFFF;
	s2 =	simm.s32 @!p0 $0x1C01  }
0x63: {  	[timem:s3], [sflag:s2] =	dma.local @!p0 [hbm:s0], s1  }
0x64: {  	s0 =	simm.s32 @!p0 $0x1  }
0x65: {  	_ =	swait.ge @!p0 [sflag:s0], s1  }
0x66: {  	s1 =	ssub.s32 @!p0 $0x0, s1;
	[sflag:s0] =	ssyncset.done @!p0 $0x0  }
0x67: {  	[sflag:s0] =	ssyncadd.s32 @!p0 s1  }
0x68: {  	[bflag:$0x3] =	sbarrier.arrive $0xFFFF  }
0x69: {  	_ =	shalt  }

</sc_bundles>
